<compile_context>
chip_gen: v7x
topology: tpu7x:2x2x1
jax: 0.10.2.dev20260603
libtpu: 0.0.44.dev20260713+nightly
codegen_flags: <defaults>
</compile_context>

<pallas_src>
import functools

import jax
import jax.numpy as jnp
from jax import lax
from jax.experimental import pallas as pl
from jax.experimental.pallas import tpu as pltpu
from jax.experimental.pallas import tpu_sc as plsc

N = 10000
E = 320000
D = 128
DE = 16

CHUNK = 128
NCHUNK = E // CHUNK
NCHUNK_PAD = 2512
NTILE = 16
NPAD = 10240
ROWS_PER_TILE = NPAD // NTILE

RING = 16
NWIN = 10
EQ = 32
DEG_WIN = 79

_MESH = plsc.VectorSubcoreMesh(core_axis_name="c", subcore_axis_name="s")


@functools.partial(
    pl.kernel,
    out_type=jax.ShapeDtypeStruct((2, NPAD, D), jnp.float32),
    mesh=_MESH,
    scratch_types=[
        pltpu.VMEM((CHUNK, D), jnp.float32),
        pltpu.VMEM((DEG_WIN, 1, CHUNK), jnp.int32),
        pltpu.VMEM((CHUNK, D), jnp.float32),
        pltpu.VMEM_SHARED((NPAD, D), jnp.float32),
        pltpu.SemaphoreType.DMA,
    ],
)
def _sc_degree(dst_hbm, out_hbm, zb_v, idx_v, ones_v, acc_sh, dsem):
    c = lax.axis_index("c")
    s = lax.axis_index("s")

    @pl.loop(0, CHUNK)
    def _(r):
        for k in range(D // 16):
            zb_v[r, pl.ds(16 * k, 16)] = jnp.zeros((16,), jnp.float32)
            ones_v[r, pl.ds(16 * k, 16)] = jnp.ones((16,), jnp.float32)

    start = c * (NCHUNK // 2) + s * 78 + jnp.minimum(s, 2)
    cnt = jnp.where(s < 2, 79, 78)
    pltpu.sync_copy(dst_hbm.at[pl.ds(start, DEG_WIN)], idx_v)

    for q in range(5):
        pltpu.sync_copy(
            zb_v, acc_sh.at[pl.ds(s * ROWS_PER_TILE + q * CHUNK, CHUNK)])
    plsc.subcore_barrier()

    @pl.loop(0, DEG_WIN)
    def _(i):
        @pl.when(i < cnt)
        def _():
            pltpu.make_async_copy(
                ones_v, acc_sh.at[idx_v.at[i].at[0]], dsem).start(add=True)

    @pl.loop(0, DEG_WIN)
    def _(i):
        @pl.when(i < cnt)
        def _():
            pltpu.make_async_copy(
                ones_v, acc_sh.at[idx_v.at[i].at[0]], dsem).wait()

    plsc.subcore_barrier()
    for q in range(5):
        pltpu.sync_copy(
            acc_sh.at[pl.ds(s * ROWS_PER_TILE + q * CHUNK, CHUNK)],
            out_hbm.at[c].at[pl.ds(s * ROWS_PER_TILE + q * CHUNK, CHUNK)],
        )


@functools.partial(
    pl.kernel,
    out_type=jax.ShapeDtypeStruct((2, NPAD, D), jnp.float32),
    mesh=_MESH,
    scratch_types=[
        pltpu.VMEM((RING, 1, CHUNK), jnp.int32),
        pltpu.VMEM((RING, 1, CHUNK), jnp.int32),
        pltpu.VMEM((CHUNK, D), jnp.float32),
        pltpu.VMEM((CHUNK, D), jnp.float32),
        pltpu.VMEM_SHARED((NPAD, D), jnp.float32),
        pltpu.SemaphoreType.DMA,
        pltpu.SemaphoreType.DMA,
        pltpu.SemaphoreType.DMA,
        pltpu.SemaphoreType.DMA,
    ],
)
def _sc_main(xw2_hbm, h_hbm, e_hbm, src_hbm, dst_hbm, out_hbm,
             srcv, dstv, rows0, rows1, acc_sh,
             semg0, semg1, seme0, seme1):
    c = lax.axis_index("c")
    s = lax.axis_index("s")
    rows = (rows0, rows1)
    semg = (semg0, semg1)
    seme = (seme0, seme1)

    start = s * 156 + jnp.minimum(s, 4)
    cnt = jnp.where(s < 4, 157, 156)

    @pl.loop(0, CHUNK)
    def _(r):
        for k in range(D // 16):
            rows0[r, pl.ds(16 * k, 16)] = jnp.zeros((16,), jnp.float32)

    for q in range(5):
        pltpu.sync_copy(
            rows0, acc_sh.at[pl.ds(s * ROWS_PER_TILE + q * CHUNK, CHUNK)])
    plsc.subcore_barrier()

    def gcn_window(w):
        pltpu.sync_copy(src_hbm.at[pl.ds(start + w * RING, RING)], srcv)
        pltpu.sync_copy(dst_hbm.at[pl.ds(start + w * RING, RING)], dstv)

        for par in (0, 1):
            i = w * RING + par

            @pl.when(i < cnt)
            def _():
                pltpu.make_async_copy(
                    xw2_hbm.at[srcv.at[par].at[0]], rows[par],
                    semg[par]).start()

        @pl.loop(0, RING // 2)
        def _(t):
            for par in (0, 1):
                r = 2 * t + par
                i = w * RING + r

                @pl.when(i < cnt)
                def _():
                    pltpu.make_async_copy(
                        xw2_hbm.at[srcv.at[r].at[0]], rows[par],
                        semg[par]).wait()
                    pltpu.sync_copy(
                        rows[par], acc_sh.at[dstv.at[r].at[0]], add=True)

                    @pl.when((r + 2 < RING) & (i + 2 < cnt))
                    def _():
                        pltpu.make_async_copy(
                            xw2_hbm.at[srcv.at[r + 2].at[0]], rows[par],
                            semg[par]).start()

    def gine_window(w):
        pltpu.sync_copy(src_hbm.at[pl.ds(start + w * RING, RING)], srcv)
        pltpu.sync_copy(dst_hbm.at[pl.ds(start + w * RING, RING)], dstv)

        @pl.when(w * RING < cnt)
        def _():
            pltpu.make_async_copy(
                e_hbm.at[pl.ds((start + w * RING) * CHUNK, CHUNK)],
                rows[0], seme[0]).wait()
            pltpu.make_async_copy(
                h_hbm.at[srcv.at[0].at[0]], rows[0], semg[0]
            ).start(add=True)

        @pl.loop(0, RING // 2)
        def _(t):
            for par in (0, 1):
                r = 2 * t + par
                i = w * RING + r

                @pl.when(i < cnt)
                def _():
                    pltpu.make_async_copy(
                        h_hbm.at[srcv.at[r].at[0]], rows[par],
                        semg[par]).wait()

                    @pl.when((r + 1 < RING) & (i + 1 < cnt))
                    def _():
                        pltpu.make_async_copy(
                            e_hbm.at[pl.ds((start + i + 1) * CHUNK, CHUNK)],
                            rows[1 - par], seme[1 - par]).wait()
                        pltpu.make_async_copy(
                            h_hbm.at[srcv.at[r + 1].at[0]], rows[1 - par],
                            semg[1 - par]).start(add=True)

                    @pl.loop(0, CHUNK)
                    def _(rr):
                        for k in range(D // 16):
                            a = rows[par][rr, pl.ds(16 * k, 16)]
                            rows[par][rr, pl.ds(16 * k, 16)] = jnp.maximum(
                                a, 0.0)

                    pltpu.sync_copy(
                        rows[par], acc_sh.at[dstv.at[r].at[0]], add=True)

                    @pl.when(i + 2 < cnt)
                    def _():
                        pltpu.make_async_copy(
                            e_hbm.at[pl.ds((start + i + 2) * CHUNK, CHUNK)],
                            rows[par], seme[par]).start()

    @pl.when(c == 0)
    def _():
        @pl.loop(0, NWIN)
        def _(w):
            gcn_window(w)

    @pl.when(c == 1)
    def _():
        for par in (0, 1):
            pltpu.make_async_copy(
                e_hbm.at[pl.ds((start + par) * CHUNK, CHUNK)], rows[par],
                seme[par]).start()

        @pl.loop(0, NWIN)
        def _(w):
            gine_window(w)

    plsc.subcore_barrier()
    for q in range(5):
        pltpu.sync_copy(
            acc_sh.at[pl.ds(s * ROWS_PER_TILE + q * CHUNK, CHUNK)],
            out_hbm.at[c].at[pl.ds(s * ROWS_PER_TILE + q * CHUNK, CHUNK)],
        )


def _softmax_w(alpha_ref):
    al = alpha_ref[...]
    ex = jnp.exp(al - jnp.max(al))
    return ex / jnp.sum(ex)


def _tc_prep_body(h_ref, w_ref, degp_ref, alpha_ref, xw2_ref, dis_ref):
    w = _softmax_w(alpha_ref)
    w0 = w[0:1, 0:1]
    deg = degp_ref[0, :, 0:1] + degp_ref[1, :, 0:1]
    dis = jnp.where(deg > 0, lax.rsqrt(jnp.maximum(deg, 1.0)), 0.0)
    xw = jnp.dot(h_ref[...], w_ref[...], preferred_element_type=jnp.float32,
                 precision=lax.Precision.HIGHEST)
    xw2_ref[...] = xw * (dis * w0)
    dis_ref[...] = dis


def _tc_prep(H, W_gcn, degp, alpha2):
    B = 2000
    return pl.pallas_call(
        _tc_prep_body,
        grid=(N // B,),
        in_specs=[
            pl.BlockSpec((B, D), lambda i: (i, 0)),
            pl.BlockSpec((D, D), lambda i: (0, 0)),
            pl.BlockSpec((2, B, D), lambda i: (0, i, 0)),
            pl.BlockSpec((1, 2), lambda i: (0, 0)),
        ],
        out_specs=[
            pl.BlockSpec((B, D), lambda i: (i, 0)),
            pl.BlockSpec((B, 1), lambda i: (i, 0)),
        ],
        out_shape=[
            jax.ShapeDtypeStruct((N, D), jnp.float32),
            jax.ShapeDtypeStruct((N, 1), jnp.float32),
        ],
    )(H, W_gcn, degp, alpha2)


def _tc_etab_body(ea_ref, we_ref, e_ref):
    e_ref[...] = jnp.dot(ea_ref[...], we_ref[...],
                         preferred_element_type=jnp.float32,
                         precision=lax.Precision.HIGHEST)


def _tc_etab(edge_attr, W_e):
    B = 3200
    return pl.pallas_call(
        _tc_etab_body,
        grid=(E // B,),
        in_specs=[
            pl.BlockSpec((B, DE), lambda i: (i, 0)),
            pl.BlockSpec((DE, D), lambda i: (0, 0)),
        ],
        out_specs=pl.BlockSpec((B, D), lambda i: (i, 0)),
        out_shape=jax.ShapeDtypeStruct((E, D), jnp.float32),
    )(edge_attr, W_e)


def _tc_final_body(h_ref, sc_ref, dis_ref, wg_ref, alpha_ref, eps_ref, o_ref):
    w = _softmax_w(alpha_ref)
    w1 = w[0:1, 1:2]
    h = h_ref[...]
    pre = h * (1.0 + eps_ref[...]) + sc_ref[1]
    gine = jnp.dot(pre, wg_ref[...], preferred_element_type=jnp.float32,
                   precision=lax.Precision.HIGHEST)
    o_ref[...] = dis_ref[...] * sc_ref[0] + gine * w1


def _tc_final(H, scout, dis, W_gine, alpha2, eps2):
    B = 2000
    return pl.pallas_call(
        _tc_final_body,
        grid=(N // B,),
        in_specs=[
            pl.BlockSpec((B, D), lambda i: (i, 0)),
            pl.BlockSpec((2, B, D), lambda i: (0, i, 0)),
            pl.BlockSpec((B, 1), lambda i: (i, 0)),
            pl.BlockSpec((D, D), lambda i: (0, 0)),
            pl.BlockSpec((1, 2), lambda i: (0, 0)),
            pl.BlockSpec((1, 1), lambda i: (0, 0)),
        ],
        out_specs=pl.BlockSpec((B, D), lambda i: (i, 0)),
        out_shape=jax.ShapeDtypeStruct((N, D), jnp.float32),
    )(H, scout, dis, W_gine, alpha2, eps2)


def kernel(H, edge_index, edge_attr, alpha, W_gcn, W_e, W_gine, eps):
    ei_pad = jnp.pad(edge_index, ((0, 0), (0, NCHUNK_PAD * CHUNK - E)))
    src2d = ei_pad[0].reshape(NCHUNK_PAD, 1, CHUNK)
    dst2d = ei_pad[1].reshape(NCHUNK_PAD, 1, CHUNK)
    alpha2 = alpha.reshape(1, 2)
    eps2 = eps.reshape(1, 1)

    degp = _sc_degree(dst2d)
    etab = _tc_etab(edge_attr, W_e)
    xw2, dis = _tc_prep(H, W_gcn, degp, alpha2)
    scout = _sc_main(xw2, H, etab, src2d, dst2d)
    return _tc_final(H, scout, dis, W_gine, alpha2, eps2)

# --- scband reference (transcript-rebuilt; emitter-appended) ---
"""Pipeline reference for scband-darts-layer-choice-68453188764125 (READ-ONLY COPY).

The authoritative reference and input builder live on the scoring server;
editing this copy changes nothing except your own understanding.
"""

import jax, jax.numpy as jnp
import numpy as np

N, E, D, DE = 10000, 320000, 128, 16

def setup_inputs(seed: int = 0) -> dict:
    key = jax.random.key(seed)
    ks = jax.random.split(key, 8)
    x = jax.random.normal(ks[0], (N, D), dtype=jnp.float32)
    edge_index = jax.random.randint(ks[1], (2, E), 0, N, dtype=jnp.int32)
    edge_attr = jax.random.normal(ks[2], (E, DE), dtype=jnp.float32)
    alpha = jax.random.normal(ks[3], (2,), dtype=jnp.float32) * 0.001
    W_gcn = jax.random.normal(ks[4], (D, D), dtype=jnp.float32) * (1.0 / np.sqrt(D))
    W_e = jax.random.normal(ks[5], (DE, D), dtype=jnp.float32) * (1.0 / np.sqrt(DE))
    W_gine = jax.random.normal(ks[6], (D, D), dtype=jnp.float32) * (1.0 / np.sqrt(D))
    eps = jnp.zeros((), dtype=jnp.float32)
    return {"H": x, "edge_index": edge_index, "edge_attr": edge_attr,
            "alpha": alpha, "W_gcn": W_gcn, "W_e": W_e, "W_gine": W_gine, "eps": eps}


def reference(H, edge_index, edge_attr, alpha, W_gcn, W_e, W_gine, eps):
    src = edge_index[0]
    dst = edge_index[1]
    n = H.shape[0]
    # --- op 1: GCNConv(H, edge_index) with symmetric degree normalization ---
    xw = H @ W_gcn
    deg = jax.ops.segment_sum(jnp.ones_like(dst, dtype=H.dtype), dst, num_segments=n)
    deg_inv_sqrt = jnp.where(deg > 0, 1.0 / jnp.sqrt(jnp.maximum(deg, 1.0)), 0.0)
    norm = deg_inv_sqrt[src] * deg_inv_sqrt[dst]
    msg_gcn = xw[src] * norm[:, None]
    out_gcn = jax.ops.segment_sum(msg_gcn, dst, num_segments=n)
    # --- op 2: GINEConv(H, edge_index, edge_attr) ---
    e = edge_attr @ W_e
    msg_gine = jax.nn.relu(H[src] + e)
    agg = jax.ops.segment_sum(msg_gine, dst, num_segments=n)
    out_gine = ((1.0 + eps) * H + agg) @ W_gine
    # --- DARTS alpha-weighted mixture ---
    op_results = jnp.stack([out_gcn, out_gine])
    w = jax.nn.softmax(alpha, axis=-1).reshape(-1, 1, 1)
    return jnp.sum(op_results * w, axis=0)

if __name__ == "__main__":
    import jax
    _d = setup_inputs()
    print(jax.jit(kernel)(*tuple(_d.values())))

</pallas_src>

<mosaic_0001>
#map = affine_map<(d0, d1) -> (0, 0)>
#map1 = affine_map<(d0, d1) -> (0, 0, 0)>
module attributes {stable_mosaic.version = 14 : i64} {
  func.func @_sc_main(%arg0: i32, %arg1: i32, %arg2: memref<10000x128xf32, #tpu.memory_space<hbm>>, %arg3: memref<10000x128xf32, #tpu.memory_space<hbm>>, %arg4: memref<320000x128xf32, #tpu.memory_space<hbm>>, %arg5: memref<2512x1x128xi32, #tpu.memory_space<hbm>>, %arg6: memref<2512x1x128xi32, #tpu.memory_space<hbm>>, %arg7: memref<2x10240x128xf32, #tpu.memory_space<hbm>>, %arg8: memref<16x1x128xi32, #tpu.memory_space<vmem>>, %arg9: memref<16x1x128xi32, #tpu.memory_space<vmem>>, %arg10: memref<128x128xf32, #tpu.memory_space<vmem>>, %arg11: memref<128x128xf32, #tpu.memory_space<vmem>>, %arg12: memref<10240x128xf32, #tpu.memory_space<vmem_shared>>, %arg13: memref<!tpu.dma_semaphore, #tpu.memory_space<semaphore_mem>>, %arg14: memref<!tpu.dma_semaphore, #tpu.memory_space<semaphore_mem>>, %arg15: memref<!tpu.dma_semaphore, #tpu.memory_space<semaphore_mem>>, %arg16: memref<!tpu.dma_semaphore, #tpu.memory_space<semaphore_mem>>) attributes {dimension_semantics = [#tpu.dimension_semantics<core_parallel>, #tpu.dimension_semantics<subcore_parallel>], iteration_bounds = array<i64: 2, 16>, scalar_prefetch = 0 : i64, scratch_operands = 9 : i64, tpu.core_type = #tpu.core_type<sc_vector_subcore>, window_params = [{transform_indices = #map}, {transform_indices = #map}, {transform_indices = #map}, {transform_indices = #map1}, {transform_indices = #map1}, {transform_indices = #map1}]} {
    %mul3A = arith.constant 156 : i32
    %mul3A_0 = arith.muli %arg1, %mul3A : i32
    %min3A = arith.constant 4 : i32
    %min3A_1 = arith.minsi %arg1, %min3A : i32
    %add3A = arith.addi %mul3A_0, %min3A_1 : i32
    %lt3A = arith.constant 4 : i32
    %lt3A_2 = arith.cmpi slt, %arg1, %lt3A : i32
    %jit3A = arith.constant 157 : i32
    %jit3A_3 = arith.constant 156 : i32
    %select_n3A = arith.select %lt3A_2, %jit3A, %jit3A_3 : i32
    %scan3A = arith.constant 0 : i32
    %scan3A_4 = arith.constant 128 : i32
    %scan3A_5 = arith.addi %scan3A, %scan3A_4 : i32
    %scan3A_6 = arith.constant 1 : i32
    scf.for %scan3A_76 = %scan3A to %scan3A_5 step %scan3A_6  : i32 {
      %mul3A_77 = arith.constant 1 : i32
      %mul3A_78 = arith.muli %scan3A_76, %mul3A_77 : i32
      %add3A_79 = arith.constant 0 : i32
      %add3A_80 = arith.addi %add3A_79, %mul3A_78 : i32
      %broadcast_in_dim3A = arith.constant 0.000000e+00 : f32
      %broadcast_in_dim3A_81 = vector.broadcast %broadcast_in_dim3A : f32 to vector<16xf32>
      %swap3A = arith.index_cast %add3A_80 : i32 to index
      %swap3A_82 = arith.constant 0 : index
      %swap3A_83 = tpu.vector_load %arg10[%swap3A, %swap3A_82] {strides = array<i32>} : memref<128x128xf32, #tpu.memory_space<vmem>>, vector<1x16xf32>,
      %swap3A_84 = vector.shape_cast %swap3A_83 : vector<1x16xf32> to vector<16xf32>
      %swap3A_85 = vector.shape_cast %broadcast_in_dim3A_81 : vector<16xf32> to vector<1x16xf32>
      tpu.vector_store %arg10[%swap3A, %swap3A_82], %swap3A_85 {strides = array<i32>} : memref<128x128xf32, #tpu.memory_space<vmem>>, vector<1x16xf32>,
      %broadcast_in_dim3A_86 = arith.constant 0.000000e+00 : f32
      %broadcast_in_dim3A_87 = vector.broadcast %broadcast_in_dim3A_86 : f32 to vector<16xf32>
      %swap3A_88 = arith.index_cast %add3A_80 : i32 to index
      %swap3A_89 = arith.constant 16 : index
      %swap3A_90 = tpu.vector_load %arg10[%swap3A_88, %swap3A_89] {strides = array<i32>} : memref<128x128xf32, #tpu.memory_space<vmem>>, vector<1x16xf32>,
      %swap3A_91 = vector.shape_cast %swap3A_90 : vector<1x16xf32> to vector<16xf32>
      %swap3A_92 = vector.shape_cast %broadcast_in_dim3A_87 : vector<16xf32> to vector<1x16xf32>
      tpu.vector_store %arg10[%swap3A_88, %swap3A_89], %swap3A_92 {strides = array<i32>} : memref<128x128xf32, #tpu.memory_space<vmem>>, vector<1x16xf32>,
      %broadcast_in_dim3A_93 = arith.constant 0.000000e+00 : f32
      %broadcast_in_dim3A_94 = vector.broadcast %broadcast_in_dim3A_93 : f32 to vector<16xf32>
      %swap3A_95 = arith.index_cast %add3A_80 : i32 to index
      %swap3A_96 = arith.constant 32 : index
      %swap3A_97 = tpu.vector_load %arg10[%swap3A_95, %swap3A_96] {strides = array<i32>} : memref<128x128xf32, #tpu.memory_space<vmem>>, vector<1x16xf32>,
      %swap3A_98 = vector.shape_cast %swap3A_97 : vector<1x16xf32> to vector<16xf32>
      %swap3A_99 = vector.shape_cast %broadcast_in_dim3A_94 : vector<16xf32> to vector<1x16xf32>
      tpu.vector_store %arg10[%swap3A_95, %swap3A_96], %swap3A_99 {strides = array<i32>} : memref<128x128xf32, #tpu.memory_space<vmem>>, vector<1x16xf32>,
      %broadcast_in_dim3A_100 = arith.constant 0.000000e+00 : f32
      %broadcast_in_dim3A_101 = vector.broadcast %broadcast_in_dim3A_100 : f32 to vector<16xf32>
      %swap3A_102 = arith.index_cast %add3A_80 : i32 to index
      %swap3A_103 = arith.constant 48 : index
      %swap3A_104 = tpu.vector_load %arg10[%swap3A_102, %swap3A_103] {strides = array<i32>} : memref<128x128xf32, #tpu.memory_space<vmem>>, vector<1x16xf32>,
      %swap3A_105 = vector.shape_cast %swap3A_104 : vector<1x16xf32> to vector<16xf32>
      %swap3A_106 = vector.shape_cast %broadcast_in_dim3A_101 : vector<16xf32> to vector<1x16xf32>
      tpu.vector_store %arg10[%swap3A_102, %swap3A_103], %swap3A_106 {strides = array<i32>} : memref<128x128xf32, #tpu.memory_space<vmem>>, vector<1x16xf32>,
      %broadcast_in_dim3A_107 = arith.constant 0.000000e+00 : f32
      %broadcast_in_dim3A_108 = vector.broadcast %broadcast_in_dim3A_107 : f32 to vector<16xf32>
      %swap3A_109 = arith.index_cast %add3A_80 : i32 to index
      %swap3A_110 = arith.constant 64 : index
      %swap3A_111 = tpu.vector_load %arg10[%swap3A_109, %swap3A_110] {strides = array<i32>} : memref<128x128xf32, #tpu.memory_space<vmem>>, vector<1x16xf32>,
      %swap3A_112 = vector.shape_cast %swap3A_111 : vector<1x16xf32> to vector<16xf32>
      %swap3A_113 = vector.shape_cast %broadcast_in_dim3A_108 : vector<16xf32> to vector<1x16xf32>
      tpu.vector_store %arg10[%swap3A_109, %swap3A_110], %swap3A_113 {strides = array<i32>} : memref<128x128xf32, #tpu.memory_space<vmem>>, vector<1x16xf32>,
      %broadcast_in_dim3A_114 = arith.constant 0.000000e+00 : f32
      %broadcast_in_dim3A_115 = vector.broadcast %broadcast_in_dim3A_114 : f32 to vector<16xf32>
      %swap3A_116 = arith.index_cast %add3A_80 : i32 to index
      %swap3A_117 = arith.constant 80 : index
      %swap3A_118 = tpu.vector_load %arg10[%swap3A_116, %swap3A_117] {strides = array<i32>} : memref<128x128xf32, #tpu.memory_space<vmem>>, vector<1x16xf32>,
      %swap3A_119 = vector.shape_cast %swap3A_118 : vector<1x16xf32> to vector<16xf32>
      %swap3A_120 = vector.shape_cast %broadcast_in_dim3A_115 : vector<16xf32> to vector<1x16xf32>
      tpu.vector_store %arg10[%swap3A_116, %swap3A_117], %swap3A_120 {strides = array<i32>} : memref<128x128xf32, #tpu.memory_space<vmem>>, vector<1x16xf32>,
      %broadcast_in_dim3A_121 = arith.constant 0.000000e+00 : f32
      %broadcast_in_dim3A_122 = vector.broadcast %broadcast_in_dim3A_121 : f32 to vector<16xf32>
      %swap3A_123 = arith.index_cast %add3A_80 : i32 to index
      %swap3A_124 = arith.constant 96 : index
      %swap3A_125 = tpu.vector_load %arg10[%swap3A_123, %swap3A_124] {strides = array<i32>} : memref<128x128xf32, #tpu.memory_space<vmem>>, vector<1x16xf32>,
      %swap3A_126 = vector.shape_cast %swap3A_125 : vector<1x16xf32> to vector<16xf32>
      %swap3A_127 = vector.shape_cast %broadcast_in_dim3A_122 : vector<16xf32> to vector<1x16xf32>
      tpu.vector_store %arg10[%swap3A_123, %swap3A_124], %swap3A_127 {strides = array<i32>} : memref<128x128xf32, #tpu.memory_space<vmem>>, vector<1x16xf32>,
      %broadcast_in_dim3A_128 = arith.constant 0.000000e+00 : f32
      %broadcast_in_dim3A_129 = vector.broadcast %broadcast_in_dim3A_128 : f32 to vector<16xf32>
      %swap3A_130 = arith.index_cast %add3A_80 : i32 to index
      %swap3A_131 = arith.constant 112 : index
      %swap3A_132 = tpu.vector_load %arg10[%swap3A_130, %swap3A_131] {strides = array<i32>} : memref<128x128xf32, #tpu.memory_space<vmem>>, vector<1x16xf32>,
      %swap3A_133 = vector.shape_cast %swap3A_132 : vector<1x16xf32> to vector<16xf32>
      %swap3A_134 = vector.shape_cast %broadcast_in_dim3A_129 : vector<16xf32> to vector<1x16xf32>
      tpu.vector_store %arg10[%swap3A_130, %swap3A_131], %swap3A_134 {strides = array<i32>} : memref<128x128xf32, #tpu.memory_space<vmem>>, vector<1x16xf32>,
    }
    %scan3A_7 = arith.constant 128 : i32
    %mul3A_8 = arith.constant 640 : i32
    %mul3A_9 = arith.muli %arg1, %mul3A_8 : i32
    %add3A_10 = arith.constant 0 : i32
    %add3A_11 = arith.addi %mul3A_9, %add3A_10 : i32
    "tpu.region"() ({
      %run_scoped3A = tpu.sem_alloc : memref<!tpu.dma_semaphore, #tpu.memory_space<semaphore_mem>>
      %dma_start3A = arith.constant 0 : i32
      %dma_start3A_76 = tpu.memref_slice %arg12[%add3A_11, %dma_start3A] : memref<10240x128xf32, #tpu.memory_space<vmem_shared>> -> memref<128x128xf32, #tpu.memory_space<vmem_shared>>
      %dma_start3A_77 = arith.constant 0 : i32
      %dma_start3A_78 = tpu.memref_slice %arg12[%add3A_11, %dma_start3A_77] : memref<10240x128xf32, #tpu.memory_space<vmem_shared>> -> memref<128x128xf32, #tpu.memory_space<vmem_shared>>
      tpu.enqueue_dma source(%arg10 : memref<128x128xf32, #tpu.memory_space<vmem>>) target(%dma_start3A_78 : memref<128x128xf32, #tpu.memory_space<vmem_shared>>) target_semaphore(%run_scoped3A : memref<!tpu.dma_semaphore, #tpu.memory_space<semaphore_mem>>)
      %dma_wait3A = arith.constant 0 : i32
      %dma_wait3A_79 = tpu.memref_slice %arg12[%add3A_11, %dma_wait3A] : memref<10240x128xf32, #tpu.memory_space<vmem_shared>> -> memref<128x128xf32, #tpu.memory_space<vmem_shared>>
      %dma_wait3A_80 = arith.constant 0 : i32
      %dma_wait3A_81 = tpu.memref_slice %arg12[%add3A_11, %dma_wait3A_80] : memref<10240x128xf32, #tpu.memory_space<vmem_shared>> -> memref<128x128xf32, #tpu.memory_space<vmem_shared>>
      tpu.wait_dma2 semaphore(%run_scoped3A : memref<!tpu.dma_semaphore, #tpu.memory_space<semaphore_mem>>) src(%arg10 : memref<128x128xf32, #tpu.memory_space<vmem>>) dst(%dma_wait3A_81 : memref<128x128xf32, #tpu.memory_space<vmem_shared>>)
      tpu.yield
    }) : () -> ()
    %mul3A_12 = arith.constant 640 : i32
    %mul3A_13 = arith.muli %arg1, %mul3A_12 : i32
    %add3A_14 = arith.constant 128 : i32
    %add3A_15 = arith.addi %mul3A_13, %add3A_14 : i32
    "tpu.region"() ({
      %run_scoped3A = tpu.sem_alloc : memref<!tpu.dma_semaphore, #tpu.memory_space<semaphore_mem>>
      %dma_start3A = arith.constant 0 : i32
      %dma_start3A_76 = tpu.memref_slice %arg12[%add3A_15, %dma_start3A] : memref<10240x128xf32, #tpu.memory_space<vmem_shared>> -> memref<128x128xf32, #tpu.memory_space<vmem_shared>>
      %dma_start3A_77 = arith.constant 0 : i32
      %dma_start3A_78 = tpu.memref_slice %arg12[%add3A_15, %dma_start3A_77] : memref<10240x128xf32, #tpu.memory_space<vmem_shared>> -> memref<128x128xf32, #tpu.memory_space<vmem_shared>>
      tpu.enqueue_dma source(%arg10 : memref<128x128xf32, #tpu.memory_space<vmem>>) target(%dma_start3A_78 : memref<128x128xf32, #tpu.memory_space<vmem_shared>>) target_semaphore(%run_scoped3A : memref<!tpu.dma_semaphore, #tpu.memory_space<semaphore_mem>>)
      %dma_wait3A = arith.constant 0 : i32
      %dma_wait3A_79 = tpu.memref_slice %arg12[%add3A_15, %dma_wait3A] : memref<10240x128xf32, #tpu.memory_space<vmem_shared>> -> memref<128x128xf32, #tpu.memory_space<vmem_shared>>
      %dma_wait3A_80 = arith.constant 0 : i32
      %dma_wait3A_81 = tpu.memref_slice %arg12[%add3A_15, %dma_wait3A_80] : memref<10240x128xf32, #tpu.memory_space<vmem_shared>> -> memref<128x128xf32, #tpu.memory_space<vmem_shared>>
      tpu.wait_dma2 semaphore(%run_scoped3A : memref<!tpu.dma_semaphore, #tpu.memory_space<semaphore_mem>>) src(%arg10 : memref<128x128xf32, #tpu.memory_space<vmem>>) dst(%dma_wait3A_81 : memref<128x128xf32, #tpu.memory_space<vmem_shared>>)
      tpu.yield
    }) : () -> ()
    %mul3A_16 = arith.constant 640 : i32
    %mul3A_17 = arith.muli %arg1, %mul3A_16 : i32
    %add3A_18 = arith.constant 256 : i32
    %add3A_19 = arith.addi %mul3A_17, %add3A_18 : i32
    "tpu.region"() ({
      %run_scoped3A = tpu.sem_alloc : memref<!tpu.dma_semaphore, #tpu.memory_space<semaphore_mem>>
      %dma_start3A = arith.constant 0 : i32
      %dma_start3A_76 = tpu.memref_slice %arg12[%add3A_19, %dma_start3A] : memref<10240x128xf32, #tpu.memory_space<vmem_shared>> -> memref<128x128xf32, #tpu.memory_space<vmem_shared>>
      %dma_start3A_77 = arith.constant 0 : i32
      %dma_start3A_78 = tpu.memref_slice %arg12[%add3A_19, %dma_start3A_77] : memref<10240x128xf32, #tpu.memory_space<vmem_shared>> -> memref<128x128xf32, #tpu.memory_space<vmem_shared>>
      tpu.enqueue_dma source(%arg10 : memref<128x128xf32, #tpu.memory_space<vmem>>) target(%dma_start3A_78 : memref<128x128xf32, #tpu.memory_space<vmem_shared>>) target_semaphore(%run_scoped3A : memref<!tpu.dma_semaphore, #tpu.memory_space<semaphore_mem>>)
      %dma_wait3A = arith.constant 0 : i32
      %dma_wait3A_79 = tpu.memref_slice %arg12[%add3A_19, %dma_wait3A] : memref<10240x128xf32, #tpu.memory_space<vmem_shared>> -> memref<128x128xf32, #tpu.memory_space<vmem_shared>>
      %dma_wait3A_80 = arith.constant 0 : i32
      %dma_wait3A_81 = tpu.memref_slice %arg12[%add3A_19, %dma_wait3A_80] : memref<10240x128xf32, #tpu.memory_space<vmem_shared>> -> memref<128x128xf32, #tpu.memory_space<vmem_shared>>
      tpu.wait_dma2 semaphore(%run_scoped3A : memref<!tpu.dma_semaphore, #tpu.memory_space<semaphore_mem>>) src(%arg10 : memref<128x128xf32, #tpu.memory_space<vmem>>) dst(%dma_wait3A_81 : memref<128x128xf32, #tpu.memory_space<vmem_shared>>)
      tpu.yield
    }) : () -> ()
    %mul3A_20 = arith.constant 640 : i32
    %mul3A_21 = arith.muli %arg1, %mul3A_20 : i32
    %add3A_22 = arith.constant 384 : i32
    %add3A_23 = arith.addi %mul3A_21, %add3A_22 : i32
    "tpu.region"() ({
      %run_scoped3A = tpu.sem_alloc : memref<!tpu.dma_semaphore, #tpu.memory_space<semaphore_mem>>
      %dma_start3A = arith.constant 0 : i32
      %dma_start3A_76 = tpu.memref_slice %arg12[%add3A_23, %dma_start3A] : memref<10240x128xf32, #tpu.memory_space<vmem_shared>> -> memref<128x128xf32, #tpu.memory_space<vmem_shared>>
      %dma_start3A_77 = arith.constant 0 : i32
      %dma_start3A_78 = tpu.memref_slice %arg12[%add3A_23, %dma_start3A_77] : memref<10240x128xf32, #tpu.memory_space<vmem_shared>> -> memref<128x128xf32, #tpu.memory_space<vmem_shared>>
      tpu.enqueue_dma source(%arg10 : memref<128x128xf32, #tpu.memory_space<vmem>>) target(%dma_start3A_78 : memref<128x128xf32, #tpu.memory_space<vmem_shared>>) target_semaphore(%run_scoped3A : memref<!tpu.dma_semaphore, #tpu.memory_space<semaphore_mem>>)
      %dma_wait3A = arith.constant 0 : i32
      %dma_wait3A_79 = tpu.memref_slice %arg12[%add3A_23, %dma_wait3A] : memref<10240x128xf32, #tpu.memory_space<vmem_shared>> -> memref<128x128xf32, #tpu.memory_space<vmem_shared>>
      %dma_wait3A_80 = arith.constant 0 : i32
      %dma_wait3A_81 = tpu.memref_slice %arg12[%add3A_23, %dma_wait3A_80] : memref<10240x128xf32, #tpu.memory_space<vmem_shared>> -> memref<128x128xf32, #tpu.memory_space<vmem_shared>>
      tpu.wait_dma2 semaphore(%run_scoped3A : memref<!tpu.dma_semaphore, #tpu.memory_space<semaphore_mem>>) src(%arg10 : memref<128x128xf32, #tpu.memory_space<vmem>>) dst(%dma_wait3A_81 : memref<128x128xf32, #tpu.memory_space<vmem_shared>>)
      tpu.yield
    }) : () -> ()
    %mul3A_24 = arith.constant 640 : i32
    %mul3A_25 = arith.muli %arg1, %mul3A_24 : i32
    %add3A_26 = arith.constant 512 : i32
    %add3A_27 = arith.addi %mul3A_25, %add3A_26 : i32
    "tpu.region"() ({
      %run_scoped3A = tpu.sem_alloc : memref<!tpu.dma_semaphore, #tpu.memory_space<semaphore_mem>>
      %dma_start3A = arith.constant 0 : i32
      %dma_start3A_76 = tpu.memref_slice %arg12[%add3A_27, %dma_start3A] : memref<10240x128xf32, #tpu.memory_space<vmem_shared>> -> memref<128x128xf32, #tpu.memory_space<vmem_shared>>
      %dma_start3A_77 = arith.constant 0 : i32
      %dma_start3A_78 = tpu.memref_slice %arg12[%add3A_27, %dma_start3A_77] : memref<10240x128xf32, #tpu.memory_space<vmem_shared>> -> memref<128x128xf32, #tpu.memory_space<vmem_shared>>
      tpu.enqueue_dma source(%arg10 : memref<128x128xf32, #tpu.memory_space<vmem>>) target(%dma_start3A_78 : memref<128x128xf32, #tpu.memory_space<vmem_shared>>) target_semaphore(%run_scoped3A : memref<!tpu.dma_semaphore, #tpu.memory_space<semaphore_mem>>)
      %dma_wait3A = arith.constant 0 : i32
      %dma_wait3A_79 = tpu.memref_slice %arg12[%add3A_27, %dma_wait3A] : memref<10240x128xf32, #tpu.memory_space<vmem_shared>> -> memref<128x128xf32, #tpu.memory_space<vmem_shared>>
      %dma_wait3A_80 = arith.constant 0 : i32
      %dma_wait3A_81 = tpu.memref_slice %arg12[%add3A_27, %dma_wait3A_80] : memref<10240x128xf32, #tpu.memory_space<vmem_shared>> -> memref<128x128xf32, #tpu.memory_space<vmem_shared>>
      tpu.wait_dma2 semaphore(%run_scoped3A : memref<!tpu.dma_semaphore, #tpu.memory_space<semaphore_mem>>) src(%arg10 : memref<128x128xf32, #tpu.memory_space<vmem>>) dst(%dma_wait3A_81 : memref<128x128xf32, #tpu.memory_space<vmem_shared>>)
      tpu.yield
    }) : () -> ()
    %barrier3A = arith.constant 0 : index
    tpu.barrier barrier_id(%barrier3A)
    %eq3A = arith.constant 0 : i32
    %eq3A_28 = arith.cmpi eq, %arg0, %eq3A : i32
    %convert_element_type3A = arith.extui %eq3A_28 : i1 to i32
    %cond3A = arith.constant 0 : i32
    %cond3A_29 = arith.cmpi ne, %convert_element_type3A, %cond3A : i32
    scf.if %cond3A_29 {
      %scan3A_76 = arith.constant 0 : i32
      %scan3A_77 = arith.constant 10 : i32
      %scan3A_78 = arith.addi %scan3A_76, %scan3A_77 : i32
      %scan3A_79 = arith.constant 1 : i32
      scf.for %scan3A_81 = %scan3A_76 to %scan3A_78 step %scan3A_79  : i32 {
        %mul3A_82 = arith.constant 1 : i32
        %mul3A_83 = arith.muli %scan3A_81, %mul3A_82 : i32
        %add3A_84 = arith.constant 0 : i32
        %add3A_85 = arith.addi %add3A_84, %mul3A_83 : i32
        %mul3A_86 = arith.constant 16 : i32
        %mul3A_87 = arith.muli %add3A_85, %mul3A_86 : i32
        %add3A_88 = arith.addi %add3A, %mul3A_87 : i32
        "tpu.region"() ({
          %run_scoped3A = tpu.sem_alloc : memref<!tpu.dma_semaphore, #tpu.memory_space<semaphore_mem>>
          %dma_start3A = arith.constant 0 : i32
          %dma_start3A_113 = arith.constant 0 : i32
          %dma_start3A_114 = tpu.memref_slice %arg5[%add3A_88, %dma_start3A, %dma_start3A_113] : memref<2512x1x128xi32, #tpu.memory_space<hbm>> -> memref<16x1x128xi32, #tpu.memory_space<hbm>>
          %dma_start3A_115 = arith.constant 0 : i32
          %dma_start3A_116 = arith.constant 0 : i32
          %dma_start3A_117 = tpu.memref_slice %arg5[%add3A_88, %dma_start3A_115, %dma_start3A_116] : memref<2512x1x128xi32, #tpu.memory_space<hbm>> -> memref<16x1x128xi32, #tpu.memory_space<hbm>>
          tpu.enqueue_dma source(%dma_start3A_117 : memref<16x1x128xi32, #tpu.memory_space<hbm>>) target(%arg8 : memref<16x1x128xi32, #tpu.memory_space<vmem>>) target_semaphore(%run_scoped3A : memref<!tpu.dma_semaphore, #tpu.memory_space<semaphore_mem>>)
          %dma_wait3A = arith.constant 0 : i32
          %dma_wait3A_118 = arith.constant 0 : i32
          %dma_wait3A_119 = tpu.memref_slice %arg5[%add3A_88, %dma_wait3A, %dma_wait3A_118] : memref<2512x1x128xi32, #tpu.memory_space<hbm>> -> memref<16x1x128xi32, #tpu.memory_space<hbm>>
          %dma_wait3A_120 = arith.constant 0 : i32
          %dma_wait3A_121 = arith.constant 0 : i32
          %dma_wait3A_122 = tpu.memref_slice %arg5[%add3A_88, %dma_wait3A_120, %dma_wait3A_121] : memref<2512x1x128xi32, #tpu.memory_space<hbm>> -> memref<16x1x128xi32, #tpu.memory_space<hbm>>
          tpu.wait_dma2 semaphore(%run_scoped3A : memref<!tpu.dma_semaphore, #tpu.memory_space<semaphore_mem>>) src(%dma_wait3A_122 : memref<16x1x128xi32, #tpu.memory_space<hbm>>) dst(%arg8 : memref<16x1x128xi32, #tpu.memory_space<vmem>>)
          tpu.yield
        }) : () -> ()
        %mul3A_89 = arith.constant 16 : i32
        %mul3A_90 = arith.muli %add3A_85, %mul3A_89 : i32
        %add3A_91 = arith.addi %add3A, %mul3A_90 : i32
        "tpu.region"() ({
          %run_scoped3A = tpu.sem_alloc : memref<!tpu.dma_semaphore, #tpu.memory_space<semaphore_mem>>
          %dma_start3A = arith.constant 0 : i32
          %dma_start3A_113 = arith.constant 0 : i32
          %dma_start3A_114 = tpu.memref_slice %arg6[%add3A_91, %dma_start3A, %dma_start3A_113] : memref<2512x1x128xi32, #tpu.memory_space<hbm>> -> memref<16x1x128xi32, #tpu.memory_space<hbm>>
          %dma_start3A_115 = arith.constant 0 : i32
          %dma_start3A_116 = arith.constant 0 : i32
          %dma_start3A_117 = tpu.memref_slice %arg6[%add3A_91, %dma_start3A_115, %dma_start3A_116] : memref<2512x1x128xi32, #tpu.memory_space<hbm>> -> memref<16x1x128xi32, #tpu.memory_space<hbm>>
          tpu.enqueue_dma source(%dma_start3A_117 : memref<16x1x128xi32, #tpu.memory_space<hbm>>) target(%arg9 : memref<16x1x128xi32, #tpu.memory_space<vmem>>) target_semaphore(%run_scoped3A : memref<!tpu.dma_semaphore, #tpu.memory_space<semaphore_mem>>)
          %dma_wait3A = arith.constant 0 : i32
          %dma_wait3A_118 = arith.constant 0 : i32
          %dma_wait3A_119 = tpu.memref_slice %arg6[%add3A_91, %dma_wait3A, %dma_wait3A_118] : memref<2512x1x128xi32, #tpu.memory_space<hbm>> -> memref<16x1x128xi32, #tpu.memory_space<hbm>>
          %dma_wait3A_120 = arith.constant 0 : i32
          %dma_wait3A_121 = arith.constant 0 : i32
          %dma_wait3A_122 = tpu.memref_slice %arg6[%add3A_91, %dma_wait3A_120, %dma_wait3A_121] : memref<2512x1x128xi32, #tpu.memory_space<hbm>> -> memref<16x1x128xi32, #tpu.memory_space<hbm>>
          tpu.wait_dma2 semaphore(%run_scoped3A : memref<!tpu.dma_semaphore, #tpu.memory_space<semaphore_mem>>) src(%dma_wait3A_122 : memref<16x1x128xi32, #tpu.memory_space<hbm>>) dst(%arg9 : memref<16x1x128xi32, #tpu.memory_space<vmem>>)
          tpu.yield
        }) : () -> ()
        %mul3A_92 = arith.constant 16 : i32
        %mul3A_93 = arith.muli %add3A_85, %mul3A_92 : i32
        %add3A_94 = arith.constant 0 : i32
        %add3A_95 = arith.addi %mul3A_93, %add3A_94 : i32
        %lt3A_96 = arith.cmpi slt, %add3A_95, %select_n3A : i32
        %convert_element_type3A_97 = arith.extui %lt3A_96 : i1 to i32
        %cond3A_98 = arith.constant 0 : i32
        %cond3A_99 = arith.cmpi ne, %convert_element_type3A_97, %cond3A_98 : i32
        scf.if %cond3A_99 {
          %dma_start3A = arith.constant 0 : i32
          %dma_start3A_113 = arith.constant 0 : i32
          %dma_start3A_114 = arith.constant 0 : i32
          %dma_start3A_115 = arith.constant 0 : i32
          %dma_start3A_116 = tpu.memref_slice %arg8[%dma_start3A, %dma_start3A_114, %dma_start3A_115] : memref<16x1x128xi32, #tpu.memory_space<vmem>> -> memref<1x1x128xi32, #tpu.memory_space<vmem>>
          %dma_start3A_117 = tpu.memref_squeeze %dma_start3A_116 : memref<1x1x128xi32, #tpu.memory_space<vmem>> -> memref<1x128xi32, #tpu.memory_space<vmem>>
          %dma_start3A_118 = arith.constant 0 : i32
          %dma_start3A_119 = tpu.memref_slice %dma_start3A_117[%dma_start3A_113, %dma_start3A_118] : memref<1x128xi32, #tpu.memory_space<vmem>> -> memref<1x128xi32, #tpu.memory_space<vmem>>
          %dma_start3A_120 = tpu.memref_squeeze %dma_start3A_119 : memref<1x128xi32, #tpu.memory_space<vmem>> -> memref<128xi32, #tpu.memory_space<vmem>>
          %dma_start3A_121 = arith.constant 0 : i32
          %dma_start3A_122 = arith.constant 0 : i32
          %dma_start3A_123 = tpu.memref_slice %arg2[%dma_start3A_121, %dma_start3A_122] : memref<10000x128xf32, #tpu.memory_space<hbm>> -> memref<10000x128xf32, #tpu.memory_space<hbm>>
          tpu.enqueue_indirect_dma source(%dma_start3A_123 : memref<10000x128xf32, #tpu.memory_space<hbm>>) target(%arg10 : memref<128x128xf32, #tpu.memory_space<vmem>>) offsets(%dma_start3A_120 : memref<128xi32, #tpu.memory_space<vmem>>) semaphore(%arg13 : memref<!tpu.dma_semaphore, #tpu.memory_space<semaphore_mem>>)
        } else {
        }
        %mul3A_100 = arith.constant 16 : i32
        %mul3A_101 = arith.muli %add3A_85, %mul3A_100 : i32
        %add3A_102 = arith.constant 1 : i32
        %add3A_103 = arith.addi %mul3A_101, %add3A_102 : i32
        %lt3A_104 = arith.cmpi slt, %add3A_103, %select_n3A : i32
        %convert_element_type3A_105 = arith.extui %lt3A_104 : i1 to i32
        %cond3A_106 = arith.constant 0 : i32
        %cond3A_107 = arith.cmpi ne, %convert_element_type3A_105, %cond3A_106 : i32
        scf.if %cond3A_107 {
          %dma_start3A = arith.constant 1 : i32
          %dma_start3A_113 = arith.constant 0 : i32
          %dma_start3A_114 = arith.constant 0 : i32
          %dma_start3A_115 = arith.constant 0 : i32
          %dma_start3A_116 = tpu.memref_slice %arg8[%dma_start3A, %dma_start3A_114, %dma_start3A_115] : memref<16x1x128xi32, #tpu.memory_space<vmem>> -> memref<1x1x128xi32, #tpu.memory_space<vmem>>
          %dma_start3A_117 = tpu.memref_squeeze %dma_start3A_116 : memref<1x1x128xi32, #tpu.memory_space<vmem>> -> memref<1x128xi32, #tpu.memory_space<vmem>>
          %dma_start3A_118 = arith.constant 0 : i32
          %dma_start3A_119 = tpu.memref_slice %dma_start3A_117[%dma_start3A_113, %dma_start3A_118] : memref<1x128xi32, #tpu.memory_space<vmem>> -> memref<1x128xi32, #tpu.memory_space<vmem>>
          %dma_start3A_120 = tpu.memref_squeeze %dma_start3A_119 : memref<1x128xi32, #tpu.memory_space<vmem>> -> memref<128xi32, #tpu.memory_space<vmem>>
          %dma_start3A_121 = arith.constant 0 : i32
          %dma_start3A_122 = arith.constant 0 : i32
          %dma_start3A_123 = tpu.memref_slice %arg2[%dma_start3A_121, %dma_start3A_122] : memref<10000x128xf32, #tpu.memory_space<hbm>> -> memref<10000x128xf32, #tpu.memory_space<hbm>>
          tpu.enqueue_indirect_dma source(%dma_start3A_123 : memref<10000x128xf32, #tpu.memory_space<hbm>>) target(%arg11 : memref<128x128xf32, #tpu.memory_space<vmem>>) offsets(%dma_start3A_120 : memref<128xi32, #tpu.memory_space<vmem>>) semaphore(%arg14 : memref<!tpu.dma_semaphore, #tpu.memory_space<semaphore_mem>>)
        } else {
        }
        %scan3A_108 = arith.constant 0 : i32
        %scan3A_109 = arith.constant 8 : i32
        %scan3A_110 = arith.addi %scan3A_108, %scan3A_109 : i32
        %scan3A_111 = arith.constant 1 : i32
        scf.for %scan3A_113 = %scan3A_108 to %scan3A_110 step %scan3A_111  : i32 {
          %mul3A_114 = arith.constant 1 : i32
          %mul3A_115 = arith.muli %scan3A_113, %mul3A_114 : i32
          %add3A_116 = arith.constant 0 : i32
          %add3A_117 = arith.addi %add3A_116, %mul3A_115 : i32
          %mul3A_118 = arith.constant 2 : i32
          %mul3A_119 = arith.muli %mul3A_118, %add3A_117 : i32
          %add3A_120 = arith.constant 0 : i32
          %add3A_121 = arith.addi %mul3A_119, %add3A_120 : i32
          %mul3A_122 = arith.constant 16 : i32
          %mul3A_123 = arith.muli %add3A_85, %mul3A_122 : i32
          %add3A_124 = arith.addi %mul3A_123, %add3A_121 : i32
          %lt3A_125 = arith.cmpi slt, %add3A_124, %select_n3A : i32
          %convert_element_type3A_126 = arith.extui %lt3A_125 : i1 to i32
          %cond3A_127 = arith.constant 0 : i32
          %cond3A_128 = arith.cmpi ne, %convert_element_type3A_126, %cond3A_127 : i32
          scf.if %cond3A_128 {
            %dma_wait3A = arith.constant 0 : i32
            %dma_wait3A_140 = arith.constant 0 : i32
            %dma_wait3A_141 = arith.constant 0 : i32
            %dma_wait3A_142 = tpu.memref_slice %arg8[%add3A_121, %dma_wait3A_140, %dma_wait3A_141] : memref<16x1x128xi32, #tpu.memory_space<vmem>> -> memref<1x1x128xi32, #tpu.memory_space<vmem>>
            %dma_wait3A_143 = tpu.memref_squeeze %dma_wait3A_142 : memref<1x1x128xi32, #tpu.memory_space<vmem>> -> memref<1x128xi32, #tpu.memory_space<vmem>>
            %dma_wait3A_144 = arith.constant 0 : i32
            %dma_wait3A_145 = tpu.memref_slice %dma_wait3A_143[%dma_wait3A, %dma_wait3A_144] : memref<1x128xi32, #tpu.memory_space<vmem>> -> memref<1x128xi32, #tpu.memory_space<vmem>>
            %dma_wait3A_146 = tpu.memref_squeeze %dma_wait3A_145 : memref<1x128xi32, #tpu.memory_space<vmem>> -> memref<128xi32, #tpu.memory_space<vmem>>
            %dma_wait3A_147 = arith.constant 0 : i32
            %dma_wait3A_148 = arith.constant 0 : i32
            %dma_wait3A_149 = tpu.memref_slice %arg2[%dma_wait3A_147, %dma_wait3A_148] : memref<10000x128xf32, #tpu.memory_space<hbm>> -> memref<10000x128xf32, #tpu.memory_space<hbm>>
            tpu.wait_indirect_dma semaphore(%arg13 : memref<!tpu.dma_semaphore, #tpu.memory_space<semaphore_mem>>) src(%dma_wait3A_149 : memref<10000x128xf32, #tpu.memory_space<hbm>>) dst(%arg10 : memref<128x128xf32, #tpu.memory_space<vmem>>)
            %run_scoped3A = arith.constant 0 : i32
            "tpu.region"() ({
              %run_scoped3A_160 = tpu.sem_alloc : memref<!tpu.dma_semaphore, #tpu.memory_space<semaphore_mem>>
              %dma_start3A = arith.constant 0 : i32
              %dma_start3A_161 = arith.constant 0 : i32
              %dma_start3A_162 = tpu.memref_slice %arg9[%add3A_121, %dma_start3A, %dma_start3A_161] : memref<16x1x128xi32, #tpu.memory_space<vmem>> -> memref<1x1x128xi32, #tpu.memory_space<vmem>>
              %dma_start3A_163 = tpu.memref_squeeze %dma_start3A_162 : memref<1x1x128xi32, #tpu.memory_space<vmem>> -> memref<1x128xi32, #tpu.memory_space<vmem>>
              %dma_start3A_164 = arith.constant 0 : i32
              %dma_start3A_165 = tpu.memref_slice %dma_start3A_163[%run_scoped3A, %dma_start3A_164] : memref<1x128xi32, #tpu.memory_space<vmem>> -> memref<1x128xi32, #tpu.memory_space<vmem>>
              %dma_start3A_166 = tpu.memref_squeeze %dma_start3A_165 : memref<1x128xi32, #tpu.memory_space<vmem>> -> memref<128xi32, #tpu.memory_space<vmem>>
              %dma_start3A_167 = arith.constant 0 : i32
              %dma_start3A_168 = arith.constant 0 : i32
              %dma_start3A_169 = tpu.memref_slice %arg12[%dma_start3A_167, %dma_start3A_168] : memref<10240x128xf32, #tpu.memory_space<vmem_shared>> -> memref<10240x128xf32, #tpu.memory_space<vmem_shared>>
              tpu.enqueue_indirect_dma source(%arg10 : memref<128x128xf32, #tpu.memory_space<vmem>>) target(%dma_start3A_169 : memref<10240x128xf32, #tpu.memory_space<vmem_shared>>) offsets(%dma_start3A_166 : memref<128xi32, #tpu.memory_space<vmem>>) semaphore(%run_scoped3A_160 : memref<!tpu.dma_semaphore, #tpu.memory_space<semaphore_mem>>) {add = true}
              %dma_wait3A_170 = arith.constant 0 : i32
              %dma_wait3A_171 = arith.constant 0 : i32
              %dma_wait3A_172 = tpu.memref_slice %arg9[%add3A_121, %dma_wait3A_170, %dma_wait3A_171] : memref<16x1x128xi32, #tpu.memory_space<vmem>> -> memref<1x1x128xi32, #tpu.memory_space<vmem>>
              %dma_wait3A_173 = tpu.memref_squeeze %dma_wait3A_172 : memref<1x1x128xi32, #tpu.memory_space<vmem>> -> memref<1x128xi32, #tpu.memory_space<vmem>>
              %dma_wait3A_174 = arith.constant 0 : i32
              %dma_wait3A_175 = tpu.memref_slice %dma_wait3A_173[%run_scoped3A, %dma_wait3A_174] : memref<1x128xi32, #tpu.memory_space<vmem>> -> memref<1x128xi32, #tpu.memory_space<vmem>>
              %dma_wait3A_176 = tpu.memref_squeeze %dma_wait3A_175 : memref<1x128xi32, #tpu.memory_space<vmem>> -> memref<128xi32, #tpu.memory_space<vmem>>
              %dma_wait3A_177 = arith.constant 0 : i32
              %dma_wait3A_178 = arith.constant 0 : i32
              %dma_wait3A_179 = tpu.memref_slice %arg12[%dma_wait3A_177, %dma_wait3A_178] : memref<10240x128xf32, #tpu.memory_space<vmem_shared>> -> memref<10240x128xf32, #tpu.memory_space<vmem_shared>>
              tpu.wait_indirect_dma semaphore(%run_scoped3A_160 : memref<!tpu.dma_semaphore, #tpu.memory_space<semaphore_mem>>) src(%arg10 : memref<128x128xf32, #tpu.memory_space<vmem>>) dst(%dma_wait3A_179 : memref<10240x128xf32, #tpu.memory_space<vmem_shared>>)
              tpu.yield
            }) : () -> ()
            %add3A_150 = arith.constant 2 : i32
            %add3A_151 = arith.addi %add3A_121, %add3A_150 : i32
            %lt3A_152 = arith.constant 16 : i32
            %lt3A_153 = arith.cmpi slt, %add3A_151, %lt3A_152 : i32
            %add3A_154 = arith.constant 2 : i32
            %add3A_155 = arith.addi %add3A_124, %add3A_154 : i32
            %lt3A_156 = arith.cmpi slt, %add3A_155, %select_n3A : i32
            %and3A = arith.andi %lt3A_153, %lt3A_156 : i1
            %convert_element_type3A_157 = arith.extui %and3A : i1 to i32
            %cond3A_158 = arith.constant 0 : i32
            %cond3A_159 = arith.cmpi ne, %convert_element_type3A_157, %cond3A_158 : i32
            scf.if %cond3A_159 {
              %add3A_160 = arith.constant 2 : i32
              %add3A_161 = arith.addi %add3A_121, %add3A_160 : i32
              %dma_start3A = arith.constant 0 : i32
              %dma_start3A_162 = arith.constant 0 : i32
              %dma_start3A_163 = arith.constant 0 : i32
              %dma_start3A_164 = tpu.memref_slice %arg8[%add3A_161, %dma_start3A_162, %dma_start3A_163] : memref<16x1x128xi32, #tpu.memory_space<vmem>> -> memref<1x1x128xi32, #tpu.memory_space<vmem>>
              %dma_start3A_165 = tpu.memref_squeeze %dma_start3A_164 : memref<1x1x128xi32, #tpu.memory_space<vmem>> -> memref<1x128xi32, #tpu.memory_space<vmem>>
              %dma_start3A_166 = arith.constant 0 : i32
              %dma_start3A_167 = tpu.memref_slice %dma_start3A_165[%dma_start3A, %dma_start3A_166] : memref<1x128xi32, #tpu.memory_space<vmem>> -> memref<1x128xi32, #tpu.memory_space<vmem>>
              %dma_start3A_168 = tpu.memref_squeeze %dma_start3A_167 : memref<1x128xi32, #tpu.memory_space<vmem>> -> memref<128xi32, #tpu.memory_space<vmem>>
              %dma_start3A_169 = arith.constant 0 : i32
              %dma_start3A_170 = arith.constant 0 : i32
              %dma_start3A_171 = tpu.memref_slice %arg2[%dma_start3A_169, %dma_start3A_170] : memref<10000x128xf32, #tpu.memory_space<hbm>> -> memref<10000x128xf32, #tpu.memory_space<hbm>>
              tpu.enqueue_indirect_dma source(%dma_start3A_171 : memref<10000x128xf32, #tpu.memory_space<hbm>>) target(%arg10 : memref<128x128xf32, #tpu.memory_space<vmem>>) offsets(%dma_start3A_168 : memref<128xi32, #tpu.memory_space<vmem>>) semaphore(%arg13 : memref<!tpu.dma_semaphore, #tpu.memory_space<semaphore_mem>>)
            } else {
            }
          } else {
          }
          %mul3A_129 = arith.constant 2 : i32
          %mul3A_130 = arith.muli %mul3A_129, %add3A_117 : i32
          %add3A_131 = arith.constant 1 : i32
          %add3A_132 = arith.addi %mul3A_130, %add3A_131 : i32
          %mul3A_133 = arith.constant 16 : i32
          %mul3A_134 = arith.muli %add3A_85, %mul3A_133 : i32
          %add3A_135 = arith.addi %mul3A_134, %add3A_132 : i32
          %lt3A_136 = arith.cmpi slt, %add3A_135, %select_n3A : i32
          %convert_element_type3A_137 = arith.extui %lt3A_136 : i1 to i32
          %cond3A_138 = arith.constant 0 : i32
          %cond3A_139 = arith.cmpi ne, %convert_element_type3A_137, %cond3A_138 : i32
          scf.if %cond3A_139 {
            %dma_wait3A = arith.constant 0 : i32
            %dma_wait3A_140 = arith.constant 0 : i32
            %dma_wait3A_141 = arith.constant 0 : i32
            %dma_wait3A_142 = tpu.memref_slice %arg8[%add3A_132, %dma_wait3A_140, %dma_wait3A_141] : memref<16x1x128xi32, #tpu.memory_space<vmem>> -> memref<1x1x128xi32, #tpu.memory_space<vmem>>
            %dma_wait3A_143 = tpu.memref_squeeze %dma_wait3A_142 : memref<1x1x128xi32, #tpu.memory_space<vmem>> -> memref<1x128xi32, #tpu.memory_space<vmem>>
            %dma_wait3A_144 = arith.constant 0 : i32
            %dma_wait3A_145 = tpu.memref_slice %dma_wait3A_143[%dma_wait3A, %dma_wait3A_144] : memref<1x128xi32, #tpu.memory_space<vmem>> -> memref<1x128xi32, #tpu.memory_space<vmem>>
            %dma_wait3A_146 = tpu.memref_squeeze %dma_wait3A_145 : memref<1x128xi32, #tpu.memory_space<vmem>> -> memref<128xi32, #tpu.memory_space<vmem>>
            %dma_wait3A_147 = arith.constant 0 : i32
            %dma_wait3A_148 = arith.constant 0 : i32
            %dma_wait3A_149 = tpu.memref_slice %arg2[%dma_wait3A_147, %dma_wait3A_148] : memref<10000x128xf32, #tpu.memory_space<hbm>> -> memref<10000x128xf32, #tpu.memory_space<hbm>>
            tpu.wait_indirect_dma semaphore(%arg14 : memref<!tpu.dma_semaphore, #tpu.memory_space<semaphore_mem>>) src(%dma_wait3A_149 : memref<10000x128xf32, #tpu.memory_space<hbm>>) dst(%arg11 : memref<128x128xf32, #tpu.memory_space<vmem>>)
            %run_scoped3A = arith.constant 0 : i32
            "tpu.region"() ({
              %run_scoped3A_160 = tpu.sem_alloc : memref<!tpu.dma_semaphore, #tpu.memory_space<semaphore_mem>>
              %dma_start3A = arith.constant 0 : i32
              %dma_start3A_161 = arith.constant 0 : i32
              %dma_start3A_162 = tpu.memref_slice %arg9[%add3A_132, %dma_start3A, %dma_start3A_161] : memref<16x1x128xi32, #tpu.memory_space<vmem>> -> memref<1x1x128xi32, #tpu.memory_space<vmem>>
              %dma_start3A_163 = tpu.memref_squeeze %dma_start3A_162 : memref<1x1x128xi32, #tpu.memory_space<vmem>> -> memref<1x128xi32, #tpu.memory_space<vmem>>
              %dma_start3A_164 = arith.constant 0 : i32
              %dma_start3A_165 = tpu.memref_slice %dma_start3A_163[%run_scoped3A, %dma_start3A_164] : memref<1x128xi32, #tpu.memory_space<vmem>> -> memref<1x128xi32, #tpu.memory_space<vmem>>
              %dma_start3A_166 = tpu.memref_squeeze %dma_start3A_165 : memref<1x128xi32, #tpu.memory_space<vmem>> -> memref<128xi32, #tpu.memory_space<vmem>>
              %dma_start3A_167 = arith.constant 0 : i32
              %dma_start3A_168 = arith.constant 0 : i32
              %dma_start3A_169 = tpu.memref_slice %arg12[%dma_start3A_167, %dma_start3A_168] : memref<10240x128xf32, #tpu.memory_space<vmem_shared>> -> memref<10240x128xf32, #tpu.memory_space<vmem_shared>>
              tpu.enqueue_indirect_dma source(%arg11 : memref<128x128xf32, #tpu.memory_space<vmem>>) target(%dma_start3A_169 : memref<10240x128xf32, #tpu.memory_space<vmem_shared>>) offsets(%dma_start3A_166 : memref<128xi32, #tpu.memory_space<vmem>>) semaphore(%run_scoped3A_160 : memref<!tpu.dma_semaphore, #tpu.memory_space<semaphore_mem>>) {add = true}
              %dma_wait3A_170 = arith.constant 0 : i32
              %dma_wait3A_171 = arith.constant 0 : i32
              %dma_wait3A_172 = tpu.memref_slice %arg9[%add3A_132, %dma_wait3A_170, %dma_wait3A_171] : memref<16x1x128xi32, #tpu.memory_space<vmem>> -> memref<1x1x128xi32, #tpu.memory_space<vmem>>
              %dma_wait3A_173 = tpu.memref_squeeze %dma_wait3A_172 : memref<1x1x128xi32, #tpu.memory_space<vmem>> -> memref<1x128xi32, #tpu.memory_space<vmem>>
              %dma_wait3A_174 = arith.constant 0 : i32
              %dma_wait3A_175 = tpu.memref_slice %dma_wait3A_173[%run_scoped3A, %dma_wait3A_174] : memref<1x128xi32, #tpu.memory_space<vmem>> -> memref<1x128xi32, #tpu.memory_space<vmem>>
              %dma_wait3A_176 = tpu.memref_squeeze %dma_wait3A_175 : memref<1x128xi32, #tpu.memory_space<vmem>> -> memref<128xi32, #tpu.memory_space<vmem>>
              %dma_wait3A_177 = arith.constant 0 : i32
              %dma_wait3A_178 = arith.constant 0 : i32
              %dma_wait3A_179 = tpu.memref_slice %arg12[%dma_wait3A_177, %dma_wait3A_178] : memref<10240x128xf32, #tpu.memory_space<vmem_shared>> -> memref<10240x128xf32, #tpu.memory_space<vmem_shared>>
              tpu.wait_indirect_dma semaphore(%run_scoped3A_160 : memref<!tpu.dma_semaphore, #tpu.memory_space<semaphore_mem>>) src(%arg11 : memref<128x128xf32, #tpu.memory_space<vmem>>) dst(%dma_wait3A_179 : memref<10240x128xf32, #tpu.memory_space<vmem_shared>>)
              tpu.yield
            }) : () -> ()
            %add3A_150 = arith.constant 2 : i32
            %add3A_151 = arith.addi %add3A_132, %add3A_150 : i32
            %lt3A_152 = arith.constant 16 : i32
            %lt3A_153 = arith.cmpi slt, %add3A_151, %lt3A_152 : i32
            %add3A_154 = arith.constant 2 : i32
            %add3A_155 = arith.addi %add3A_135, %add3A_154 : i32
            %lt3A_156 = arith.cmpi slt, %add3A_155, %select_n3A : i32
            %and3A = arith.andi %lt3A_153, %lt3A_156 : i1
            %convert_element_type3A_157 = arith.extui %and3A : i1 to i32
            %cond3A_158 = arith.constant 0 : i32
            %cond3A_159 = arith.cmpi ne, %convert_element_type3A_157, %cond3A_158 : i32
            scf.if %cond3A_159 {
              %add3A_160 = arith.constant 2 : i32
              %add3A_161 = arith.addi %add3A_132, %add3A_160 : i32
              %dma_start3A = arith.constant 0 : i32
              %dma_start3A_162 = arith.constant 0 : i32
              %dma_start3A_163 = arith.constant 0 : i32
              %dma_start3A_164 = tpu.memref_slice %arg8[%add3A_161, %dma_start3A_162, %dma_start3A_163] : memref<16x1x128xi32, #tpu.memory_space<vmem>> -> memref<1x1x128xi32, #tpu.memory_space<vmem>>
              %dma_start3A_165 = tpu.memref_squeeze %dma_start3A_164 : memref<1x1x128xi32, #tpu.memory_space<vmem>> -> memref<1x128xi32, #tpu.memory_space<vmem>>
              %dma_start3A_166 = arith.constant 0 : i32
              %dma_start3A_167 = tpu.memref_slice %dma_start3A_165[%dma_start3A, %dma_start3A_166] : memref<1x128xi32, #tpu.memory_space<vmem>> -> memref<1x128xi32, #tpu.memory_space<vmem>>
              %dma_start3A_168 = tpu.memref_squeeze %dma_start3A_167 : memref<1x128xi32, #tpu.memory_space<vmem>> -> memref<128xi32, #tpu.memory_space<vmem>>
              %dma_start3A_169 = arith.constant 0 : i32
              %dma_start3A_170 = arith.constant 0 : i32
              %dma_start3A_171 = tpu.memref_slice %arg2[%dma_start3A_169, %dma_start3A_170] : memref<10000x128xf32, #tpu.memory_space<hbm>> -> memref<10000x128xf32, #tpu.memory_space<hbm>>
              tpu.enqueue_indirect_dma source(%dma_start3A_171 : memref<10000x128xf32, #tpu.memory_space<hbm>>) target(%arg11 : memref<128x128xf32, #tpu.memory_space<vmem>>) offsets(%dma_start3A_168 : memref<128xi32, #tpu.memory_space<vmem>>) semaphore(%arg14 : memref<!tpu.dma_semaphore, #tpu.memory_space<semaphore_mem>>)
            } else {
            }
          } else {
          }
        }
        %scan3A_112 = arith.constant 8 : i32
      }
      %scan3A_80 = arith.constant 10 : i32
    } else {
    }
    %eq3A_30 = arith.constant 1 : i32
    %eq3A_31 = arith.cmpi eq, %arg0, %eq3A_30 : i32
    %convert_element_type3A_32 = arith.extui %eq3A_31 : i1 to i32
    %cond3A_33 = arith.constant 0 : i32
    %cond3A_34 = arith.cmpi ne, %convert_element_type3A_32, %cond3A_33 : i32
    scf.if %cond3A_34 {
      %add3A_76 = arith.constant 0 : i32
      %add3A_77 = arith.addi %add3A, %add3A_76 : i32
      %mul3A_78 = arith.constant 128 : i32
      %mul3A_79 = arith.muli %add3A_77, %mul3A_78 : i32
      %dma_start3A = arith.constant 0 : i32
      %dma_start3A_80 = tpu.memref_slice %arg4[%mul3A_79, %dma_start3A] : memref<320000x128xf32, #tpu.memory_space<hbm>> -> memref<128x128xf32, #tpu.memory_space<hbm>>
      %dma_start3A_81 = arith.constant 0 : i32
      %dma_start3A_82 = tpu.memref_slice %arg4[%mul3A_79, %dma_start3A_81] : memref<320000x128xf32, #tpu.memory_space<hbm>> -> memref<128x128xf32, #tpu.memory_space<hbm>>
      tpu.enqueue_dma source(%dma_start3A_82 : memref<128x128xf32, #tpu.memory_space<hbm>>) target(%arg10 : memref<128x128xf32, #tpu.memory_space<vmem>>) target_semaphore(%arg15 : memref<!tpu.dma_semaphore, #tpu.memory_space<semaphore_mem>>)
      %add3A_83 = arith.constant 1 : i32
      %add3A_84 = arith.addi %add3A, %add3A_83 : i32
      %mul3A_85 = arith.constant 128 : i32
      %mul3A_86 = arith.muli %add3A_84, %mul3A_85 : i32
      %dma_start3A_87 = arith.constant 0 : i32
      %dma_start3A_88 = tpu.memref_slice %arg4[%mul3A_86, %dma_start3A_87] : memref<320000x128xf32, #tpu.memory_space<hbm>> -> memref<128x128xf32, #tpu.memory_space<hbm>>
      %dma_start3A_89 = arith.constant 0 : i32
      %dma_start3A_90 = tpu.memref_slice %arg4[%mul3A_86, %dma_start3A_89] : memref<320000x128xf32, #tpu.memory_space<hbm>> -> memref<128x128xf32, #tpu.memory_space<hbm>>
      tpu.enqueue_dma source(%dma_start3A_90 : memref<128x128xf32, #tpu.memory_space<hbm>>) target(%arg11 : memref<128x128xf32, #tpu.memory_space<vmem>>) target_semaphore(%arg16 : memref<!tpu.dma_semaphore, #tpu.memory_space<semaphore_mem>>)
      %scan3A_91 = arith.constant 0 : i32
      %scan3A_92 = arith.constant 10 : i32
      %scan3A_93 = arith.addi %scan3A_91, %scan3A_92 : i32
      %scan3A_94 = arith.constant 1 : i32
      scf.for %scan3A_96 = %scan3A_91 to %scan3A_93 step %scan3A_94  : i32 {
        %mul3A_97 = arith.constant 1 : i32
        %mul3A_98 = arith.muli %scan3A_96, %mul3A_97 : i32
        %add3A_99 = arith.constant 0 : i32
        %add3A_100 = arith.addi %add3A_99, %mul3A_98 : i32
        %mul3A_101 = arith.constant 16 : i32
        %mul3A_102 = arith.muli %add3A_100, %mul3A_101 : i32
        %add3A_103 = arith.addi %add3A, %mul3A_102 : i32
        "tpu.region"() ({
          %run_scoped3A = tpu.sem_alloc : memref<!tpu.dma_semaphore, #tpu.memory_space<semaphore_mem>>
          %dma_start3A_118 = arith.constant 0 : i32
          %dma_start3A_119 = arith.constant 0 : i32
          %dma_start3A_120 = tpu.memref_slice %arg5[%add3A_103, %dma_start3A_118, %dma_start3A_119] : memref<2512x1x128xi32, #tpu.memory_space<hbm>> -> memref<16x1x128xi32, #tpu.memory_space<hbm>>
          %dma_start3A_121 = arith.constant 0 : i32
          %dma_start3A_122 = arith.constant 0 : i32
          %dma_start3A_123 = tpu.memref_slice %arg5[%add3A_103, %dma_start3A_121, %dma_start3A_122] : memref<2512x1x128xi32, #tpu.memory_space<hbm>> -> memref<16x1x128xi32, #tpu.memory_space<hbm>>
          tpu.enqueue_dma source(%dma_start3A_123 : memref<16x1x128xi32, #tpu.memory_space<hbm>>) target(%arg8 : memref<16x1x128xi32, #tpu.memory_space<vmem>>) target_semaphore(%run_scoped3A : memref<!tpu.dma_semaphore, #tpu.memory_space<semaphore_mem>>)
          %dma_wait3A = arith.constant 0 : i32
          %dma_wait3A_124 = arith.constant 0 : i32
          %dma_wait3A_125 = tpu.memref_slice %arg5[%add3A_103, %dma_wait3A, %dma_wait3A_124] : memref<2512x1x128xi32, #tpu.memory_space<hbm>> -> memref<16x1x128xi32, #tpu.memory_space<hbm>>
          %dma_wait3A_126 = arith.constant 0 : i32
          %dma_wait3A_127 = arith.constant 0 : i32
          %dma_wait3A_128 = tpu.memref_slice %arg5[%add3A_103, %dma_wait3A_126, %dma_wait3A_127] : memref<2512x1x128xi32, #tpu.memory_space<hbm>> -> memref<16x1x128xi32, #tpu.memory_space<hbm>>
          tpu.wait_dma2 semaphore(%run_scoped3A : memref<!tpu.dma_semaphore, #tpu.memory_space<semaphore_mem>>) src(%dma_wait3A_128 : memref<16x1x128xi32, #tpu.memory_space<hbm>>) dst(%arg8 : memref<16x1x128xi32, #tpu.memory_space<vmem>>)
          tpu.yield
        }) : () -> ()
        %mul3A_104 = arith.constant 16 : i32
        %mul3A_105 = arith.muli %add3A_100, %mul3A_104 : i32
        %add3A_106 = arith.addi %add3A, %mul3A_105 : i32
        "tpu.region"() ({
          %run_scoped3A = tpu.sem_alloc : memref<!tpu.dma_semaphore, #tpu.memory_space<semaphore_mem>>
          %dma_start3A_118 = arith.constant 0 : i32
          %dma_start3A_119 = arith.constant 0 : i32
          %dma_start3A_120 = tpu.memref_slice %arg6[%add3A_106, %dma_start3A_118, %dma_start3A_119] : memref<2512x1x128xi32, #tpu.memory_space<hbm>> -> memref<16x1x128xi32, #tpu.memory_space<hbm>>
          %dma_start3A_121 = arith.constant 0 : i32
          %dma_start3A_122 = arith.constant 0 : i32
          %dma_start3A_123 = tpu.memref_slice %arg6[%add3A_106, %dma_start3A_121, %dma_start3A_122] : memref<2512x1x128xi32, #tpu.memory_space<hbm>> -> memref<16x1x128xi32, #tpu.memory_space<hbm>>
          tpu.enqueue_dma source(%dma_start3A_123 : memref<16x1x128xi32, #tpu.memory_space<hbm>>) target(%arg9 : memref<16x1x128xi32, #tpu.memory_space<vmem>>) target_semaphore(%run_scoped3A : memref<!tpu.dma_semaphore, #tpu.memory_space<semaphore_mem>>)
          %dma_wait3A = arith.constant 0 : i32
          %dma_wait3A_124 = arith.constant 0 : i32
          %dma_wait3A_125 = tpu.memref_slice %arg6[%add3A_106, %dma_wait3A, %dma_wait3A_124] : memref<2512x1x128xi32, #tpu.memory_space<hbm>> -> memref<16x1x128xi32, #tpu.memory_space<hbm>>
          %dma_wait3A_126 = arith.constant 0 : i32
          %dma_wait3A_127 = arith.constant 0 : i32
          %dma_wait3A_128 = tpu.memref_slice %arg6[%add3A_106, %dma_wait3A_126, %dma_wait3A_127] : memref<2512x1x128xi32, #tpu.memory_space<hbm>> -> memref<16x1x128xi32, #tpu.memory_space<hbm>>
          tpu.wait_dma2 semaphore(%run_scoped3A : memref<!tpu.dma_semaphore, #tpu.memory_space<semaphore_mem>>) src(%dma_wait3A_128 : memref<16x1x128xi32, #tpu.memory_space<hbm>>) dst(%arg9 : memref<16x1x128xi32, #tpu.memory_space<vmem>>)
          tpu.yield
        }) : () -> ()
        %mul3A_107 = arith.constant 16 : i32
        %mul3A_108 = arith.muli %add3A_100, %mul3A_107 : i32
        %lt3A_109 = arith.cmpi slt, %mul3A_108, %select_n3A : i32
        %convert_element_type3A_110 = arith.extui %lt3A_109 : i1 to i32
        %cond3A_111 = arith.constant 0 : i32
        %cond3A_112 = arith.cmpi ne, %convert_element_type3A_110, %cond3A_111 : i32
        scf.if %cond3A_112 {
          %mul3A_118 = arith.constant 16 : i32
          %mul3A_119 = arith.muli %add3A_100, %mul3A_118 : i32
          %add3A_120 = arith.addi %add3A, %mul3A_119 : i32
          %mul3A_121 = arith.constant 128 : i32
          %mul3A_122 = arith.muli %add3A_120, %mul3A_121 : i32
          %dma_wait3A = arith.constant 0 : i32
          %dma_wait3A_123 = tpu.memref_slice %arg4[%mul3A_122, %dma_wait3A] : memref<320000x128xf32, #tpu.memory_space<hbm>> -> memref<128x128xf32, #tpu.memory_space<hbm>>
          %dma_wait3A_124 = arith.constant 0 : i32
          %dma_wait3A_125 = tpu.memref_slice %arg4[%mul3A_122, %dma_wait3A_124] : memref<320000x128xf32, #tpu.memory_space<hbm>> -> memref<128x128xf32, #tpu.memory_space<hbm>>
          tpu.wait_dma2 semaphore(%arg15 : memref<!tpu.dma_semaphore, #tpu.memory_space<semaphore_mem>>) src(%dma_wait3A_125 : memref<128x128xf32, #tpu.memory_space<hbm>>) dst(%arg10 : memref<128x128xf32, #tpu.memory_space<vmem>>)
          %dma_start3A_126 = arith.constant 0 : i32
          %dma_start3A_127 = arith.constant 0 : i32
          %dma_start3A_128 = arith.constant 0 : i32
          %dma_start3A_129 = arith.constant 0 : i32
          %dma_start3A_130 = tpu.memref_slice %arg8[%dma_start3A_126, %dma_start3A_128, %dma_start3A_129] : memref<16x1x128xi32, #tpu.memory_space<vmem>> -> memref<1x1x128xi32, #tpu.memory_space<vmem>>
          %dma_start3A_131 = tpu.memref_squeeze %dma_start3A_130 : memref<1x1x128xi32, #tpu.memory_space<vmem>> -> memref<1x128xi32, #tpu.memory_space<vmem>>
          %dma_start3A_132 = arith.constant 0 : i32
          %dma_start3A_133 = tpu.memref_slice %dma_start3A_131[%dma_start3A_127, %dma_start3A_132] : memref<1x128xi32, #tpu.memory_space<vmem>> -> memref<1x128xi32, #tpu.memory_space<vmem>>
          %dma_start3A_134 = tpu.memref_squeeze %dma_start3A_133 : memref<1x128xi32, #tpu.memory_space<vmem>> -> memref<128xi32, #tpu.memory_space<vmem>>
          %dma_start3A_135 = arith.constant 0 : i32
          %dma_start3A_136 = arith.constant 0 : i32
          %dma_start3A_137 = tpu.memref_slice %arg3[%dma_start3A_135, %dma_start3A_136] : memref<10000x128xf32, #tpu.memory_space<hbm>> -> memref<10000x128xf32, #tpu.memory_space<hbm>>
          tpu.enqueue_indirect_dma source(%dma_start3A_137 : memref<10000x128xf32, #tpu.memory_space<hbm>>) target(%arg10 : memref<128x128xf32, #tpu.memory_space<vmem>>) offsets(%dma_start3A_134 : memref<128xi32, #tpu.memory_space<vmem>>) semaphore(%arg13 : memref<!tpu.dma_semaphore, #tpu.memory_space<semaphore_mem>>) {add = true}
        } else {
        }
        %scan3A_113 = arith.constant 0 : i32
        %scan3A_114 = arith.constant 8 : i32
        %scan3A_115 = arith.addi %scan3A_113, %scan3A_114 : i32
        %scan3A_116 = arith.constant 1 : i32
        scf.for %scan3A_118 = %scan3A_113 to %scan3A_115 step %scan3A_116  : i32 {
          %mul3A_119 = arith.constant 1 : i32
          %mul3A_120 = arith.muli %scan3A_118, %mul3A_119 : i32
          %add3A_121 = arith.constant 0 : i32
          %add3A_122 = arith.addi %add3A_121, %mul3A_120 : i32
          %mul3A_123 = arith.constant 2 : i32
          %mul3A_124 = arith.muli %mul3A_123, %add3A_122 : i32
          %add3A_125 = arith.constant 0 : i32
          %add3A_126 = arith.addi %mul3A_124, %add3A_125 : i32
          %mul3A_127 = arith.constant 16 : i32
          %mul3A_128 = arith.muli %add3A_100, %mul3A_127 : i32
          %add3A_129 = arith.addi %mul3A_128, %add3A_126 : i32
          %lt3A_130 = arith.cmpi slt, %add3A_129, %select_n3A : i32
          %convert_element_type3A_131 = arith.extui %lt3A_130 : i1 to i32
          %cond3A_132 = arith.constant 0 : i32
          %cond3A_133 = arith.cmpi ne, %convert_element_type3A_131, %cond3A_132 : i32
          scf.if %cond3A_133 {
            %dma_wait3A = arith.constant 0 : i32
            %dma_wait3A_145 = arith.constant 0 : i32
            %dma_wait3A_146 = arith.constant 0 : i32
            %dma_wait3A_147 = tpu.memref_slice %arg8[%add3A_126, %dma_wait3A_145, %dma_wait3A_146] : memref<16x1x128xi32, #tpu.memory_space<vmem>> -> memref<1x1x128xi32, #tpu.memory_space<vmem>>
            %dma_wait3A_148 = tpu.memref_squeeze %dma_wait3A_147 : memref<1x1x128xi32, #tpu.memory_space<vmem>> -> memref<1x128xi32, #tpu.memory_space<vmem>>
            %dma_wait3A_149 = arith.constant 0 : i32
            %dma_wait3A_150 = tpu.memref_slice %dma_wait3A_148[%dma_wait3A, %dma_wait3A_149] : memref<1x128xi32, #tpu.memory_space<vmem>> -> memref<1x128xi32, #tpu.memory_space<vmem>>
            %dma_wait3A_151 = tpu.memref_squeeze %dma_wait3A_150 : memref<1x128xi32, #tpu.memory_space<vmem>> -> memref<128xi32, #tpu.memory_space<vmem>>
            %dma_wait3A_152 = arith.constant 0 : i32
            %dma_wait3A_153 = arith.constant 0 : i32
            %dma_wait3A_154 = tpu.memref_slice %arg3[%dma_wait3A_152, %dma_wait3A_153] : memref<10000x128xf32, #tpu.memory_space<hbm>> -> memref<10000x128xf32, #tpu.memory_space<hbm>>
            tpu.wait_indirect_dma semaphore(%arg13 : memref<!tpu.dma_semaphore, #tpu.memory_space<semaphore_mem>>) src(%dma_wait3A_154 : memref<10000x128xf32, #tpu.memory_space<hbm>>) dst(%arg10 : memref<128x128xf32, #tpu.memory_space<vmem>>)
            %add3A_155 = arith.constant 1 : i32
            %add3A_156 = arith.addi %add3A_126, %add3A_155 : i32
            %lt3A_157 = arith.constant 16 : i32
            %lt3A_158 = arith.cmpi slt, %add3A_156, %lt3A_157 : i32
            %add3A_159 = arith.constant 1 : i32
            %add3A_160 = arith.addi %add3A_129, %add3A_159 : i32
            %lt3A_161 = arith.cmpi slt, %add3A_160, %select_n3A : i32
            %and3A = arith.andi %lt3A_158, %lt3A_161 : i1
            %convert_element_type3A_162 = arith.extui %and3A : i1 to i32
            %cond3A_163 = arith.constant 0 : i32
            %cond3A_164 = arith.cmpi ne, %convert_element_type3A_162, %cond3A_163 : i32
            scf.if %cond3A_164 {
              %add3A_176 = arith.addi %add3A, %add3A_129 : i32
              %add3A_177 = arith.constant 1 : i32
              %add3A_178 = arith.addi %add3A_176, %add3A_177 : i32
              %mul3A_179 = arith.constant 128 : i32
              %mul3A_180 = arith.muli %add3A_178, %mul3A_179 : i32
              %dma_wait3A_181 = arith.constant 0 : i32
              %dma_wait3A_182 = tpu.memref_slice %arg4[%mul3A_180, %dma_wait3A_181] : memref<320000x128xf32, #tpu.memory_space<hbm>> -> memref<128x128xf32, #tpu.memory_space<hbm>>
              %dma_wait3A_183 = arith.constant 0 : i32
              %dma_wait3A_184 = tpu.memref_slice %arg4[%mul3A_180, %dma_wait3A_183] : memref<320000x128xf32, #tpu.memory_space<hbm>> -> memref<128x128xf32, #tpu.memory_space<hbm>>
              tpu.wait_dma2 semaphore(%arg16 : memref<!tpu.dma_semaphore, #tpu.memory_space<semaphore_mem>>) src(%dma_wait3A_184 : memref<128x128xf32, #tpu.memory_space<hbm>>) dst(%arg11 : memref<128x128xf32, #tpu.memory_space<vmem>>)
              %add3A_185 = arith.constant 1 : i32
              %add3A_186 = arith.addi %add3A_126, %add3A_185 : i32
              %dma_start3A_187 = arith.constant 0 : i32
              %dma_start3A_188 = arith.constant 0 : i32
              %dma_start3A_189 = arith.constant 0 : i32
              %dma_start3A_190 = tpu.memref_slice %arg8[%add3A_186, %dma_start3A_188, %dma_start3A_189] : memref<16x1x128xi32, #tpu.memory_space<vmem>> -> memref<1x1x128xi32, #tpu.memory_space<vmem>>
              %dma_start3A_191 = tpu.memref_squeeze %dma_start3A_190 : memref<1x1x128xi32, #tpu.memory_space<vmem>> -> memref<1x128xi32, #tpu.memory_space<vmem>>
              %dma_start3A_192 = arith.constant 0 : i32
              %dma_start3A_193 = tpu.memref_slice %dma_start3A_191[%dma_start3A_187, %dma_start3A_192] : memref<1x128xi32, #tpu.memory_space<vmem>> -> memref<1x128xi32, #tpu.memory_space<vmem>>
              %dma_start3A_194 = tpu.memref_squeeze %dma_start3A_193 : memref<1x128xi32, #tpu.memory_space<vmem>> -> memref<128xi32, #tpu.memory_space<vmem>>
              %dma_start3A_195 = arith.constant 0 : i32
              %dma_start3A_196 = arith.constant 0 : i32
              %dma_start3A_197 = tpu.memref_slice %arg3[%dma_start3A_195, %dma_start3A_196] : memref<10000x128xf32, #tpu.memory_space<hbm>> -> memref<10000x128xf32, #tpu.memory_space<hbm>>
              tpu.enqueue_indirect_dma source(%dma_start3A_197 : memref<10000x128xf32, #tpu.memory_space<hbm>>) target(%arg11 : memref<128x128xf32, #tpu.memory_space<vmem>>) offsets(%dma_start3A_194 : memref<128xi32, #tpu.memory_space<vmem>>) semaphore(%arg14 : memref<!tpu.dma_semaphore, #tpu.memory_space<semaphore_mem>>) {add = true}
            } else {
            }
            %scan3A_165 = arith.constant 0 : i32
            %scan3A_166 = arith.constant 128 : i32
            %scan3A_167 = arith.addi %scan3A_165, %scan3A_166 : i32
            %scan3A_168 = arith.constant 1 : i32
            scf.for %scan3A_176 = %scan3A_165 to %scan3A_167 step %scan3A_168  : i32 {
              %mul3A_177 = arith.constant 1 : i32
              %mul3A_178 = arith.muli %scan3A_176, %mul3A_177 : i32
              %add3A_179 = arith.constant 0 : i32
              %add3A_180 = arith.addi %add3A_179, %mul3A_178 : i32
              %get3A = arith.index_cast %add3A_180 : i32 to index
              %get3A_181 = arith.constant 0 : index
              %get3A_182 = tpu.vector_load %arg10[%get3A, %get3A_181] {strides = array<i32>} : memref<128x128xf32, #tpu.memory_space<vmem>>, vector<1x16xf32>,
              %get3A_183 = vector.shape_cast %get3A_182 : vector<1x16xf32> to vector<16xf32>
              %max3A = arith.constant 0.000000e+00 : f32
              %max3A_184 = vector.broadcast %max3A : f32 to vector<16xf32>
              %max3A_185 = arith.maximumf %get3A_183, %max3A_184 : vector<16xf32>
              %swap3A = arith.index_cast %add3A_180 : i32 to index
              %swap3A_186 = arith.constant 0 : index
              %swap3A_187 = tpu.vector_load %arg10[%swap3A, %swap3A_186] {strides = array<i32>} : memref<128x128xf32, #tpu.memory_space<vmem>>, vector<1x16xf32>,
              %swap3A_188 = vector.shape_cast %swap3A_187 : vector<1x16xf32> to vector<16xf32>
              %swap3A_189 = vector.shape_cast %max3A_185 : vector<16xf32> to vector<1x16xf32>
              tpu.vector_store %arg10[%swap3A, %swap3A_186], %swap3A_189 {strides = array<i32>} : memref<128x128xf32, #tpu.memory_space<vmem>>, vector<1x16xf32>,
              %get3A_190 = arith.index_cast %add3A_180 : i32 to index
              %get3A_191 = arith.constant 16 : index
              %get3A_192 = tpu.vector_load %arg10[%get3A_190, %get3A_191] {strides = array<i32>} : memref<128x128xf32, #tpu.memory_space<vmem>>, vector<1x16xf32>,
              %get3A_193 = vector.shape_cast %get3A_192 : vector<1x16xf32> to vector<16xf32>
              %max3A_194 = arith.constant 0.000000e+00 : f32
              %max3A_195 = vector.broadcast %max3A_194 : f32 to vector<16xf32>
              %max3A_196 = arith.maximumf %get3A_193, %max3A_195 : vector<16xf32>
              %swap3A_197 = arith.index_cast %add3A_180 : i32 to index
              %swap3A_198 = arith.constant 16 : index
              %swap3A_199 = tpu.vector_load %arg10[%swap3A_197, %swap3A_198] {strides = array<i32>} : memref<128x128xf32, #tpu.memory_space<vmem>>, vector<1x16xf32>,
              %swap3A_200 = vector.shape_cast %swap3A_199 : vector<1x16xf32> to vector<16xf32>
              %swap3A_201 = vector.shape_cast %max3A_196 : vector<16xf32> to vector<1x16xf32>
              tpu.vector_store %arg10[%swap3A_197, %swap3A_198], %swap3A_201 {strides = array<i32>} : memref<128x128xf32, #tpu.memory_space<vmem>>, vector<1x16xf32>,
              %get3A_202 = arith.index_cast %add3A_180 : i32 to index
              %get3A_203 = arith.constant 32 : index
              %get3A_204 = tpu.vector_load %arg10[%get3A_202, %get3A_203] {strides = array<i32>} : memref<128x128xf32, #tpu.memory_space<vmem>>, vector<1x16xf32>,
              %get3A_205 = vector.shape_cast %get3A_204 : vector<1x16xf32> to vector<16xf32>
              %max3A_206 = arith.constant 0.000000e+00 : f32
              %max3A_207 = vector.broadcast %max3A_206 : f32 to vector<16xf32>
              %max3A_208 = arith.maximumf %get3A_205, %max3A_207 : vector<16xf32>
              %swap3A_209 = arith.index_cast %add3A_180 : i32 to index
              %swap3A_210 = arith.constant 32 : index
              %swap3A_211 = tpu.vector_load %arg10[%swap3A_209, %swap3A_210] {strides = array<i32>} : memref<128x128xf32, #tpu.memory_space<vmem>>, vector<1x16xf32>,
              %swap3A_212 = vector.shape_cast %swap3A_211 : vector<1x16xf32> to vector<16xf32>
              %swap3A_213 = vector.shape_cast %max3A_208 : vector<16xf32> to vector<1x16xf32>
              tpu.vector_store %arg10[%swap3A_209, %swap3A_210], %swap3A_213 {strides = array<i32>} : memref<128x128xf32, #tpu.memory_space<vmem>>, vector<1x16xf32>,
              %get3A_214 = arith.index_cast %add3A_180 : i32 to index
              %get3A_215 = arith.constant 48 : index
              %get3A_216 = tpu.vector_load %arg10[%get3A_214, %get3A_215] {strides = array<i32>} : memref<128x128xf32, #tpu.memory_space<vmem>>, vector<1x16xf32>,
              %get3A_217 = vector.shape_cast %get3A_216 : vector<1x16xf32> to vector<16xf32>
              %max3A_218 = arith.constant 0.000000e+00 : f32
              %max3A_219 = vector.broadcast %max3A_218 : f32 to vector<16xf32>
              %max3A_220 = arith.maximumf %get3A_217, %max3A_219 : vector<16xf32>
              %swap3A_221 = arith.index_cast %add3A_180 : i32 to index
              %swap3A_222 = arith.constant 48 : index
              %swap3A_223 = tpu.vector_load %arg10[%swap3A_221, %swap3A_222] {strides = array<i32>} : memref<128x128xf32, #tpu.memory_space<vmem>>, vector<1x16xf32>,
              %swap3A_224 = vector.shape_cast %swap3A_223 : vector<1x16xf32> to vector<16xf32>
              %swap3A_225 = vector.shape_cast %max3A_220 : vector<16xf32> to vector<1x16xf32>
              tpu.vector_store %arg10[%swap3A_221, %swap3A_222], %swap3A_225 {strides = array<i32>} : memref<128x128xf32, #tpu.memory_space<vmem>>, vector<1x16xf32>,
              %get3A_226 = arith.index_cast %add3A_180 : i32 to index
              %get3A_227 = arith.constant 64 : index
              %get3A_228 = tpu.vector_load %arg10[%get3A_226, %get3A_227] {strides = array<i32>} : memref<128x128xf32, #tpu.memory_space<vmem>>, vector<1x16xf32>,
              %get3A_229 = vector.shape_cast %get3A_228 : vector<1x16xf32> to vector<16xf32>
              %max3A_230 = arith.constant 0.000000e+00 : f32
              %max3A_231 = vector.broadcast %max3A_230 : f32 to vector<16xf32>
              %max3A_232 = arith.maximumf %get3A_229, %max3A_231 : vector<16xf32>
              %swap3A_233 = arith.index_cast %add3A_180 : i32 to index
              %swap3A_234 = arith.constant 64 : index
              %swap3A_235 = tpu.vector_load %arg10[%swap3A_233, %swap3A_234] {strides = array<i32>} : memref<128x128xf32, #tpu.memory_space<vmem>>, vector<1x16xf32>,
              %swap3A_236 = vector.shape_cast %swap3A_235 : vector<1x16xf32> to vector<16xf32>
              %swap3A_237 = vector.shape_cast %max3A_232 : vector<16xf32> to vector<1x16xf32>
              tpu.vector_store %arg10[%swap3A_233, %swap3A_234], %swap3A_237 {strides = array<i32>} : memref<128x128xf32, #tpu.memory_space<vmem>>, vector<1x16xf32>,
              %get3A_238 = arith.index_cast %add3A_180 : i32 to index
              %get3A_239 = arith.constant 80 : index
              %get3A_240 = tpu.vector_load %arg10[%get3A_238, %get3A_239] {strides = array<i32>} : memref<128x128xf32, #tpu.memory_space<vmem>>, vector<1x16xf32>,
              %get3A_241 = vector.shape_cast %get3A_240 : vector<1x16xf32> to vector<16xf32>
              %max3A_242 = arith.constant 0.000000e+00 : f32
              %max3A_243 = vector.broadcast %max3A_242 : f32 to vector<16xf32>
              %max3A_244 = arith.maximumf %get3A_241, %max3A_243 : vector<16xf32>
              %swap3A_245 = arith.index_cast %add3A_180 : i32 to index
              %swap3A_246 = arith.constant 80 : index
              %swap3A_247 = tpu.vector_load %arg10[%swap3A_245, %swap3A_246] {strides = array<i32>} : memref<128x128xf32, #tpu.memory_space<vmem>>, vector<1x16xf32>,
              %swap3A_248 = vector.shape_cast %swap3A_247 : vector<1x16xf32> to vector<16xf32>
              %swap3A_249 = vector.shape_cast %max3A_244 : vector<16xf32> to vector<1x16xf32>
              tpu.vector_store %arg10[%swap3A_245, %swap3A_246], %swap3A_249 {strides = array<i32>} : memref<128x128xf32, #tpu.memory_space<vmem>>, vector<1x16xf32>,
              %get3A_250 = arith.index_cast %add3A_180 : i32 to index
              %get3A_251 = arith.constant 96 : index
              %get3A_252 = tpu.vector_load %arg10[%get3A_250, %get3A_251] {strides = array<i32>} : memref<128x128xf32, #tpu.memory_space<vmem>>, vector<1x16xf32>,
              %get3A_253 = vector.shape_cast %get3A_252 : vector<1x16xf32> to vector<16xf32>
              %max3A_254 = arith.constant 0.000000e+00 : f32
              %max3A_255 = vector.broadcast %max3A_254 : f32 to vector<16xf32>
              %max3A_256 = arith.maximumf %get3A_253, %max3A_255 : vector<16xf32>
              %swap3A_257 = arith.index_cast %add3A_180 : i32 to index
              %swap3A_258 = arith.constant 96 : index
              %swap3A_259 = tpu.vector_load %arg10[%swap3A_257, %swap3A_258] {strides = array<i32>} : memref<128x128xf32, #tpu.memory_space<vmem>>, vector<1x16xf32>,
              %swap3A_260 = vector.shape_cast %swap3A_259 : vector<1x16xf32> to vector<16xf32>
              %swap3A_261 = vector.shape_cast %max3A_256 : vector<16xf32> to vector<1x16xf32>
              tpu.vector_store %arg10[%swap3A_257, %swap3A_258], %swap3A_261 {strides = array<i32>} : memref<128x128xf32, #tpu.memory_space<vmem>>, vector<1x16xf32>,
              %get3A_262 = arith.index_cast %add3A_180 : i32 to index
              %get3A_263 = arith.constant 112 : index
              %get3A_264 = tpu.vector_load %arg10[%get3A_262, %get3A_263] {strides = array<i32>} : memref<128x128xf32, #tpu.memory_space<vmem>>, vector<1x16xf32>,
              %get3A_265 = vector.shape_cast %get3A_264 : vector<1x16xf32> to vector<16xf32>
              %max3A_266 = arith.constant 0.000000e+00 : f32
              %max3A_267 = vector.broadcast %max3A_266 : f32 to vector<16xf32>
              %max3A_268 = arith.maximumf %get3A_265, %max3A_267 : vector<16xf32>
              %swap3A_269 = arith.index_cast %add3A_180 : i32 to index
              %swap3A_270 = arith.constant 112 : index
              %swap3A_271 = tpu.vector_load %arg10[%swap3A_269, %swap3A_270] {strides = array<i32>} : memref<128x128xf32, #tpu.memory_space<vmem>>, vector<1x16xf32>,
              %swap3A_272 = vector.shape_cast %swap3A_271 : vector<1x16xf32> to vector<16xf32>
              %swap3A_273 = vector.shape_cast %max3A_268 : vector<16xf32> to vector<1x16xf32>
              tpu.vector_store %arg10[%swap3A_269, %swap3A_270], %swap3A_273 {strides = array<i32>} : memref<128x128xf32, #tpu.memory_space<vmem>>, vector<1x16xf32>,
            }
            %scan3A_169 = arith.constant 128 : i32
            %run_scoped3A = arith.constant 0 : i32
            "tpu.region"() ({
              %run_scoped3A_176 = tpu.sem_alloc : memref<!tpu.dma_semaphore, #tpu.memory_space<semaphore_mem>>
              %dma_start3A_177 = arith.constant 0 : i32
              %dma_start3A_178 = arith.constant 0 : i32
              %dma_start3A_179 = tpu.memref_slice %arg9[%add3A_126, %dma_start3A_177, %dma_start3A_178] : memref<16x1x128xi32, #tpu.memory_space<vmem>> -> memref<1x1x128xi32, #tpu.memory_space<vmem>>
              %dma_start3A_180 = tpu.memref_squeeze %dma_start3A_179 : memref<1x1x128xi32, #tpu.memory_space<vmem>> -> memref<1x128xi32, #tpu.memory_space<vmem>>
              %dma_start3A_181 = arith.constant 0 : i32
              %dma_start3A_182 = tpu.memref_slice %dma_start3A_180[%run_scoped3A, %dma_start3A_181] : memref<1x128xi32, #tpu.memory_space<vmem>> -> memref<1x128xi32, #tpu.memory_space<vmem>>
              %dma_start3A_183 = tpu.memref_squeeze %dma_start3A_182 : memref<1x128xi32, #tpu.memory_space<vmem>> -> memref<128xi32, #tpu.memory_space<vmem>>
              %dma_start3A_184 = arith.constant 0 : i32
              %dma_start3A_185 = arith.constant 0 : i32
              %dma_start3A_186 = tpu.memref_slice %arg12[%dma_start3A_184, %dma_start3A_185] : memref<10240x128xf32, #tpu.memory_space<vmem_shared>> -> memref<10240x128xf32, #tpu.memory_space<vmem_shared>>
              tpu.enqueue_indirect_dma source(%arg10 : memref<128x128xf32, #tpu.memory_space<vmem>>) target(%dma_start3A_186 : memref<10240x128xf32, #tpu.memory_space<vmem_shared>>) offsets(%dma_start3A_183 : memref<128xi32, #tpu.memory_space<vmem>>) semaphore(%run_scoped3A_176 : memref<!tpu.dma_semaphore, #tpu.memory_space<semaphore_mem>>) {add = true}
              %dma_wait3A_187 = arith.constant 0 : i32
              %dma_wait3A_188 = arith.constant 0 : i32
              %dma_wait3A_189 = tpu.memref_slice %arg9[%add3A_126, %dma_wait3A_187, %dma_wait3A_188] : memref<16x1x128xi32, #tpu.memory_space<vmem>> -> memref<1x1x128xi32, #tpu.memory_space<vmem>>
              %dma_wait3A_190 = tpu.memref_squeeze %dma_wait3A_189 : memref<1x1x128xi32, #tpu.memory_space<vmem>> -> memref<1x128xi32, #tpu.memory_space<vmem>>
              %dma_wait3A_191 = arith.constant 0 : i32
              %dma_wait3A_192 = tpu.memref_slice %dma_wait3A_190[%run_scoped3A, %dma_wait3A_191] : memref<1x128xi32, #tpu.memory_space<vmem>> -> memref<1x128xi32, #tpu.memory_space<vmem>>
              %dma_wait3A_193 = tpu.memref_squeeze %dma_wait3A_192 : memref<1x128xi32, #tpu.memory_space<vmem>> -> memref<128xi32, #tpu.memory_space<vmem>>
              %dma_wait3A_194 = arith.constant 0 : i32
              %dma_wait3A_195 = arith.constant 0 : i32
              %dma_wait3A_196 = tpu.memref_slice %arg12[%dma_wait3A_194, %dma_wait3A_195] : memref<10240x128xf32, #tpu.memory_space<vmem_shared>> -> memref<10240x128xf32, #tpu.memory_space<vmem_shared>>
              tpu.wait_indirect_dma semaphore(%run_scoped3A_176 : memref<!tpu.dma_semaphore, #tpu.memory_space<semaphore_mem>>) src(%arg10 : memref<128x128xf32, #tpu.memory_space<vmem>>) dst(%dma_wait3A_196 : memref<10240x128xf32, #tpu.memory_space<vmem_shared>>)
              tpu.yield
            }) : () -> ()
            %add3A_170 = arith.constant 2 : i32
            %add3A_171 = arith.addi %add3A_129, %add3A_170 : i32
            %lt3A_172 = arith.cmpi slt, %add3A_171, %select_n3A : i32
            %convert_element_type3A_173 = arith.extui %lt3A_172 : i1 to i32
            %cond3A_174 = arith.constant 0 : i32
            %cond3A_175 = arith.cmpi ne, %convert_element_type3A_173, %cond3A_174 : i32
            scf.if %cond3A_175 {
              %add3A_176 = arith.addi %add3A, %add3A_129 : i32
              %add3A_177 = arith.constant 2 : i32
              %add3A_178 = arith.addi %add3A_176, %add3A_177 : i32
              %mul3A_179 = arith.constant 128 : i32
              %mul3A_180 = arith.muli %add3A_178, %mul3A_179 : i32
              %dma_start3A_181 = arith.constant 0 : i32
              %dma_start3A_182 = tpu.memref_slice %arg4[%mul3A_180, %dma_start3A_181] : memref<320000x128xf32, #tpu.memory_space<hbm>> -> memref<128x128xf32, #tpu.memory_space<hbm>>
              %dma_start3A_183 = arith.constant 0 : i32
              %dma_start3A_184 = tpu.memref_slice %arg4[%mul3A_180, %dma_start3A_183] : memref<320000x128xf32, #tpu.memory_space<hbm>> -> memref<128x128xf32, #tpu.memory_space<hbm>>
              tpu.enqueue_dma source(%dma_start3A_184 : memref<128x128xf32, #tpu.memory_space<hbm>>) target(%arg10 : memref<128x128xf32, #tpu.memory_space<vmem>>) target_semaphore(%arg15 : memref<!tpu.dma_semaphore, #tpu.memory_space<semaphore_mem>>)
            } else {
            }
          } else {
          }
          %mul3A_134 = arith.constant 2 : i32
          %mul3A_135 = arith.muli %mul3A_134, %add3A_122 : i32
          %add3A_136 = arith.constant 1 : i32
          %add3A_137 = arith.addi %mul3A_135, %add3A_136 : i32
          %mul3A_138 = arith.constant 16 : i32
          %mul3A_139 = arith.muli %add3A_100, %mul3A_138 : i32
          %add3A_140 = arith.addi %mul3A_139, %add3A_137 : i32
          %lt3A_141 = arith.cmpi slt, %add3A_140, %select_n3A : i32
          %convert_element_type3A_142 = arith.extui %lt3A_141 : i1 to i32
          %cond3A_143 = arith.constant 0 : i32
          %cond3A_144 = arith.cmpi ne, %convert_element_type3A_142, %cond3A_143 : i32
          scf.if %cond3A_144 {
            %dma_wait3A = arith.constant 0 : i32
            %dma_wait3A_145 = arith.constant 0 : i32
            %dma_wait3A_146 = arith.constant 0 : i32
            %dma_wait3A_147 = tpu.memref_slice %arg8[%add3A_137, %dma_wait3A_145, %dma_wait3A_146] : memref<16x1x128xi32, #tpu.memory_space<vmem>> -> memref<1x1x128xi32, #tpu.memory_space<vmem>>
            %dma_wait3A_148 = tpu.memref_squeeze %dma_wait3A_147 : memref<1x1x128xi32, #tpu.memory_space<vmem>> -> memref<1x128xi32, #tpu.memory_space<vmem>>
            %dma_wait3A_149 = arith.constant 0 : i32
            %dma_wait3A_150 = tpu.memref_slice %dma_wait3A_148[%dma_wait3A, %dma_wait3A_149] : memref<1x128xi32, #tpu.memory_space<vmem>> -> memref<1x128xi32, #tpu.memory_space<vmem>>
            %dma_wait3A_151 = tpu.memref_squeeze %dma_wait3A_150 : memref<1x128xi32, #tpu.memory_space<vmem>> -> memref<128xi32, #tpu.memory_space<vmem>>
            %dma_wait3A_152 = arith.constant 0 : i32
            %dma_wait3A_153 = arith.constant 0 : i32
            %dma_wait3A_154 = tpu.memref_slice %arg3[%dma_wait3A_152, %dma_wait3A_153] : memref<10000x128xf32, #tpu.memory_space<hbm>> -> memref<10000x128xf32, #tpu.memory_space<hbm>>
            tpu.wait_indirect_dma semaphore(%arg14 : memref<!tpu.dma_semaphore, #tpu.memory_space<semaphore_mem>>) src(%dma_wait3A_154 : memref<10000x128xf32, #tpu.memory_space<hbm>>) dst(%arg11 : memref<128x128xf32, #tpu.memory_space<vmem>>)
            %add3A_155 = arith.constant 1 : i32
            %add3A_156 = arith.addi %add3A_137, %add3A_155 : i32
            %lt3A_157 = arith.constant 16 : i32
            %lt3A_158 = arith.cmpi slt, %add3A_156, %lt3A_157 : i32
            %add3A_159 = arith.constant 1 : i32
            %add3A_160 = arith.addi %add3A_140, %add3A_159 : i32
            %lt3A_161 = arith.cmpi slt, %add3A_160, %select_n3A : i32
            %and3A = arith.andi %lt3A_158, %lt3A_161 : i1
            %convert_element_type3A_162 = arith.extui %and3A : i1 to i32
            %cond3A_163 = arith.constant 0 : i32
            %cond3A_164 = arith.cmpi ne, %convert_element_type3A_162, %cond3A_163 : i32
            scf.if %cond3A_164 {
              %add3A_176 = arith.addi %add3A, %add3A_140 : i32
              %add3A_177 = arith.constant 1 : i32
              %add3A_178 = arith.addi %add3A_176, %add3A_177 : i32
              %mul3A_179 = arith.constant 128 : i32
              %mul3A_180 = arith.muli %add3A_178, %mul3A_179 : i32
              %dma_wait3A_181 = arith.constant 0 : i32
              %dma_wait3A_182 = tpu.memref_slice %arg4[%mul3A_180, %dma_wait3A_181] : memref<320000x128xf32, #tpu.memory_space<hbm>> -> memref<128x128xf32, #tpu.memory_space<hbm>>
              %dma_wait3A_183 = arith.constant 0 : i32
              %dma_wait3A_184 = tpu.memref_slice %arg4[%mul3A_180, %dma_wait3A_183] : memref<320000x128xf32, #tpu.memory_space<hbm>> -> memref<128x128xf32, #tpu.memory_space<hbm>>
              tpu.wait_dma2 semaphore(%arg15 : memref<!tpu.dma_semaphore, #tpu.memory_space<semaphore_mem>>) src(%dma_wait3A_184 : memref<128x128xf32, #tpu.memory_space<hbm>>) dst(%arg10 : memref<128x128xf32, #tpu.memory_space<vmem>>)
              %add3A_185 = arith.constant 1 : i32
              %add3A_186 = arith.addi %add3A_137, %add3A_185 : i32
              %dma_start3A_187 = arith.constant 0 : i32
              %dma_start3A_188 = arith.constant 0 : i32
              %dma_start3A_189 = arith.constant 0 : i32
              %dma_start3A_190 = tpu.memref_slice %arg8[%add3A_186, %dma_start3A_188, %dma_start3A_189] : memref<16x1x128xi32, #tpu.memory_space<vmem>> -> memref<1x1x128xi32, #tpu.memory_space<vmem>>
              %dma_start3A_191 = tpu.memref_squeeze %dma_start3A_190 : memref<1x1x128xi32, #tpu.memory_space<vmem>> -> memref<1x128xi32, #tpu.memory_space<vmem>>
              %dma_start3A_192 = arith.constant 0 : i32
              %dma_start3A_193 = tpu.memref_slice %dma_start3A_191[%dma_start3A_187, %dma_start3A_192] : memref<1x128xi32, #tpu.memory_space<vmem>> -> memref<1x128xi32, #tpu.memory_space<vmem>>
              %dma_start3A_194 = tpu.memref_squeeze %dma_start3A_193 : memref<1x128xi32, #tpu.memory_space<vmem>> -> memref<128xi32, #tpu.memory_space<vmem>>
              %dma_start3A_195 = arith.constant 0 : i32
              %dma_start3A_196 = arith.constant 0 : i32
              %dma_start3A_197 = tpu.memref_slice %arg3[%dma_start3A_195, %dma_start3A_196] : memref<10000x128xf32, #tpu.memory_space<hbm>> -> memref<10000x128xf32, #tpu.memory_space<hbm>>
              tpu.enqueue_indirect_dma source(%dma_start3A_197 : memref<10000x128xf32, #tpu.memory_space<hbm>>) target(%arg10 : memref<128x128xf32, #tpu.memory_space<vmem>>) offsets(%dma_start3A_194 : memref<128xi32, #tpu.memory_space<vmem>>) semaphore(%arg13 : memref<!tpu.dma_semaphore, #tpu.memory_space<semaphore_mem>>) {add = true}
            } else {
            }
            %scan3A_165 = arith.constant 0 : i32
            %scan3A_166 = arith.constant 128 : i32
            %scan3A_167 = arith.addi %scan3A_165, %scan3A_166 : i32
            %scan3A_168 = arith.constant 1 : i32
            scf.for %scan3A_176 = %scan3A_165 to %scan3A_167 step %scan3A_168  : i32 {
              %mul3A_177 = arith.constant 1 : i32
              %mul3A_178 = arith.muli %scan3A_176, %mul3A_177 : i32
              %add3A_179 = arith.constant 0 : i32
              %add3A_180 = arith.addi %add3A_179, %mul3A_178 : i32
              %get3A = arith.index_cast %add3A_180 : i32 to index
              %get3A_181 = arith.constant 0 : index
              %get3A_182 = tpu.vector_load %arg11[%get3A, %get3A_181] {strides = array<i32>} : memref<128x128xf32, #tpu.memory_space<vmem>>, vector<1x16xf32>,
              %get3A_183 = vector.shape_cast %get3A_182 : vector<1x16xf32> to vector<16xf32>
              %max3A = arith.constant 0.000000e+00 : f32
              %max3A_184 = vector.broadcast %max3A : f32 to vector<16xf32>
              %max3A_185 = arith.maximumf %get3A_183, %max3A_184 : vector<16xf32>
              %swap3A = arith.index_cast %add3A_180 : i32 to index
              %swap3A_186 = arith.constant 0 : index
              %swap3A_187 = tpu.vector_load %arg11[%swap3A, %swap3A_186] {strides = array<i32>} : memref<128x128xf32, #tpu.memory_space<vmem>>, vector<1x16xf32>,
              %swap3A_188 = vector.shape_cast %swap3A_187 : vector<1x16xf32> to vector<16xf32>
              %swap3A_189 = vector.shape_cast %max3A_185 : vector<16xf32> to vector<1x16xf32>
              tpu.vector_store %arg11[%swap3A, %swap3A_186], %swap3A_189 {strides = array<i32>} : memref<128x128xf32, #tpu.memory_space<vmem>>, vector<1x16xf32>,
              %get3A_190 = arith.index_cast %add3A_180 : i32 to index
              %get3A_191 = arith.constant 16 : index
              %get3A_192 = tpu.vector_load %arg11[%get3A_190, %get3A_191] {strides = array<i32>} : memref<128x128xf32, #tpu.memory_space<vmem>>, vector<1x16xf32>,
              %get3A_193 = vector.shape_cast %get3A_192 : vector<1x16xf32> to vector<16xf32>
              %max3A_194 = arith.constant 0.000000e+00 : f32
              %max3A_195 = vector.broadcast %max3A_194 : f32 to vector<16xf32>
              %max3A_196 = arith.maximumf %get3A_193, %max3A_195 : vector<16xf32>
              %swap3A_197 = arith.index_cast %add3A_180 : i32 to index
              %swap3A_198 = arith.constant 16 : index
              %swap3A_199 = tpu.vector_load %arg11[%swap3A_197, %swap3A_198] {strides = array<i32>} : memref<128x128xf32, #tpu.memory_space<vmem>>, vector<1x16xf32>,
              %swap3A_200 = vector.shape_cast %swap3A_199 : vector<1x16xf32> to vector<16xf32>
              %swap3A_201 = vector.shape_cast %max3A_196 : vector<16xf32> to vector<1x16xf32>
              tpu.vector_store %arg11[%swap3A_197, %swap3A_198], %swap3A_201 {strides = array<i32>} : memref<128x128xf32, #tpu.memory_space<vmem>>, vector<1x16xf32>,
              %get3A_202 = arith.index_cast %add3A_180 : i32 to index
              %get3A_203 = arith.constant 32 : index
              %get3A_204 = tpu.vector_load %arg11[%get3A_202, %get3A_203] {strides = array<i32>} : memref<128x128xf32, #tpu.memory_space<vmem>>, vector<1x16xf32>,
              %get3A_205 = vector.shape_cast %get3A_204 : vector<1x16xf32> to vector<16xf32>
              %max3A_206 = arith.constant 0.000000e+00 : f32
              %max3A_207 = vector.broadcast %max3A_206 : f32 to vector<16xf32>
              %max3A_208 = arith.maximumf %get3A_205, %max3A_207 : vector<16xf32>
              %swap3A_209 = arith.index_cast %add3A_180 : i32 to index
              %swap3A_210 = arith.constant 32 : index
              %swap3A_211 = tpu.vector_load %arg11[%swap3A_209, %swap3A_210] {strides = array<i32>} : memref<128x128xf32, #tpu.memory_space<vmem>>, vector<1x16xf32>,
              %swap3A_212 = vector.shape_cast %swap3A_211 : vector<1x16xf32> to vector<16xf32>
              %swap3A_213 = vector.shape_cast %max3A_208 : vector<16xf32> to vector<1x16xf32>
              tpu.vector_store %arg11[%swap3A_209, %swap3A_210], %swap3A_213 {strides = array<i32>} : memref<128x128xf32, #tpu.memory_space<vmem>>, vector<1x16xf32>,
              %get3A_214 = arith.index_cast %add3A_180 : i32 to index
              %get3A_215 = arith.constant 48 : index
              %get3A_216 = tpu.vector_load %arg11[%get3A_214, %get3A_215] {strides = array<i32>} : memref<128x128xf32, #tpu.memory_space<vmem>>, vector<1x16xf32>,
              %get3A_217 = vector.shape_cast %get3A_216 : vector<1x16xf32> to vector<16xf32>
              %max3A_218 = arith.constant 0.000000e+00 : f32
              %max3A_219 = vector.broadcast %max3A_218 : f32 to vector<16xf32>
              %max3A_220 = arith.maximumf %get3A_217, %max3A_219 : vector<16xf32>
              %swap3A_221 = arith.index_cast %add3A_180 : i32 to index
              %swap3A_222 = arith.constant 48 : index
              %swap3A_223 = tpu.vector_load %arg11[%swap3A_221, %swap3A_222] {strides = array<i32>} : memref<128x128xf32, #tpu.memory_space<vmem>>, vector<1x16xf32>,
              %swap3A_224 = vector.shape_cast %swap3A_223 : vector<1x16xf32> to vector<16xf32>
              %swap3A_225 = vector.shape_cast %max3A_220 : vector<16xf32> to vector<1x16xf32>
              tpu.vector_store %arg11[%swap3A_221, %swap3A_222], %swap3A_225 {strides = array<i32>} : memref<128x128xf32, #tpu.memory_space<vmem>>, vector<1x16xf32>,
              %get3A_226 = arith.index_cast %add3A_180 : i32 to index
              %get3A_227 = arith.constant 64 : index
              %get3A_228 = tpu.vector_load %arg11[%get3A_226, %get3A_227] {strides = array<i32>} : memref<128x128xf32, #tpu.memory_space<vmem>>, vector<1x16xf32>,
              %get3A_229 = vector.shape_cast %get3A_228 : vector<1x16xf32> to vector<16xf32>
              %max3A_230 = arith.constant 0.000000e+00 : f32
              %max3A_231 = vector.broadcast %max3A_230 : f32 to vector<16xf32>
              %max3A_232 = arith.maximumf %get3A_229, %max3A_231 : vector<16xf32>
              %swap3A_233 = arith.index_cast %add3A_180 : i32 to index
              %swap3A_234 = arith.constant 64 : index
              %swap3A_235 = tpu.vector_load %arg11[%swap3A_233, %swap3A_234] {strides = array<i32>} : memref<128x128xf32, #tpu.memory_space<vmem>>, vector<1x16xf32>,
              %swap3A_236 = vector.shape_cast %swap3A_235 : vector<1x16xf32> to vector<16xf32>
              %swap3A_237 = vector.shape_cast %max3A_232 : vector<16xf32> to vector<1x16xf32>
              tpu.vector_store %arg11[%swap3A_233, %swap3A_234], %swap3A_237 {strides = array<i32>} : memref<128x128xf32, #tpu.memory_space<vmem>>, vector<1x16xf32>,
              %get3A_238 = arith.index_cast %add3A_180 : i32 to index
              %get3A_239 = arith.constant 80 : index
              %get3A_240 = tpu.vector_load %arg11[%get3A_238, %get3A_239] {strides = array<i32>} : memref<128x128xf32, #tpu.memory_space<vmem>>, vector<1x16xf32>,
              %get3A_241 = vector.shape_cast %get3A_240 : vector<1x16xf32> to vector<16xf32>
              %max3A_242 = arith.constant 0.000000e+00 : f32
              %max3A_243 = vector.broadcast %max3A_242 : f32 to vector<16xf32>
              %max3A_244 = arith.maximumf %get3A_241, %max3A_243 : vector<16xf32>
              %swap3A_245 = arith.index_cast %add3A_180 : i32 to index
              %swap3A_246 = arith.constant 80 : index
              %swap3A_247 = tpu.vector_load %arg11[%swap3A_245, %swap3A_246] {strides = array<i32>} : memref<128x128xf32, #tpu.memory_space<vmem>>, vector<1x16xf32>,
              %swap3A_248 = vector.shape_cast %swap3A_247 : vector<1x16xf32> to vector<16xf32>
              %swap3A_249 = vector.shape_cast %max3A_244 : vector<16xf32> to vector<1x16xf32>
              tpu.vector_store %arg11[%swap3A_245, %swap3A_246], %swap3A_249 {strides = array<i32>} : memref<128x128xf32, #tpu.memory_space<vmem>>, vector<1x16xf32>,
              %get3A_250 = arith.index_cast %add3A_180 : i32 to index
              %get3A_251 = arith.constant 96 : index
              %get3A_252 = tpu.vector_load %arg11[%get3A_250, %get3A_251] {strides = array<i32>} : memref<128x128xf32, #tpu.memory_space<vmem>>, vector<1x16xf32>,
              %get3A_253 = vector.shape_cast %get3A_252 : vector<1x16xf32> to vector<16xf32>
              %max3A_254 = arith.constant 0.000000e+00 : f32
              %max3A_255 = vector.broadcast %max3A_254 : f32 to vector<16xf32>
              %max3A_256 = arith.maximumf %get3A_253, %max3A_255 : vector<16xf32>
              %swap3A_257 = arith.index_cast %add3A_180 : i32 to index
              %swap3A_258 = arith.constant 96 : index
              %swap3A_259 = tpu.vector_load %arg11[%swap3A_257, %swap3A_258] {strides = array<i32>} : memref<128x128xf32, #tpu.memory_space<vmem>>, vector<1x16xf32>,
              %swap3A_260 = vector.shape_cast %swap3A_259 : vector<1x16xf32> to vector<16xf32>
              %swap3A_261 = vector.shape_cast %max3A_256 : vector<16xf32> to vector<1x16xf32>
              tpu.vector_store %arg11[%swap3A_257, %swap3A_258], %swap3A_261 {strides = array<i32>} : memref<128x128xf32, #tpu.memory_space<vmem>>, vector<1x16xf32>,
              %get3A_262 = arith.index_cast %add3A_180 : i32 to index
              %get3A_263 = arith.constant 112 : index
              %get3A_264 = tpu.vector_load %arg11[%get3A_262, %get3A_263] {strides = array<i32>} : memref<128x128xf32, #tpu.memory_space<vmem>>, vector<1x16xf32>,
              %get3A_265 = vector.shape_cast %get3A_264 : vector<1x16xf32> to vector<16xf32>
              %max3A_266 = arith.constant 0.000000e+00 : f32
              %max3A_267 = vector.broadcast %max3A_266 : f32 to vector<16xf32>
              %max3A_268 = arith.maximumf %get3A_265, %max3A_267 : vector<16xf32>
              %swap3A_269 = arith.index_cast %add3A_180 : i32 to index
              %swap3A_270 = arith.constant 112 : index
              %swap3A_271 = tpu.vector_load %arg11[%swap3A_269, %swap3A_270] {strides = array<i32>} : memref<128x128xf32, #tpu.memory_space<vmem>>, vector<1x16xf32>,
              %swap3A_272 = vector.shape_cast %swap3A_271 : vector<1x16xf32> to vector<16xf32>
              %swap3A_273 = vector.shape_cast %max3A_268 : vector<16xf32> to vector<1x16xf32>
              tpu.vector_store %arg11[%swap3A_269, %swap3A_270], %swap3A_273 {strides = array<i32>} : memref<128x128xf32, #tpu.memory_space<vmem>>, vector<1x16xf32>,
            }
            %scan3A_169 = arith.constant 128 : i32
            %run_scoped3A = arith.constant 0 : i32
            "tpu.region"() ({
              %run_scoped3A_176 = tpu.sem_alloc : memref<!tpu.dma_semaphore, #tpu.memory_space<semaphore_mem>>
              %dma_start3A_177 = arith.constant 0 : i32
              %dma_start3A_178 = arith.constant 0 : i32
              %dma_start3A_179 = tpu.memref_slice %arg9[%add3A_137, %dma_start3A_177, %dma_start3A_178] : memref<16x1x128xi32, #tpu.memory_space<vmem>> -> memref<1x1x128xi32, #tpu.memory_space<vmem>>
              %dma_start3A_180 = tpu.memref_squeeze %dma_start3A_179 : memref<1x1x128xi32, #tpu.memory_space<vmem>> -> memref<1x128xi32, #tpu.memory_space<vmem>>
              %dma_start3A_181 = arith.constant 0 : i32
              %dma_start3A_182 = tpu.memref_slice %dma_start3A_180[%run_scoped3A, %dma_start3A_181] : memref<1x128xi32, #tpu.memory_space<vmem>> -> memref<1x128xi32, #tpu.memory_space<vmem>>
              %dma_start3A_183 = tpu.memref_squeeze %dma_start3A_182 : memref<1x128xi32, #tpu.memory_space<vmem>> -> memref<128xi32, #tpu.memory_space<vmem>>
              %dma_start3A_184 = arith.constant 0 : i32
              %dma_start3A_185 = arith.constant 0 : i32
              %dma_start3A_186 = tpu.memref_slice %arg12[%dma_start3A_184, %dma_start3A_185] : memref<10240x128xf32, #tpu.memory_space<vmem_shared>> -> memref<10240x128xf32, #tpu.memory_space<vmem_shared>>
              tpu.enqueue_indirect_dma source(%arg11 : memref<128x128xf32, #tpu.memory_space<vmem>>) target(%dma_start3A_186 : memref<10240x128xf32, #tpu.memory_space<vmem_shared>>) offsets(%dma_start3A_183 : memref<128xi32, #tpu.memory_space<vmem>>) semaphore(%run_scoped3A_176 : memref<!tpu.dma_semaphore, #tpu.memory_space<semaphore_mem>>) {add = true}
              %dma_wait3A_187 = arith.constant 0 : i32
              %dma_wait3A_188 = arith.constant 0 : i32
              %dma_wait3A_189 = tpu.memref_slice %arg9[%add3A_137, %dma_wait3A_187, %dma_wait3A_188] : memref<16x1x128xi32, #tpu.memory_space<vmem>> -> memref<1x1x128xi32, #tpu.memory_space<vmem>>
              %dma_wait3A_190 = tpu.memref_squeeze %dma_wait3A_189 : memref<1x1x128xi32, #tpu.memory_space<vmem>> -> memref<1x128xi32, #tpu.memory_space<vmem>>
              %dma_wait3A_191 = arith.constant 0 : i32
              %dma_wait3A_192 = tpu.memref_slice %dma_wait3A_190[%run_scoped3A, %dma_wait3A_191] : memref<1x128xi32, #tpu.memory_space<vmem>> -> memref<1x128xi32, #tpu.memory_space<vmem>>
              %dma_wait3A_193 = tpu.memref_squeeze %dma_wait3A_192 : memref<1x128xi32, #tpu.memory_space<vmem>> -> memref<128xi32, #tpu.memory_space<vmem>>
              %dma_wait3A_194 = arith.constant 0 : i32
              %dma_wait3A_195 = arith.constant 0 : i32
              %dma_wait3A_196 = tpu.memref_slice %arg12[%dma_wait3A_194, %dma_wait3A_195] : memref<10240x128xf32, #tpu.memory_space<vmem_shared>> -> memref<10240x128xf32, #tpu.memory_space<vmem_shared>>
              tpu.wait_indirect_dma semaphore(%run_scoped3A_176 : memref<!tpu.dma_semaphore, #tpu.memory_space<semaphore_mem>>) src(%arg11 : memref<128x128xf32, #tpu.memory_space<vmem>>) dst(%dma_wait3A_196 : memref<10240x128xf32, #tpu.memory_space<vmem_shared>>)
              tpu.yield
            }) : () -> ()
            %add3A_170 = arith.constant 2 : i32
            %add3A_171 = arith.addi %add3A_140, %add3A_170 : i32
            %lt3A_172 = arith.cmpi slt, %add3A_171, %select_n3A : i32
            %convert_element_type3A_173 = arith.extui %lt3A_172 : i1 to i32
            %cond3A_174 = arith.constant 0 : i32
            %cond3A_175 = arith.cmpi ne, %convert_element_type3A_173, %cond3A_174 : i32
            scf.if %cond3A_175 {
              %add3A_176 = arith.addi %add3A, %add3A_140 : i32
              %add3A_177 = arith.constant 2 : i32
              %add3A_178 = arith.addi %add3A_176, %add3A_177 : i32
              %mul3A_179 = arith.constant 128 : i32
              %mul3A_180 = arith.muli %add3A_178, %mul3A_179 : i32
              %dma_start3A_181 = arith.constant 0 : i32
              %dma_start3A_182 = tpu.memref_slice %arg4[%mul3A_180, %dma_start3A_181] : memref<320000x128xf32, #tpu.memory_space<hbm>> -> memref<128x128xf32, #tpu.memory_space<hbm>>
              %dma_start3A_183 = arith.constant 0 : i32
              %dma_start3A_184 = tpu.memref_slice %arg4[%mul3A_180, %dma_start3A_183] : memref<320000x128xf32, #tpu.memory_space<hbm>> -> memref<128x128xf32, #tpu.memory_space<hbm>>
              tpu.enqueue_dma source(%dma_start3A_184 : memref<128x128xf32, #tpu.memory_space<hbm>>) target(%arg11 : memref<128x128xf32, #tpu.memory_space<vmem>>) target_semaphore(%arg16 : memref<!tpu.dma_semaphore, #tpu.memory_space<semaphore_mem>>)
            } else {
            }
          } else {
          }
        }
        %scan3A_117 = arith.constant 8 : i32
      }
      %scan3A_95 = arith.constant 10 : i32
    } else {
    }
    %barrier3A_35 = arith.constant 0 : index
    tpu.barrier barrier_id(%barrier3A_35)
    %mul3A_36 = arith.constant 640 : i32
    %mul3A_37 = arith.muli %arg1, %mul3A_36 : i32
    %add3A_38 = arith.constant 0 : i32
    %add3A_39 = arith.addi %mul3A_37, %add3A_38 : i32
    %mul3A_40 = arith.constant 640 : i32
    %mul3A_41 = arith.muli %arg1, %mul3A_40 : i32
    %add3A_42 = arith.constant 0 : i32
    %add3A_43 = arith.addi %mul3A_41, %add3A_42 : i32
    "tpu.region"() ({
      %run_scoped3A = tpu.sem_alloc : memref<!tpu.dma_semaphore, #tpu.memory_space<semaphore_mem>>
      %dma_start3A = arith.constant 0 : i32
      %dma_start3A_76 = arith.constant 0 : i32
      %dma_start3A_77 = tpu.memref_slice %arg7[%arg0, %dma_start3A, %dma_start3A_76] : memref<2x10240x128xf32, #tpu.memory_space<hbm>> -> memref<1x10240x128xf32, #tpu.memory_space<hbm>>
      %dma_start3A_78 = tpu.memref_squeeze %dma_start3A_77 : memref<1x10240x128xf32, #tpu.memory_space<hbm>> -> memref<10240x128xf32, #tpu.memory_space<hbm>>
      %dma_start3A_79 = arith.constant 0 : i32
      %dma_start3A_80 = tpu.memref_slice %dma_start3A_78[%add3A_43, %dma_start3A_79] : memref<10240x128xf32, #tpu.memory_space<hbm>> -> memref<128x128xf32, #tpu.memory_space<hbm>>
      %dma_start3A_81 = arith.constant 0 : i32
      %dma_start3A_82 = tpu.memref_slice %arg12[%add3A_39, %dma_start3A_81] : memref<10240x128xf32, #tpu.memory_space<vmem_shared>> -> memref<128x128xf32, #tpu.memory_space<vmem_shared>>
      tpu.enqueue_dma source(%dma_start3A_82 : memref<128x128xf32, #tpu.memory_space<vmem_shared>>) target(%dma_start3A_80 : memref<128x128xf32, #tpu.memory_space<hbm>>) target_semaphore(%run_scoped3A : memref<!tpu.dma_semaphore, #tpu.memory_space<semaphore_mem>>)
      %dma_wait3A = arith.constant 0 : i32
      %dma_wait3A_83 = arith.constant 0 : i32
      %dma_wait3A_84 = tpu.memref_slice %arg7[%arg0, %dma_wait3A, %dma_wait3A_83] : memref<2x10240x128xf32, #tpu.memory_space<hbm>> -> memref<1x10240x128xf32, #tpu.memory_space<hbm>>
      %dma_wait3A_85 = tpu.memref_squeeze %dma_wait3A_84 : memref<1x10240x128xf32, #tpu.memory_space<hbm>> -> memref<10240x128xf32, #tpu.memory_space<hbm>>
      %dma_wait3A_86 = arith.constant 0 : i32
      %dma_wait3A_87 = tpu.memref_slice %dma_wait3A_85[%add3A_43, %dma_wait3A_86] : memref<10240x128xf32, #tpu.memory_space<hbm>> -> memref<128x128xf32, #tpu.memory_space<hbm>>
      %dma_wait3A_88 = arith.constant 0 : i32
      %dma_wait3A_89 = tpu.memref_slice %arg12[%add3A_39, %dma_wait3A_88] : memref<10240x128xf32, #tpu.memory_space<vmem_shared>> -> memref<128x128xf32, #tpu.memory_space<vmem_shared>>
      tpu.wait_dma2 semaphore(%run_scoped3A : memref<!tpu.dma_semaphore, #tpu.memory_space<semaphore_mem>>) src(%dma_wait3A_89 : memref<128x128xf32, #tpu.memory_space<vmem_shared>>) dst(%dma_wait3A_87 : memref<128x128xf32, #tpu.memory_space<hbm>>)
      tpu.yield
    }) : () -> ()
    %mul3A_44 = arith.constant 640 : i32
    %mul3A_45 = arith.muli %arg1, %mul3A_44 : i32
    %add3A_46 = arith.constant 128 : i32
    %add3A_47 = arith.addi %mul3A_45, %add3A_46 : i32
    %mul3A_48 = arith.constant 640 : i32
    %mul3A_49 = arith.muli %arg1, %mul3A_48 : i32
    %add3A_50 = arith.constant 128 : i32
    %add3A_51 = arith.addi %mul3A_49, %add3A_50 : i32
    "tpu.region"() ({
      %run_scoped3A = tpu.sem_alloc : memref<!tpu.dma_semaphore, #tpu.memory_space<semaphore_mem>>
      %dma_start3A = arith.constant 0 : i32
      %dma_start3A_76 = arith.constant 0 : i32
      %dma_start3A_77 = tpu.memref_slice %arg7[%arg0, %dma_start3A, %dma_start3A_76] : memref<2x10240x128xf32, #tpu.memory_space<hbm>> -> memref<1x10240x128xf32, #tpu.memory_space<hbm>>
      %dma_start3A_78 = tpu.memref_squeeze %dma_start3A_77 : memref<1x10240x128xf32, #tpu.memory_space<hbm>> -> memref<10240x128xf32, #tpu.memory_space<hbm>>
      %dma_start3A_79 = arith.constant 0 : i32
      %dma_start3A_80 = tpu.memref_slice %dma_start3A_78[%add3A_51, %dma_start3A_79] : memref<10240x128xf32, #tpu.memory_space<hbm>> -> memref<128x128xf32, #tpu.memory_space<hbm>>
      %dma_start3A_81 = arith.constant 0 : i32
      %dma_start3A_82 = tpu.memref_slice %arg12[%add3A_47, %dma_start3A_81] : memref<10240x128xf32, #tpu.memory_space<vmem_shared>> -> memref<128x128xf32, #tpu.memory_space<vmem_shared>>
      tpu.enqueue_dma source(%dma_start3A_82 : memref<128x128xf32, #tpu.memory_space<vmem_shared>>) target(%dma_start3A_80 : memref<128x128xf32, #tpu.memory_space<hbm>>) target_semaphore(%run_scoped3A : memref<!tpu.dma_semaphore, #tpu.memory_space<semaphore_mem>>)
      %dma_wait3A = arith.constant 0 : i32
      %dma_wait3A_83 = arith.constant 0 : i32
      %dma_wait3A_84 = tpu.memref_slice %arg7[%arg0, %dma_wait3A, %dma_wait3A_83] : memref<2x10240x128xf32, #tpu.memory_space<hbm>> -> memref<1x10240x128xf32, #tpu.memory_space<hbm>>
      %dma_wait3A_85 = tpu.memref_squeeze %dma_wait3A_84 : memref<1x10240x128xf32, #tpu.memory_space<hbm>> -> memref<10240x128xf32, #tpu.memory_space<hbm>>
      %dma_wait3A_86 = arith.constant 0 : i32
      %dma_wait3A_87 = tpu.memref_slice %dma_wait3A_85[%add3A_51, %dma_wait3A_86] : memref<10240x128xf32, #tpu.memory_space<hbm>> -> memref<128x128xf32, #tpu.memory_space<hbm>>
      %dma_wait3A_88 = arith.constant 0 : i32
      %dma_wait3A_89 = tpu.memref_slice %arg12[%add3A_47, %dma_wait3A_88] : memref<10240x128xf32, #tpu.memory_space<vmem_shared>> -> memref<128x128xf32, #tpu.memory_space<vmem_shared>>
      tpu.wait_dma2 semaphore(%run_scoped3A : memref<!tpu.dma_semaphore, #tpu.memory_space<semaphore_mem>>) src(%dma_wait3A_89 : memref<128x128xf32, #tpu.memory_space<vmem_shared>>) dst(%dma_wait3A_87 : memref<128x128xf32, #tpu.memory_space<hbm>>)
      tpu.yield
    }) : () -> ()
    %mul3A_52 = arith.constant 640 : i32
    %mul3A_53 = arith.muli %arg1, %mul3A_52 : i32
    %add3A_54 = arith.constant 256 : i32
    %add3A_55 = arith.addi %mul3A_53, %add3A_54 : i32
    %mul3A_56 = arith.constant 640 : i32
    %mul3A_57 = arith.muli %arg1, %mul3A_56 : i32
    %add3A_58 = arith.constant 256 : i32
    %add3A_59 = arith.addi %mul3A_57, %add3A_58 : i32
    "tpu.region"() ({
      %run_scoped3A = tpu.sem_alloc : memref<!tpu.dma_semaphore, #tpu.memory_space<semaphore_mem>>
      %dma_start3A = arith.constant 0 : i32
      %dma_start3A_76 = arith.constant 0 : i32
      %dma_start3A_77 = tpu.memref_slice %arg7[%arg0, %dma_start3A, %dma_start3A_76] : memref<2x10240x128xf32, #tpu.memory_space<hbm>> -> memref<1x10240x128xf32, #tpu.memory_space<hbm>>
      %dma_start3A_78 = tpu.memref_squeeze %dma_start3A_77 : memref<1x10240x128xf32, #tpu.memory_space<hbm>> -> memref<10240x128xf32, #tpu.memory_space<hbm>>
      %dma_start3A_79 = arith.constant 0 : i32
      %dma_start3A_80 = tpu.memref_slice %dma_start3A_78[%add3A_59, %dma_start3A_79] : memref<10240x128xf32, #tpu.memory_space<hbm>> -> memref<128x128xf32, #tpu.memory_space<hbm>>
      %dma_start3A_81 = arith.constant 0 : i32
      %dma_start3A_82 = tpu.memref_slice %arg12[%add3A_55, %dma_start3A_81] : memref<10240x128xf32, #tpu.memory_space<vmem_shared>> -> memref<128x128xf32, #tpu.memory_space<vmem_shared>>
      tpu.enqueue_dma source(%dma_start3A_82 : memref<128x128xf32, #tpu.memory_space<vmem_shared>>) target(%dma_start3A_80 : memref<128x128xf32, #tpu.memory_space<hbm>>) target_semaphore(%run_scoped3A : memref<!tpu.dma_semaphore, #tpu.memory_space<semaphore_mem>>)
      %dma_wait3A = arith.constant 0 : i32
      %dma_wait3A_83 = arith.constant 0 : i32
      %dma_wait3A_84 = tpu.memref_slice %arg7[%arg0, %dma_wait3A, %dma_wait3A_83] : memref<2x10240x128xf32, #tpu.memory_space<hbm>> -> memref<1x10240x128xf32, #tpu.memory_space<hbm>>
      %dma_wait3A_85 = tpu.memref_squeeze %dma_wait3A_84 : memref<1x10240x128xf32, #tpu.memory_space<hbm>> -> memref<10240x128xf32, #tpu.memory_space<hbm>>
      %dma_wait3A_86 = arith.constant 0 : i32
      %dma_wait3A_87 = tpu.memref_slice %dma_wait3A_85[%add3A_59, %dma_wait3A_86] : memref<10240x128xf32, #tpu.memory_space<hbm>> -> memref<128x128xf32, #tpu.memory_space<hbm>>
      %dma_wait3A_88 = arith.constant 0 : i32
      %dma_wait3A_89 = tpu.memref_slice %arg12[%add3A_55, %dma_wait3A_88] : memref<10240x128xf32, #tpu.memory_space<vmem_shared>> -> memref<128x128xf32, #tpu.memory_space<vmem_shared>>
      tpu.wait_dma2 semaphore(%run_scoped3A : memref<!tpu.dma_semaphore, #tpu.memory_space<semaphore_mem>>) src(%dma_wait3A_89 : memref<128x128xf32, #tpu.memory_space<vmem_shared>>) dst(%dma_wait3A_87 : memref<128x128xf32, #tpu.memory_space<hbm>>)
      tpu.yield
    }) : () -> ()
    %mul3A_60 = arith.constant 640 : i32
    %mul3A_61 = arith.muli %arg1, %mul3A_60 : i32
    %add3A_62 = arith.constant 384 : i32
    %add3A_63 = arith.addi %mul3A_61, %add3A_62 : i32
    %mul3A_64 = arith.constant 640 : i32
    %mul3A_65 = arith.muli %arg1, %mul3A_64 : i32
    %add3A_66 = arith.constant 384 : i32
    %add3A_67 = arith.addi %mul3A_65, %add3A_66 : i32
    "tpu.region"() ({
      %run_scoped3A = tpu.sem_alloc : memref<!tpu.dma_semaphore, #tpu.memory_space<semaphore_mem>>
      %dma_start3A = arith.constant 0 : i32
      %dma_start3A_76 = arith.constant 0 : i32
      %dma_start3A_77 = tpu.memref_slice %arg7[%arg0, %dma_start3A, %dma_start3A_76] : memref<2x10240x128xf32, #tpu.memory_space<hbm>> -> memref<1x10240x128xf32, #tpu.memory_space<hbm>>
      %dma_start3A_78 = tpu.memref_squeeze %dma_start3A_77 : memref<1x10240x128xf32, #tpu.memory_space<hbm>> -> memref<10240x128xf32, #tpu.memory_space<hbm>>
      %dma_start3A_79 = arith.constant 0 : i32
      %dma_start3A_80 = tpu.memref_slice %dma_start3A_78[%add3A_67, %dma_start3A_79] : memref<10240x128xf32, #tpu.memory_space<hbm>> -> memref<128x128xf32, #tpu.memory_space<hbm>>
      %dma_start3A_81 = arith.constant 0 : i32
      %dma_start3A_82 = tpu.memref_slice %arg12[%add3A_63, %dma_start3A_81] : memref<10240x128xf32, #tpu.memory_space<vmem_shared>> -> memref<128x128xf32, #tpu.memory_space<vmem_shared>>
      tpu.enqueue_dma source(%dma_start3A_82 : memref<128x128xf32, #tpu.memory_space<vmem_shared>>) target(%dma_start3A_80 : memref<128x128xf32, #tpu.memory_space<hbm>>) target_semaphore(%run_scoped3A : memref<!tpu.dma_semaphore, #tpu.memory_space<semaphore_mem>>)
      %dma_wait3A = arith.constant 0 : i32
      %dma_wait3A_83 = arith.constant 0 : i32
      %dma_wait3A_84 = tpu.memref_slice %arg7[%arg0, %dma_wait3A, %dma_wait3A_83] : memref<2x10240x128xf32, #tpu.memory_space<hbm>> -> memref<1x10240x128xf32, #tpu.memory_space<hbm>>
      %dma_wait3A_85 = tpu.memref_squeeze %dma_wait3A_84 : memref<1x10240x128xf32, #tpu.memory_space<hbm>> -> memref<10240x128xf32, #tpu.memory_space<hbm>>
      %dma_wait3A_86 = arith.constant 0 : i32
      %dma_wait3A_87 = tpu.memref_slice %dma_wait3A_85[%add3A_67, %dma_wait3A_86] : memref<10240x128xf32, #tpu.memory_space<hbm>> -> memref<128x128xf32, #tpu.memory_space<hbm>>
      %dma_wait3A_88 = arith.constant 0 : i32
      %dma_wait3A_89 = tpu.memref_slice %arg12[%add3A_63, %dma_wait3A_88] : memref<10240x128xf32, #tpu.memory_space<vmem_shared>> -> memref<128x128xf32, #tpu.memory_space<vmem_shared>>
      tpu.wait_dma2 semaphore(%run_scoped3A : memref<!tpu.dma_semaphore, #tpu.memory_space<semaphore_mem>>) src(%dma_wait3A_89 : memref<128x128xf32, #tpu.memory_space<vmem_shared>>) dst(%dma_wait3A_87 : memref<128x128xf32, #tpu.memory_space<hbm>>)
      tpu.yield
    }) : () -> ()
    %mul3A_68 = arith.constant 640 : i32
    %mul3A_69 = arith.muli %arg1, %mul3A_68 : i32
    %add3A_70 = arith.constant 512 : i32
    %add3A_71 = arith.addi %mul3A_69, %add3A_70 : i32
    %mul3A_72 = arith.constant 640 : i32
    %mul3A_73 = arith.muli %arg1, %mul3A_72 : i32
    %add3A_74 = arith.constant 512 : i32
    %add3A_75 = arith.addi %mul3A_73, %add3A_74 : i32
    "tpu.region"() ({
      %run_scoped3A = tpu.sem_alloc : memref<!tpu.dma_semaphore, #tpu.memory_space<semaphore_mem>>
      %dma_start3A = arith.constant 0 : i32
      %dma_start3A_76 = arith.constant 0 : i32
      %dma_start3A_77 = tpu.memref_slice %arg7[%arg0, %dma_start3A, %dma_start3A_76] : memref<2x10240x128xf32, #tpu.memory_space<hbm>> -> memref<1x10240x128xf32, #tpu.memory_space<hbm>>
      %dma_start3A_78 = tpu.memref_squeeze %dma_start3A_77 : memref<1x10240x128xf32, #tpu.memory_space<hbm>> -> memref<10240x128xf32, #tpu.memory_space<hbm>>
      %dma_start3A_79 = arith.constant 0 : i32
      %dma_start3A_80 = tpu.memref_slice %dma_start3A_78[%add3A_75, %dma_start3A_79] : memref<10240x128xf32, #tpu.memory_space<hbm>> -> memref<128x128xf32, #tpu.memory_space<hbm>>
      %dma_start3A_81 = arith.constant 0 : i32
      %dma_start3A_82 = tpu.memref_slice %arg12[%add3A_71, %dma_start3A_81] : memref<10240x128xf32, #tpu.memory_space<vmem_shared>> -> memref<128x128xf32, #tpu.memory_space<vmem_shared>>
      tpu.enqueue_dma source(%dma_start3A_82 : memref<128x128xf32, #tpu.memory_space<vmem_shared>>) target(%dma_start3A_80 : memref<128x128xf32, #tpu.memory_space<hbm>>) target_semaphore(%run_scoped3A : memref<!tpu.dma_semaphore, #tpu.memory_space<semaphore_mem>>)
      %dma_wait3A = arith.constant 0 : i32
      %dma_wait3A_83 = arith.constant 0 : i32
      %dma_wait3A_84 = tpu.memref_slice %arg7[%arg0, %dma_wait3A, %dma_wait3A_83] : memref<2x10240x128xf32, #tpu.memory_space<hbm>> -> memref<1x10240x128xf32, #tpu.memory_space<hbm>>
      %dma_wait3A_85 = tpu.memref_squeeze %dma_wait3A_84 : memref<1x10240x128xf32, #tpu.memory_space<hbm>> -> memref<10240x128xf32, #tpu.memory_space<hbm>>
      %dma_wait3A_86 = arith.constant 0 : i32
      %dma_wait3A_87 = tpu.memref_slice %dma_wait3A_85[%add3A_75, %dma_wait3A_86] : memref<10240x128xf32, #tpu.memory_space<hbm>> -> memref<128x128xf32, #tpu.memory_space<hbm>>
      %dma_wait3A_88 = arith.constant 0 : i32
      %dma_wait3A_89 = tpu.memref_slice %arg12[%add3A_71, %dma_wait3A_88] : memref<10240x128xf32, #tpu.memory_space<vmem_shared>> -> memref<128x128xf32, #tpu.memory_space<vmem_shared>>
      tpu.wait_dma2 semaphore(%run_scoped3A : memref<!tpu.dma_semaphore, #tpu.memory_space<semaphore_mem>>) src(%dma_wait3A_89 : memref<128x128xf32, #tpu.memory_space<vmem_shared>>) dst(%dma_wait3A_87 : memref<128x128xf32, #tpu.memory_space<hbm>>)
      tpu.yield
    }) : () -> ()
    return
  }
}

#map = affine_map<(d0, d1) -> (0, 0, 0)>
module attributes {stable_mosaic.version = 14 : i64} {
  func.func @_sc_degree(%arg0: i32, %arg1: i32, %arg2: memref<2512x1x128xi32, #tpu.memory_space<hbm>>, %arg3: memref<2x10240x128xf32, #tpu.memory_space<hbm>>, %arg4: memref<128x128xf32, #tpu.memory_space<vmem>>, %arg5: memref<79x1x128xi32, #tpu.memory_space<vmem>>, %arg6: memref<128x128xf32, #tpu.memory_space<vmem>>, %arg7: memref<10240x128xf32, #tpu.memory_space<vmem_shared>>, %arg8: memref<!tpu.dma_semaphore, #tpu.memory_space<semaphore_mem>>) attributes {dimension_semantics = [#tpu.dimension_semantics<core_parallel>, #tpu.dimension_semantics<subcore_parallel>], iteration_bounds = array<i64: 2, 16>, scalar_prefetch = 0 : i64, scratch_operands = 5 : i64, tpu.core_type = #tpu.core_type<sc_vector_subcore>, window_params = [{transform_indices = #map}, {transform_indices = #map}]} {
    %scan3A = arith.constant 0 : i32
    %scan3A_0 = arith.constant 128 : i32
    %scan3A_1 = arith.addi %scan3A, %scan3A_0 : i32
    %scan3A_2 = arith.constant 1 : i32
    scf.for %scan3A_82 = %scan3A to %scan3A_1 step %scan3A_2  : i32 {
      %mul3A_83 = arith.constant 1 : i32
      %mul3A_84 = arith.muli %scan3A_82, %mul3A_83 : i32
      %add3A_85 = arith.constant 0 : i32
      %add3A_86 = arith.addi %add3A_85, %mul3A_84 : i32
      %broadcast_in_dim3A = arith.constant 0.000000e+00 : f32
      %broadcast_in_dim3A_87 = vector.broadcast %broadcast_in_dim3A : f32 to vector<16xf32>
      %swap3A = arith.index_cast %add3A_86 : i32 to index
      %swap3A_88 = arith.constant 0 : index
      %swap3A_89 = tpu.vector_load %arg4[%swap3A, %swap3A_88] {strides = array<i32>} : memref<128x128xf32, #tpu.memory_space<vmem>>, vector<1x16xf32>,
      %swap3A_90 = vector.shape_cast %swap3A_89 : vector<1x16xf32> to vector<16xf32>
      %swap3A_91 = vector.shape_cast %broadcast_in_dim3A_87 : vector<16xf32> to vector<1x16xf32>
      tpu.vector_store %arg4[%swap3A, %swap3A_88], %swap3A_91 {strides = array<i32>} : memref<128x128xf32, #tpu.memory_space<vmem>>, vector<1x16xf32>,
      %broadcast_in_dim3A_92 = arith.constant 1.000000e+00 : f32
      %broadcast_in_dim3A_93 = vector.broadcast %broadcast_in_dim3A_92 : f32 to vector<16xf32>
      %swap3A_94 = arith.index_cast %add3A_86 : i32 to index
      %swap3A_95 = arith.constant 0 : index
      %swap3A_96 = tpu.vector_load %arg6[%swap3A_94, %swap3A_95] {strides = array<i32>} : memref<128x128xf32, #tpu.memory_space<vmem>>, vector<1x16xf32>,
      %swap3A_97 = vector.shape_cast %swap3A_96 : vector<1x16xf32> to vector<16xf32>
      %swap3A_98 = vector.shape_cast %broadcast_in_dim3A_93 : vector<16xf32> to vector<1x16xf32>
      tpu.vector_store %arg6[%swap3A_94, %swap3A_95], %swap3A_98 {strides = array<i32>} : memref<128x128xf32, #tpu.memory_space<vmem>>, vector<1x16xf32>,
      %broadcast_in_dim3A_99 = arith.constant 0.000000e+00 : f32
      %broadcast_in_dim3A_100 = vector.broadcast %broadcast_in_dim3A_99 : f32 to vector<16xf32>
      %swap3A_101 = arith.index_cast %add3A_86 : i32 to index
      %swap3A_102 = arith.constant 16 : index
      %swap3A_103 = tpu.vector_load %arg4[%swap3A_101, %swap3A_102] {strides = array<i32>} : memref<128x128xf32, #tpu.memory_space<vmem>>, vector<1x16xf32>,
      %swap3A_104 = vector.shape_cast %swap3A_103 : vector<1x16xf32> to vector<16xf32>
      %swap3A_105 = vector.shape_cast %broadcast_in_dim3A_100 : vector<16xf32> to vector<1x16xf32>
      tpu.vector_store %arg4[%swap3A_101, %swap3A_102], %swap3A_105 {strides = array<i32>} : memref<128x128xf32, #tpu.memory_space<vmem>>, vector<1x16xf32>,
      %broadcast_in_dim3A_106 = arith.constant 1.000000e+00 : f32
      %broadcast_in_dim3A_107 = vector.broadcast %broadcast_in_dim3A_106 : f32 to vector<16xf32>
      %swap3A_108 = arith.index_cast %add3A_86 : i32 to index
      %swap3A_109 = arith.constant 16 : index
      %swap3A_110 = tpu.vector_load %arg6[%swap3A_108, %swap3A_109] {strides = array<i32>} : memref<128x128xf32, #tpu.memory_space<vmem>>, vector<1x16xf32>,
      %swap3A_111 = vector.shape_cast %swap3A_110 : vector<1x16xf32> to vector<16xf32>
      %swap3A_112 = vector.shape_cast %broadcast_in_dim3A_107 : vector<16xf32> to vector<1x16xf32>
      tpu.vector_store %arg6[%swap3A_108, %swap3A_109], %swap3A_112 {strides = array<i32>} : memref<128x128xf32, #tpu.memory_space<vmem>>, vector<1x16xf32>,
      %broadcast_in_dim3A_113 = arith.constant 0.000000e+00 : f32
      %broadcast_in_dim3A_114 = vector.broadcast %broadcast_in_dim3A_113 : f32 to vector<16xf32>
      %swap3A_115 = arith.index_cast %add3A_86 : i32 to index
      %swap3A_116 = arith.constant 32 : index
      %swap3A_117 = tpu.vector_load %arg4[%swap3A_115, %swap3A_116] {strides = array<i32>} : memref<128x128xf32, #tpu.memory_space<vmem>>, vector<1x16xf32>,
      %swap3A_118 = vector.shape_cast %swap3A_117 : vector<1x16xf32> to vector<16xf32>
      %swap3A_119 = vector.shape_cast %broadcast_in_dim3A_114 : vector<16xf32> to vector<1x16xf32>
      tpu.vector_store %arg4[%swap3A_115, %swap3A_116], %swap3A_119 {strides = array<i32>} : memref<128x128xf32, #tpu.memory_space<vmem>>, vector<1x16xf32>,
      %broadcast_in_dim3A_120 = arith.constant 1.000000e+00 : f32
      %broadcast_in_dim3A_121 = vector.broadcast %broadcast_in_dim3A_120 : f32 to vector<16xf32>
      %swap3A_122 = arith.index_cast %add3A_86 : i32 to index
      %swap3A_123 = arith.constant 32 : index
      %swap3A_124 = tpu.vector_load %arg6[%swap3A_122, %swap3A_123] {strides = array<i32>} : memref<128x128xf32, #tpu.memory_space<vmem>>, vector<1x16xf32>,
      %swap3A_125 = vector.shape_cast %swap3A_124 : vector<1x16xf32> to vector<16xf32>
      %swap3A_126 = vector.shape_cast %broadcast_in_dim3A_121 : vector<16xf32> to vector<1x16xf32>
      tpu.vector_store %arg6[%swap3A_122, %swap3A_123], %swap3A_126 {strides = array<i32>} : memref<128x128xf32, #tpu.memory_space<vmem>>, vector<1x16xf32>,
      %broadcast_in_dim3A_127 = arith.constant 0.000000e+00 : f32
      %broadcast_in_dim3A_128 = vector.broadcast %broadcast_in_dim3A_127 : f32 to vector<16xf32>
      %swap3A_129 = arith.index_cast %add3A_86 : i32 to index
      %swap3A_130 = arith.constant 48 : index
      %swap3A_131 = tpu.vector_load %arg4[%swap3A_129, %swap3A_130] {strides = array<i32>} : memref<128x128xf32, #tpu.memory_space<vmem>>, vector<1x16xf32>,
      %swap3A_132 = vector.shape_cast %swap3A_131 : vector<1x16xf32> to vector<16xf32>
      %swap3A_133 = vector.shape_cast %broadcast_in_dim3A_128 : vector<16xf32> to vector<1x16xf32>
      tpu.vector_store %arg4[%swap3A_129, %swap3A_130], %swap3A_133 {strides = array<i32>} : memref<128x128xf32, #tpu.memory_space<vmem>>, vector<1x16xf32>,
      %broadcast_in_dim3A_134 = arith.constant 1.000000e+00 : f32
      %broadcast_in_dim3A_135 = vector.broadcast %broadcast_in_dim3A_134 : f32 to vector<16xf32>
      %swap3A_136 = arith.index_cast %add3A_86 : i32 to index
      %swap3A_137 = arith.constant 48 : index
      %swap3A_138 = tpu.vector_load %arg6[%swap3A_136, %swap3A_137] {strides = array<i32>} : memref<128x128xf32, #tpu.memory_space<vmem>>, vector<1x16xf32>,
      %swap3A_139 = vector.shape_cast %swap3A_138 : vector<1x16xf32> to vector<16xf32>
      %swap3A_140 = vector.shape_cast %broadcast_in_dim3A_135 : vector<16xf32> to vector<1x16xf32>
      tpu.vector_store %arg6[%swap3A_136, %swap3A_137], %swap3A_140 {strides = array<i32>} : memref<128x128xf32, #tpu.memory_space<vmem>>, vector<1x16xf32>,
      %broadcast_in_dim3A_141 = arith.constant 0.000000e+00 : f32
      %broadcast_in_dim3A_142 = vector.broadcast %broadcast_in_dim3A_141 : f32 to vector<16xf32>
      %swap3A_143 = arith.index_cast %add3A_86 : i32 to index
      %swap3A_144 = arith.constant 64 : index
      %swap3A_145 = tpu.vector_load %arg4[%swap3A_143, %swap3A_144] {strides = array<i32>} : memref<128x128xf32, #tpu.memory_space<vmem>>, vector<1x16xf32>,
      %swap3A_146 = vector.shape_cast %swap3A_145 : vector<1x16xf32> to vector<16xf32>
      %swap3A_147 = vector.shape_cast %broadcast_in_dim3A_142 : vector<16xf32> to vector<1x16xf32>
      tpu.vector_store %arg4[%swap3A_143, %swap3A_144], %swap3A_147 {strides = array<i32>} : memref<128x128xf32, #tpu.memory_space<vmem>>, vector<1x16xf32>,
      %broadcast_in_dim3A_148 = arith.constant 1.000000e+00 : f32
      %broadcast_in_dim3A_149 = vector.broadcast %broadcast_in_dim3A_148 : f32 to vector<16xf32>
      %swap3A_150 = arith.index_cast %add3A_86 : i32 to index
      %swap3A_151 = arith.constant 64 : index
      %swap3A_152 = tpu.vector_load %arg6[%swap3A_150, %swap3A_151] {strides = array<i32>} : memref<128x128xf32, #tpu.memory_space<vmem>>, vector<1x16xf32>,
      %swap3A_153 = vector.shape_cast %swap3A_152 : vector<1x16xf32> to vector<16xf32>
      %swap3A_154 = vector.shape_cast %broadcast_in_dim3A_149 : vector<16xf32> to vector<1x16xf32>
      tpu.vector_store %arg6[%swap3A_150, %swap3A_151], %swap3A_154 {strides = array<i32>} : memref<128x128xf32, #tpu.memory_space<vmem>>, vector<1x16xf32>,
      %broadcast_in_dim3A_155 = arith.constant 0.000000e+00 : f32
      %broadcast_in_dim3A_156 = vector.broadcast %broadcast_in_dim3A_155 : f32 to vector<16xf32>
      %swap3A_157 = arith.index_cast %add3A_86 : i32 to index
      %swap3A_158 = arith.constant 80 : index
      %swap3A_159 = tpu.vector_load %arg4[%swap3A_157, %swap3A_158] {strides = array<i32>} : memref<128x128xf32, #tpu.memory_space<vmem>>, vector<1x16xf32>,
      %swap3A_160 = vector.shape_cast %swap3A_159 : vector<1x16xf32> to vector<16xf32>
      %swap3A_161 = vector.shape_cast %broadcast_in_dim3A_156 : vector<16xf32> to vector<1x16xf32>
      tpu.vector_store %arg4[%swap3A_157, %swap3A_158], %swap3A_161 {strides = array<i32>} : memref<128x128xf32, #tpu.memory_space<vmem>>, vector<1x16xf32>,
      %broadcast_in_dim3A_162 = arith.constant 1.000000e+00 : f32
      %broadcast_in_dim3A_163 = vector.broadcast %broadcast_in_dim3A_162 : f32 to vector<16xf32>
      %swap3A_164 = arith.index_cast %add3A_86 : i32 to index
      %swap3A_165 = arith.constant 80 : index
      %swap3A_166 = tpu.vector_load %arg6[%swap3A_164, %swap3A_165] {strides = array<i32>} : memref<128x128xf32, #tpu.memory_space<vmem>>, vector<1x16xf32>,
      %swap3A_167 = vector.shape_cast %swap3A_166 : vector<1x16xf32> to vector<16xf32>
      %swap3A_168 = vector.shape_cast %broadcast_in_dim3A_163 : vector<16xf32> to vector<1x16xf32>
      tpu.vector_store %arg6[%swap3A_164, %swap3A_165], %swap3A_168 {strides = array<i32>} : memref<128x128xf32, #tpu.memory_space<vmem>>, vector<1x16xf32>,
      %broadcast_in_dim3A_169 = arith.constant 0.000000e+00 : f32
      %broadcast_in_dim3A_170 = vector.broadcast %broadcast_in_dim3A_169 : f32 to vector<16xf32>
      %swap3A_171 = arith.index_cast %add3A_86 : i32 to index
      %swap3A_172 = arith.constant 96 : index
      %swap3A_173 = tpu.vector_load %arg4[%swap3A_171, %swap3A_172] {strides = array<i32>} : memref<128x128xf32, #tpu.memory_space<vmem>>, vector<1x16xf32>,
      %swap3A_174 = vector.shape_cast %swap3A_173 : vector<1x16xf32> to vector<16xf32>
      %swap3A_175 = vector.shape_cast %broadcast_in_dim3A_170 : vector<16xf32> to vector<1x16xf32>
      tpu.vector_store %arg4[%swap3A_171, %swap3A_172], %swap3A_175 {strides = array<i32>} : memref<128x128xf32, #tpu.memory_space<vmem>>, vector<1x16xf32>,
      %broadcast_in_dim3A_176 = arith.constant 1.000000e+00 : f32
      %broadcast_in_dim3A_177 = vector.broadcast %broadcast_in_dim3A_176 : f32 to vector<16xf32>
      %swap3A_178 = arith.index_cast %add3A_86 : i32 to index
      %swap3A_179 = arith.constant 96 : index
      %swap3A_180 = tpu.vector_load %arg6[%swap3A_178, %swap3A_179] {strides = array<i32>} : memref<128x128xf32, #tpu.memory_space<vmem>>, vector<1x16xf32>,
      %swap3A_181 = vector.shape_cast %swap3A_180 : vector<1x16xf32> to vector<16xf32>
      %swap3A_182 = vector.shape_cast %broadcast_in_dim3A_177 : vector<16xf32> to vector<1x16xf32>
      tpu.vector_store %arg6[%swap3A_178, %swap3A_179], %swap3A_182 {strides = array<i32>} : memref<128x128xf32, #tpu.memory_space<vmem>>, vector<1x16xf32>,
      %broadcast_in_dim3A_183 = arith.constant 0.000000e+00 : f32
      %broadcast_in_dim3A_184 = vector.broadcast %broadcast_in_dim3A_183 : f32 to vector<16xf32>
      %swap3A_185 = arith.index_cast %add3A_86 : i32 to index
      %swap3A_186 = arith.constant 112 : index
      %swap3A_187 = tpu.vector_load %arg4[%swap3A_185, %swap3A_186] {strides = array<i32>} : memref<128x128xf32, #tpu.memory_space<vmem>>, vector<1x16xf32>,
      %swap3A_188 = vector.shape_cast %swap3A_187 : vector<1x16xf32> to vector<16xf32>
      %swap3A_189 = vector.shape_cast %broadcast_in_dim3A_184 : vector<16xf32> to vector<1x16xf32>
      tpu.vector_store %arg4[%swap3A_185, %swap3A_186], %swap3A_189 {strides = array<i32>} : memref<128x128xf32, #tpu.memory_space<vmem>>, vector<1x16xf32>,
      %broadcast_in_dim3A_190 = arith.constant 1.000000e+00 : f32
      %broadcast_in_dim3A_191 = vector.broadcast %broadcast_in_dim3A_190 : f32 to vector<16xf32>
      %swap3A_192 = arith.index_cast %add3A_86 : i32 to index
      %swap3A_193 = arith.constant 112 : index
      %swap3A_194 = tpu.vector_load %arg6[%swap3A_192, %swap3A_193] {strides = array<i32>} : memref<128x128xf32, #tpu.memory_space<vmem>>, vector<1x16xf32>,
      %swap3A_195 = vector.shape_cast %swap3A_194 : vector<1x16xf32> to vector<16xf32>
      %swap3A_196 = vector.shape_cast %broadcast_in_dim3A_191 : vector<16xf32> to vector<1x16xf32>
      tpu.vector_store %arg6[%swap3A_192, %swap3A_193], %swap3A_196 {strides = array<i32>} : memref<128x128xf32, #tpu.memory_space<vmem>>, vector<1x16xf32>,
    }
    %scan3A_3 = arith.constant 128 : i32
    %mul3A = arith.constant 1250 : i32
    %mul3A_4 = arith.muli %arg0, %mul3A : i32
    %mul3A_5 = arith.constant 78 : i32
    %mul3A_6 = arith.muli %arg1, %mul3A_5 : i32
    %add3A = arith.addi %mul3A_4, %mul3A_6 : i32
    %min3A = arith.constant 2 : i32
    %min3A_7 = arith.minsi %arg1, %min3A : i32
    %add3A_8 = arith.addi %add3A, %min3A_7 : i32
    %lt3A = arith.constant 2 : i32
    %lt3A_9 = arith.cmpi slt, %arg1, %lt3A : i32
    %jit3A = arith.constant 79 : i32
    %jit3A_10 = arith.constant 78 : i32
    %select_n3A = arith.select %lt3A_9, %jit3A, %jit3A_10 : i32
    "tpu.region"() ({
      %run_scoped3A = tpu.sem_alloc : memref<!tpu.dma_semaphore, #tpu.memory_space<semaphore_mem>>
      %dma_start3A = arith.constant 0 : i32
      %dma_start3A_82 = arith.constant 0 : i32
      %dma_start3A_83 = tpu.memref_slice %arg2[%add3A_8, %dma_start3A, %dma_start3A_82] : memref<2512x1x128xi32, #tpu.memory_space<hbm>> -> memref<79x1x128xi32, #tpu.memory_space<hbm>>
      %dma_start3A_84 = arith.constant 0 : i32
      %dma_start3A_85 = arith.constant 0 : i32
      %dma_start3A_86 = tpu.memref_slice %arg2[%add3A_8, %dma_start3A_84, %dma_start3A_85] : memref<2512x1x128xi32, #tpu.memory_space<hbm>> -> memref<79x1x128xi32, #tpu.memory_space<hbm>>
      tpu.enqueue_dma source(%dma_start3A_86 : memref<79x1x128xi32, #tpu.memory_space<hbm>>) target(%arg5 : memref<79x1x128xi32, #tpu.memory_space<vmem>>) target_semaphore(%run_scoped3A : memref<!tpu.dma_semaphore, #tpu.memory_space<semaphore_mem>>)
      %dma_wait3A = arith.constant 0 : i32
      %dma_wait3A_87 = arith.constant 0 : i32
      %dma_wait3A_88 = tpu.memref_slice %arg2[%add3A_8, %dma_wait3A, %dma_wait3A_87] : memref<2512x1x128xi32, #tpu.memory_space<hbm>> -> memref<79x1x128xi32, #tpu.memory_space<hbm>>
      %dma_wait3A_89 = arith.constant 0 : i32
      %dma_wait3A_90 = arith.constant 0 : i32
      %dma_wait3A_91 = tpu.memref_slice %arg2[%add3A_8, %dma_wait3A_89, %dma_wait3A_90] : memref<2512x1x128xi32, #tpu.memory_space<hbm>> -> memref<79x1x128xi32, #tpu.memory_space<hbm>>
      tpu.wait_dma2 semaphore(%run_scoped3A : memref<!tpu.dma_semaphore, #tpu.memory_space<semaphore_mem>>) src(%dma_wait3A_91 : memref<79x1x128xi32, #tpu.memory_space<hbm>>) dst(%arg5 : memref<79x1x128xi32, #tpu.memory_space<vmem>>)
      tpu.yield
    }) : () -> ()
    %mul3A_11 = arith.constant 640 : i32
    %mul3A_12 = arith.muli %arg1, %mul3A_11 : i32
    %add3A_13 = arith.constant 0 : i32
    %add3A_14 = arith.addi %mul3A_12, %add3A_13 : i32
    "tpu.region"() ({
      %run_scoped3A = tpu.sem_alloc : memref<!tpu.dma_semaphore, #tpu.memory_space<semaphore_mem>>
      %dma_start3A = arith.constant 0 : i32
      %dma_start3A_82 = tpu.memref_slice %arg7[%add3A_14, %dma_start3A] : memref<10240x128xf32, #tpu.memory_space<vmem_shared>> -> memref<128x128xf32, #tpu.memory_space<vmem_shared>>
      %dma_start3A_83 = arith.constant 0 : i32
      %dma_start3A_84 = tpu.memref_slice %arg7[%add3A_14, %dma_start3A_83] : memref<10240x128xf32, #tpu.memory_space<vmem_shared>> -> memref<128x128xf32, #tpu.memory_space<vmem_shared>>
      tpu.enqueue_dma source(%arg4 : memref<128x128xf32, #tpu.memory_space<vmem>>) target(%dma_start3A_84 : memref<128x128xf32, #tpu.memory_space<vmem_shared>>) target_semaphore(%run_scoped3A : memref<!tpu.dma_semaphore, #tpu.memory_space<semaphore_mem>>)
      %dma_wait3A = arith.constant 0 : i32
      %dma_wait3A_85 = tpu.memref_slice %arg7[%add3A_14, %dma_wait3A] : memref<10240x128xf32, #tpu.memory_space<vmem_shared>> -> memref<128x128xf32, #tpu.memory_space<vmem_shared>>
      %dma_wait3A_86 = arith.constant 0 : i32
      %dma_wait3A_87 = tpu.memref_slice %arg7[%add3A_14, %dma_wait3A_86] : memref<10240x128xf32, #tpu.memory_space<vmem_shared>> -> memref<128x128xf32, #tpu.memory_space<vmem_shared>>
      tpu.wait_dma2 semaphore(%run_scoped3A : memref<!tpu.dma_semaphore, #tpu.memory_space<semaphore_mem>>) src(%arg4 : memref<128x128xf32, #tpu.memory_space<vmem>>) dst(%dma_wait3A_87 : memref<128x128xf32, #tpu.memory_space<vmem_shared>>)
      tpu.yield
    }) : () -> ()
    %mul3A_15 = arith.constant 640 : i32
    %mul3A_16 = arith.muli %arg1, %mul3A_15 : i32
    %add3A_17 = arith.constant 128 : i32
    %add3A_18 = arith.addi %mul3A_16, %add3A_17 : i32
    "tpu.region"() ({
      %run_scoped3A = tpu.sem_alloc : memref<!tpu.dma_semaphore, #tpu.memory_space<semaphore_mem>>
      %dma_start3A = arith.constant 0 : i32
      %dma_start3A_82 = tpu.memref_slice %arg7[%add3A_18, %dma_start3A] : memref<10240x128xf32, #tpu.memory_space<vmem_shared>> -> memref<128x128xf32, #tpu.memory_space<vmem_shared>>
      %dma_start3A_83 = arith.constant 0 : i32
      %dma_start3A_84 = tpu.memref_slice %arg7[%add3A_18, %dma_start3A_83] : memref<10240x128xf32, #tpu.memory_space<vmem_shared>> -> memref<128x128xf32, #tpu.memory_space<vmem_shared>>
      tpu.enqueue_dma source(%arg4 : memref<128x128xf32, #tpu.memory_space<vmem>>) target(%dma_start3A_84 : memref<128x128xf32, #tpu.memory_space<vmem_shared>>) target_semaphore(%run_scoped3A : memref<!tpu.dma_semaphore, #tpu.memory_space<semaphore_mem>>)
      %dma_wait3A = arith.constant 0 : i32
      %dma_wait3A_85 = tpu.memref_slice %arg7[%add3A_18, %dma_wait3A] : memref<10240x128xf32, #tpu.memory_space<vmem_shared>> -> memref<128x128xf32, #tpu.memory_space<vmem_shared>>
      %dma_wait3A_86 = arith.constant 0 : i32
      %dma_wait3A_87 = tpu.memref_slice %arg7[%add3A_18, %dma_wait3A_86] : memref<10240x128xf32, #tpu.memory_space<vmem_shared>> -> memref<128x128xf32, #tpu.memory_space<vmem_shared>>
      tpu.wait_dma2 semaphore(%run_scoped3A : memref<!tpu.dma_semaphore, #tpu.memory_space<semaphore_mem>>) src(%arg4 : memref<128x128xf32, #tpu.memory_space<vmem>>) dst(%dma_wait3A_87 : memref<128x128xf32, #tpu.memory_space<vmem_shared>>)
      tpu.yield
    }) : () -> ()
    %mul3A_19 = arith.constant 640 : i32
    %mul3A_20 = arith.muli %arg1, %mul3A_19 : i32
    %add3A_21 = arith.constant 256 : i32
    %add3A_22 = arith.addi %mul3A_20, %add3A_21 : i32
    "tpu.region"() ({
      %run_scoped3A = tpu.sem_alloc : memref<!tpu.dma_semaphore, #tpu.memory_space<semaphore_mem>>
      %dma_start3A = arith.constant 0 : i32
      %dma_start3A_82 = tpu.memref_slice %arg7[%add3A_22, %dma_start3A] : memref<10240x128xf32, #tpu.memory_space<vmem_shared>> -> memref<128x128xf32, #tpu.memory_space<vmem_shared>>
      %dma_start3A_83 = arith.constant 0 : i32
      %dma_start3A_84 = tpu.memref_slice %arg7[%add3A_22, %dma_start3A_83] : memref<10240x128xf32, #tpu.memory_space<vmem_shared>> -> memref<128x128xf32, #tpu.memory_space<vmem_shared>>
      tpu.enqueue_dma source(%arg4 : memref<128x128xf32, #tpu.memory_space<vmem>>) target(%dma_start3A_84 : memref<128x128xf32, #tpu.memory_space<vmem_shared>>) target_semaphore(%run_scoped3A : memref<!tpu.dma_semaphore, #tpu.memory_space<semaphore_mem>>)
      %dma_wait3A = arith.constant 0 : i32
      %dma_wait3A_85 = tpu.memref_slice %arg7[%add3A_22, %dma_wait3A] : memref<10240x128xf32, #tpu.memory_space<vmem_shared>> -> memref<128x128xf32, #tpu.memory_space<vmem_shared>>
      %dma_wait3A_86 = arith.constant 0 : i32
      %dma_wait3A_87 = tpu.memref_slice %arg7[%add3A_22, %dma_wait3A_86] : memref<10240x128xf32, #tpu.memory_space<vmem_shared>> -> memref<128x128xf32, #tpu.memory_space<vmem_shared>>
      tpu.wait_dma2 semaphore(%run_scoped3A : memref<!tpu.dma_semaphore, #tpu.memory_space<semaphore_mem>>) src(%arg4 : memref<128x128xf32, #tpu.memory_space<vmem>>) dst(%dma_wait3A_87 : memref<128x128xf32, #tpu.memory_space<vmem_shared>>)
      tpu.yield
    }) : () -> ()
    %mul3A_23 = arith.constant 640 : i32
    %mul3A_24 = arith.muli %arg1, %mul3A_23 : i32
    %add3A_25 = arith.constant 384 : i32
    %add3A_26 = arith.addi %mul3A_24, %add3A_25 : i32
    "tpu.region"() ({
      %run_scoped3A = tpu.sem_alloc : memref<!tpu.dma_semaphore, #tpu.memory_space<semaphore_mem>>
      %dma_start3A = arith.constant 0 : i32
      %dma_start3A_82 = tpu.memref_slice %arg7[%add3A_26, %dma_start3A] : memref<10240x128xf32, #tpu.memory_space<vmem_shared>> -> memref<128x128xf32, #tpu.memory_space<vmem_shared>>
      %dma_start3A_83 = arith.constant 0 : i32
      %dma_start3A_84 = tpu.memref_slice %arg7[%add3A_26, %dma_start3A_83] : memref<10240x128xf32, #tpu.memory_space<vmem_shared>> -> memref<128x128xf32, #tpu.memory_space<vmem_shared>>
      tpu.enqueue_dma source(%arg4 : memref<128x128xf32, #tpu.memory_space<vmem>>) target(%dma_start3A_84 : memref<128x128xf32, #tpu.memory_space<vmem_shared>>) target_semaphore(%run_scoped3A : memref<!tpu.dma_semaphore, #tpu.memory_space<semaphore_mem>>)
      %dma_wait3A = arith.constant 0 : i32
      %dma_wait3A_85 = tpu.memref_slice %arg7[%add3A_26, %dma_wait3A] : memref<10240x128xf32, #tpu.memory_space<vmem_shared>> -> memref<128x128xf32, #tpu.memory_space<vmem_shared>>
      %dma_wait3A_86 = arith.constant 0 : i32
      %dma_wait3A_87 = tpu.memref_slice %arg7[%add3A_26, %dma_wait3A_86] : memref<10240x128xf32, #tpu.memory_space<vmem_shared>> -> memref<128x128xf32, #tpu.memory_space<vmem_shared>>
      tpu.wait_dma2 semaphore(%run_scoped3A : memref<!tpu.dma_semaphore, #tpu.memory_space<semaphore_mem>>) src(%arg4 : memref<128x128xf32, #tpu.memory_space<vmem>>) dst(%dma_wait3A_87 : memref<128x128xf32, #tpu.memory_space<vmem_shared>>)
      tpu.yield
    }) : () -> ()
    %mul3A_27 = arith.constant 640 : i32
    %mul3A_28 = arith.muli %arg1, %mul3A_27 : i32
    %add3A_29 = arith.constant 512 : i32
    %add3A_30 = arith.addi %mul3A_28, %add3A_29 : i32
    "tpu.region"() ({
      %run_scoped3A = tpu.sem_alloc : memref<!tpu.dma_semaphore, #tpu.memory_space<semaphore_mem>>
      %dma_start3A = arith.constant 0 : i32
      %dma_start3A_82 = tpu.memref_slice %arg7[%add3A_30, %dma_start3A] : memref<10240x128xf32, #tpu.memory_space<vmem_shared>> -> memref<128x128xf32, #tpu.memory_space<vmem_shared>>
      %dma_start3A_83 = arith.constant 0 : i32
      %dma_start3A_84 = tpu.memref_slice %arg7[%add3A_30, %dma_start3A_83] : memref<10240x128xf32, #tpu.memory_space<vmem_shared>> -> memref<128x128xf32, #tpu.memory_space<vmem_shared>>
      tpu.enqueue_dma source(%arg4 : memref<128x128xf32, #tpu.memory_space<vmem>>) target(%dma_start3A_84 : memref<128x128xf32, #tpu.memory_space<vmem_shared>>) target_semaphore(%run_scoped3A : memref<!tpu.dma_semaphore, #tpu.memory_space<semaphore_mem>>)
      %dma_wait3A = arith.constant 0 : i32
      %dma_wait3A_85 = tpu.memref_slice %arg7[%add3A_30, %dma_wait3A] : memref<10240x128xf32, #tpu.memory_space<vmem_shared>> -> memref<128x128xf32, #tpu.memory_space<vmem_shared>>
      %dma_wait3A_86 = arith.constant 0 : i32
      %dma_wait3A_87 = tpu.memref_slice %arg7[%add3A_30, %dma_wait3A_86] : memref<10240x128xf32, #tpu.memory_space<vmem_shared>> -> memref<128x128xf32, #tpu.memory_space<vmem_shared>>
      tpu.wait_dma2 semaphore(%run_scoped3A : memref<!tpu.dma_semaphore, #tpu.memory_space<semaphore_mem>>) src(%arg4 : memref<128x128xf32, #tpu.memory_space<vmem>>) dst(%dma_wait3A_87 : memref<128x128xf32, #tpu.memory_space<vmem_shared>>)
      tpu.yield
    }) : () -> ()
    %barrier3A = arith.constant 0 : index
    tpu.barrier barrier_id(%barrier3A)
    %scan3A_31 = arith.constant 0 : i32
    %scan3A_32 = arith.constant 79 : i32
    %scan3A_33 = arith.addi %scan3A_31, %scan3A_32 : i32
    %scan3A_34 = arith.constant 1 : i32
    scf.for %scan3A_82 = %scan3A_31 to %scan3A_33 step %scan3A_34  : i32 {
      %mul3A_83 = arith.constant 1 : i32
      %mul3A_84 = arith.muli %scan3A_82, %mul3A_83 : i32
      %add3A_85 = arith.constant 0 : i32
      %add3A_86 = arith.addi %add3A_85, %mul3A_84 : i32
      %lt3A_87 = arith.cmpi slt, %add3A_86, %select_n3A : i32
      %convert_element_type3A = arith.extui %lt3A_87 : i1 to i32
      %cond3A = arith.constant 0 : i32
      %cond3A_88 = arith.cmpi ne, %convert_element_type3A, %cond3A : i32
      scf.if %cond3A_88 {
        %dma_start3A = arith.constant 0 : i32
        %dma_start3A_89 = arith.constant 0 : i32
        %dma_start3A_90 = arith.constant 0 : i32
        %dma_start3A_91 = tpu.memref_slice %arg5[%add3A_86, %dma_start3A_89, %dma_start3A_90] : memref<79x1x128xi32, #tpu.memory_space<vmem>> -> memref<1x1x128xi32, #tpu.memory_space<vmem>>
        %dma_start3A_92 = tpu.memref_squeeze %dma_start3A_91 : memref<1x1x128xi32, #tpu.memory_space<vmem>> -> memref<1x128xi32, #tpu.memory_space<vmem>>
        %dma_start3A_93 = arith.constant 0 : i32
        %dma_start3A_94 = tpu.memref_slice %dma_start3A_92[%dma_start3A, %dma_start3A_93] : memref<1x128xi32, #tpu.memory_space<vmem>> -> memref<1x128xi32, #tpu.memory_space<vmem>>
        %dma_start3A_95 = tpu.memref_squeeze %dma_start3A_94 : memref<1x128xi32, #tpu.memory_space<vmem>> -> memref<128xi32, #tpu.memory_space<vmem>>
        %dma_start3A_96 = arith.constant 0 : i32
        %dma_start3A_97 = arith.constant 0 : i32
        %dma_start3A_98 = tpu.memref_slice %arg7[%dma_start3A_96, %dma_start3A_97] : memref<10240x128xf32, #tpu.memory_space<vmem_shared>> -> memref<10240x128xf32, #tpu.memory_space<vmem_shared>>
        tpu.enqueue_indirect_dma source(%arg6 : memref<128x128xf32, #tpu.memory_space<vmem>>) target(%dma_start3A_98 : memref<10240x128xf32, #tpu.memory_space<vmem_shared>>) offsets(%dma_start3A_95 : memref<128xi32, #tpu.memory_space<vmem>>) semaphore(%arg8 : memref<!tpu.dma_semaphore, #tpu.memory_space<semaphore_mem>>) {add = true}
      } else {
      }
    }
    %scan3A_35 = arith.constant 79 : i32
    %scan3A_36 = arith.constant 0 : i32
    %scan3A_37 = arith.constant 79 : i32
    %scan3A_38 = arith.addi %scan3A_36, %scan3A_37 : i32
    %scan3A_39 = arith.constant 1 : i32
    scf.for %scan3A_82 = %scan3A_36 to %scan3A_38 step %scan3A_39  : i32 {
      %mul3A_83 = arith.constant 1 : i32
      %mul3A_84 = arith.muli %scan3A_82, %mul3A_83 : i32
      %add3A_85 = arith.constant 0 : i32
      %add3A_86 = arith.addi %add3A_85, %mul3A_84 : i32
      %lt3A_87 = arith.cmpi slt, %add3A_86, %select_n3A : i32
      %convert_element_type3A = arith.extui %lt3A_87 : i1 to i32
      %cond3A = arith.constant 0 : i32
      %cond3A_88 = arith.cmpi ne, %convert_element_type3A, %cond3A : i32
      scf.if %cond3A_88 {
        %dma_wait3A = arith.constant 0 : i32
        %dma_wait3A_89 = arith.constant 0 : i32
        %dma_wait3A_90 = arith.constant 0 : i32
        %dma_wait3A_91 = tpu.memref_slice %arg5[%add3A_86, %dma_wait3A_89, %dma_wait3A_90] : memref<79x1x128xi32, #tpu.memory_space<vmem>> -> memref<1x1x128xi32, #tpu.memory_space<vmem>>
        %dma_wait3A_92 = tpu.memref_squeeze %dma_wait3A_91 : memref<1x1x128xi32, #tpu.memory_space<vmem>> -> memref<1x128xi32, #tpu.memory_space<vmem>>
        %dma_wait3A_93 = arith.constant 0 : i32
        %dma_wait3A_94 = tpu.memref_slice %dma_wait3A_92[%dma_wait3A, %dma_wait3A_93] : memref<1x128xi32, #tpu.memory_space<vmem>> -> memref<1x128xi32, #tpu.memory_space<vmem>>
        %dma_wait3A_95 = tpu.memref_squeeze %dma_wait3A_94 : memref<1x128xi32, #tpu.memory_space<vmem>> -> memref<128xi32, #tpu.memory_space<vmem>>
        %dma_wait3A_96 = arith.constant 0 : i32
        %dma_wait3A_97 = arith.constant 0 : i32
        %dma_wait3A_98 = tpu.memref_slice %arg7[%dma_wait3A_96, %dma_wait3A_97] : memref<10240x128xf32, #tpu.memory_space<vmem_shared>> -> memref<10240x128xf32, #tpu.memory_space<vmem_shared>>
        tpu.wait_indirect_dma semaphore(%arg8 : memref<!tpu.dma_semaphore, #tpu.memory_space<semaphore_mem>>) src(%arg6 : memref<128x128xf32, #tpu.memory_space<vmem>>) dst(%dma_wait3A_98 : memref<10240x128xf32, #tpu.memory_space<vmem_shared>>)
      } else {
      }
    }
    %scan3A_40 = arith.constant 79 : i32
    %barrier3A_41 = arith.constant 0 : index
    tpu.barrier barrier_id(%barrier3A_41)
    %mul3A_42 = arith.constant 640 : i32
    %mul3A_43 = arith.muli %arg1, %mul3A_42 : i32
    %add3A_44 = arith.constant 0 : i32
    %add3A_45 = arith.addi %mul3A_43, %add3A_44 : i32
    %mul3A_46 = arith.constant 640 : i32
    %mul3A_47 = arith.muli %arg1, %mul3A_46 : i32
    %add3A_48 = arith.constant 0 : i32
    %add3A_49 = arith.addi %mul3A_47, %add3A_48 : i32
    "tpu.region"() ({
      %run_scoped3A = tpu.sem_alloc : memref<!tpu.dma_semaphore, #tpu.memory_space<semaphore_mem>>
      %dma_start3A = arith.constant 0 : i32
      %dma_start3A_82 = arith.constant 0 : i32
      %dma_start3A_83 = tpu.memref_slice %arg3[%arg0, %dma_start3A, %dma_start3A_82] : memref<2x10240x128xf32, #tpu.memory_space<hbm>> -> memref<1x10240x128xf32, #tpu.memory_space<hbm>>
      %dma_start3A_84 = tpu.memref_squeeze %dma_start3A_83 : memref<1x10240x128xf32, #tpu.memory_space<hbm>> -> memref<10240x128xf32, #tpu.memory_space<hbm>>
      %dma_start3A_85 = arith.constant 0 : i32
      %dma_start3A_86 = tpu.memref_slice %dma_start3A_84[%add3A_49, %dma_start3A_85] : memref<10240x128xf32, #tpu.memory_space<hbm>> -> memref<128x128xf32, #tpu.memory_space<hbm>>
      %dma_start3A_87 = arith.constant 0 : i32
      %dma_start3A_88 = tpu.memref_slice %arg7[%add3A_45, %dma_start3A_87] : memref<10240x128xf32, #tpu.memory_space<vmem_shared>> -> memref<128x128xf32, #tpu.memory_space<vmem_shared>>
      tpu.enqueue_dma source(%dma_start3A_88 : memref<128x128xf32, #tpu.memory_space<vmem_shared>>) target(%dma_start3A_86 : memref<128x128xf32, #tpu.memory_space<hbm>>) target_semaphore(%run_scoped3A : memref<!tpu.dma_semaphore, #tpu.memory_space<semaphore_mem>>)
      %dma_wait3A = arith.constant 0 : i32
      %dma_wait3A_89 = arith.constant 0 : i32
      %dma_wait3A_90 = tpu.memref_slice %arg3[%arg0, %dma_wait3A, %dma_wait3A_89] : memref<2x10240x128xf32, #tpu.memory_space<hbm>> -> memref<1x10240x128xf32, #tpu.memory_space<hbm>>
      %dma_wait3A_91 = tpu.memref_squeeze %dma_wait3A_90 : memref<1x10240x128xf32, #tpu.memory_space<hbm>> -> memref<10240x128xf32, #tpu.memory_space<hbm>>
      %dma_wait3A_92 = arith.constant 0 : i32
      %dma_wait3A_93 = tpu.memref_slice %dma_wait3A_91[%add3A_49, %dma_wait3A_92] : memref<10240x128xf32, #tpu.memory_space<hbm>> -> memref<128x128xf32, #tpu.memory_space<hbm>>
      %dma_wait3A_94 = arith.constant 0 : i32
      %dma_wait3A_95 = tpu.memref_slice %arg7[%add3A_45, %dma_wait3A_94] : memref<10240x128xf32, #tpu.memory_space<vmem_shared>> -> memref<128x128xf32, #tpu.memory_space<vmem_shared>>
      tpu.wait_dma2 semaphore(%run_scoped3A : memref<!tpu.dma_semaphore, #tpu.memory_space<semaphore_mem>>) src(%dma_wait3A_95 : memref<128x128xf32, #tpu.memory_space<vmem_shared>>) dst(%dma_wait3A_93 : memref<128x128xf32, #tpu.memory_space<hbm>>)
      tpu.yield
    }) : () -> ()
    %mul3A_50 = arith.constant 640 : i32
    %mul3A_51 = arith.muli %arg1, %mul3A_50 : i32
    %add3A_52 = arith.constant 128 : i32
    %add3A_53 = arith.addi %mul3A_51, %add3A_52 : i32
    %mul3A_54 = arith.constant 640 : i32
    %mul3A_55 = arith.muli %arg1, %mul3A_54 : i32
    %add3A_56 = arith.constant 128 : i32
    %add3A_57 = arith.addi %mul3A_55, %add3A_56 : i32
    "tpu.region"() ({
      %run_scoped3A = tpu.sem_alloc : memref<!tpu.dma_semaphore, #tpu.memory_space<semaphore_mem>>
      %dma_start3A = arith.constant 0 : i32
      %dma_start3A_82 = arith.constant 0 : i32
      %dma_start3A_83 = tpu.memref_slice %arg3[%arg0, %dma_start3A, %dma_start3A_82] : memref<2x10240x128xf32, #tpu.memory_space<hbm>> -> memref<1x10240x128xf32, #tpu.memory_space<hbm>>
      %dma_start3A_84 = tpu.memref_squeeze %dma_start3A_83 : memref<1x10240x128xf32, #tpu.memory_space<hbm>> -> memref<10240x128xf32, #tpu.memory_space<hbm>>
      %dma_start3A_85 = arith.constant 0 : i32
      %dma_start3A_86 = tpu.memref_slice %dma_start3A_84[%add3A_57, %dma_start3A_85] : memref<10240x128xf32, #tpu.memory_space<hbm>> -> memref<128x128xf32, #tpu.memory_space<hbm>>
      %dma_start3A_87 = arith.constant 0 : i32
      %dma_start3A_88 = tpu.memref_slice %arg7[%add3A_53, %dma_start3A_87] : memref<10240x128xf32, #tpu.memory_space<vmem_shared>> -> memref<128x128xf32, #tpu.memory_space<vmem_shared>>
      tpu.enqueue_dma source(%dma_start3A_88 : memref<128x128xf32, #tpu.memory_space<vmem_shared>>) target(%dma_start3A_86 : memref<128x128xf32, #tpu.memory_space<hbm>>) target_semaphore(%run_scoped3A : memref<!tpu.dma_semaphore, #tpu.memory_space<semaphore_mem>>)
      %dma_wait3A = arith.constant 0 : i32
      %dma_wait3A_89 = arith.constant 0 : i32
      %dma_wait3A_90 = tpu.memref_slice %arg3[%arg0, %dma_wait3A, %dma_wait3A_89] : memref<2x10240x128xf32, #tpu.memory_space<hbm>> -> memref<1x10240x128xf32, #tpu.memory_space<hbm>>
      %dma_wait3A_91 = tpu.memref_squeeze %dma_wait3A_90 : memref<1x10240x128xf32, #tpu.memory_space<hbm>> -> memref<10240x128xf32, #tpu.memory_space<hbm>>
      %dma_wait3A_92 = arith.constant 0 : i32
      %dma_wait3A_93 = tpu.memref_slice %dma_wait3A_91[%add3A_57, %dma_wait3A_92] : memref<10240x128xf32, #tpu.memory_space<hbm>> -> memref<128x128xf32, #tpu.memory_space<hbm>>
      %dma_wait3A_94 = arith.constant 0 : i32
      %dma_wait3A_95 = tpu.memref_slice %arg7[%add3A_53, %dma_wait3A_94] : memref<10240x128xf32, #tpu.memory_space<vmem_shared>> -> memref<128x128xf32, #tpu.memory_space<vmem_shared>>
      tpu.wait_dma2 semaphore(%run_scoped3A : memref<!tpu.dma_semaphore, #tpu.memory_space<semaphore_mem>>) src(%dma_wait3A_95 : memref<128x128xf32, #tpu.memory_space<vmem_shared>>) dst(%dma_wait3A_93 : memref<128x128xf32, #tpu.memory_space<hbm>>)
      tpu.yield
    }) : () -> ()
    %mul3A_58 = arith.constant 640 : i32
    %mul3A_59 = arith.muli %arg1, %mul3A_58 : i32
    %add3A_60 = arith.constant 256 : i32
    %add3A_61 = arith.addi %mul3A_59, %add3A_60 : i32
    %mul3A_62 = arith.constant 640 : i32
    %mul3A_63 = arith.muli %arg1, %mul3A_62 : i32
    %add3A_64 = arith.constant 256 : i32
    %add3A_65 = arith.addi %mul3A_63, %add3A_64 : i32
    "tpu.region"() ({
      %run_scoped3A = tpu.sem_alloc : memref<!tpu.dma_semaphore, #tpu.memory_space<semaphore_mem>>
      %dma_start3A = arith.constant 0 : i32
      %dma_start3A_82 = arith.constant 0 : i32
      %dma_start3A_83 = tpu.memref_slice %arg3[%arg0, %dma_start3A, %dma_start3A_82] : memref<2x10240x128xf32, #tpu.memory_space<hbm>> -> memref<1x10240x128xf32, #tpu.memory_space<hbm>>
      %dma_start3A_84 = tpu.memref_squeeze %dma_start3A_83 : memref<1x10240x128xf32, #tpu.memory_space<hbm>> -> memref<10240x128xf32, #tpu.memory_space<hbm>>
      %dma_start3A_85 = arith.constant 0 : i32
      %dma_start3A_86 = tpu.memref_slice %dma_start3A_84[%add3A_65, %dma_start3A_85] : memref<10240x128xf32, #tpu.memory_space<hbm>> -> memref<128x128xf32, #tpu.memory_space<hbm>>
      %dma_start3A_87 = arith.constant 0 : i32
      %dma_start3A_88 = tpu.memref_slice %arg7[%add3A_61, %dma_start3A_87] : memref<10240x128xf32, #tpu.memory_space<vmem_shared>> -> memref<128x128xf32, #tpu.memory_space<vmem_shared>>
      tpu.enqueue_dma source(%dma_start3A_88 : memref<128x128xf32, #tpu.memory_space<vmem_shared>>) target(%dma_start3A_86 : memref<128x128xf32, #tpu.memory_space<hbm>>) target_semaphore(%run_scoped3A : memref<!tpu.dma_semaphore, #tpu.memory_space<semaphore_mem>>)
      %dma_wait3A = arith.constant 0 : i32
      %dma_wait3A_89 = arith.constant 0 : i32
      %dma_wait3A_90 = tpu.memref_slice %arg3[%arg0, %dma_wait3A, %dma_wait3A_89] : memref<2x10240x128xf32, #tpu.memory_space<hbm>> -> memref<1x10240x128xf32, #tpu.memory_space<hbm>>
      %dma_wait3A_91 = tpu.memref_squeeze %dma_wait3A_90 : memref<1x10240x128xf32, #tpu.memory_space<hbm>> -> memref<10240x128xf32, #tpu.memory_space<hbm>>
      %dma_wait3A_92 = arith.constant 0 : i32
      %dma_wait3A_93 = tpu.memref_slice %dma_wait3A_91[%add3A_65, %dma_wait3A_92] : memref<10240x128xf32, #tpu.memory_space<hbm>> -> memref<128x128xf32, #tpu.memory_space<hbm>>
      %dma_wait3A_94 = arith.constant 0 : i32
      %dma_wait3A_95 = tpu.memref_slice %arg7[%add3A_61, %dma_wait3A_94] : memref<10240x128xf32, #tpu.memory_space<vmem_shared>> -> memref<128x128xf32, #tpu.memory_space<vmem_shared>>
      tpu.wait_dma2 semaphore(%run_scoped3A : memref<!tpu.dma_semaphore, #tpu.memory_space<semaphore_mem>>) src(%dma_wait3A_95 : memref<128x128xf32, #tpu.memory_space<vmem_shared>>) dst(%dma_wait3A_93 : memref<128x128xf32, #tpu.memory_space<hbm>>)
      tpu.yield
    }) : () -> ()
    %mul3A_66 = arith.constant 640 : i32
    %mul3A_67 = arith.muli %arg1, %mul3A_66 : i32
    %add3A_68 = arith.constant 384 : i32
    %add3A_69 = arith.addi %mul3A_67, %add3A_68 : i32
    %mul3A_70 = arith.constant 640 : i32
    %mul3A_71 = arith.muli %arg1, %mul3A_70 : i32
    %add3A_72 = arith.constant 384 : i32
    %add3A_73 = arith.addi %mul3A_71, %add3A_72 : i32
    "tpu.region"() ({
      %run_scoped3A = tpu.sem_alloc : memref<!tpu.dma_semaphore, #tpu.memory_space<semaphore_mem>>
      %dma_start3A = arith.constant 0 : i32
      %dma_start3A_82 = arith.constant 0 : i32
      %dma_start3A_83 = tpu.memref_slice %arg3[%arg0, %dma_start3A, %dma_start3A_82] : memref<2x10240x128xf32, #tpu.memory_space<hbm>> -> memref<1x10240x128xf32, #tpu.memory_space<hbm>>
      %dma_start3A_84 = tpu.memref_squeeze %dma_start3A_83 : memref<1x10240x128xf32, #tpu.memory_space<hbm>> -> memref<10240x128xf32, #tpu.memory_space<hbm>>
      %dma_start3A_85 = arith.constant 0 : i32
      %dma_start3A_86 = tpu.memref_slice %dma_start3A_84[%add3A_73, %dma_start3A_85] : memref<10240x128xf32, #tpu.memory_space<hbm>> -> memref<128x128xf32, #tpu.memory_space<hbm>>
      %dma_start3A_87 = arith.constant 0 : i32
      %dma_start3A_88 = tpu.memref_slice %arg7[%add3A_69, %dma_start3A_87] : memref<10240x128xf32, #tpu.memory_space<vmem_shared>> -> memref<128x128xf32, #tpu.memory_space<vmem_shared>>
      tpu.enqueue_dma source(%dma_start3A_88 : memref<128x128xf32, #tpu.memory_space<vmem_shared>>) target(%dma_start3A_86 : memref<128x128xf32, #tpu.memory_space<hbm>>) target_semaphore(%run_scoped3A : memref<!tpu.dma_semaphore, #tpu.memory_space<semaphore_mem>>)
      %dma_wait3A = arith.constant 0 : i32
      %dma_wait3A_89 = arith.constant 0 : i32
      %dma_wait3A_90 = tpu.memref_slice %arg3[%arg0, %dma_wait3A, %dma_wait3A_89] : memref<2x10240x128xf32, #tpu.memory_space<hbm>> -> memref<1x10240x128xf32, #tpu.memory_space<hbm>>
      %dma_wait3A_91 = tpu.memref_squeeze %dma_wait3A_90 : memref<1x10240x128xf32, #tpu.memory_space<hbm>> -> memref<10240x128xf32, #tpu.memory_space<hbm>>
      %dma_wait3A_92 = arith.constant 0 : i32
      %dma_wait3A_93 = tpu.memref_slice %dma_wait3A_91[%add3A_73, %dma_wait3A_92] : memref<10240x128xf32, #tpu.memory_space<hbm>> -> memref<128x128xf32, #tpu.memory_space<hbm>>
      %dma_wait3A_94 = arith.constant 0 : i32
      %dma_wait3A_95 = tpu.memref_slice %arg7[%add3A_69, %dma_wait3A_94] : memref<10240x128xf32, #tpu.memory_space<vmem_shared>> -> memref<128x128xf32, #tpu.memory_space<vmem_shared>>
      tpu.wait_dma2 semaphore(%run_scoped3A : memref<!tpu.dma_semaphore, #tpu.memory_space<semaphore_mem>>) src(%dma_wait3A_95 : memref<128x128xf32, #tpu.memory_space<vmem_shared>>) dst(%dma_wait3A_93 : memref<128x128xf32, #tpu.memory_space<hbm>>)
      tpu.yield
    }) : () -> ()
    %mul3A_74 = arith.constant 640 : i32
    %mul3A_75 = arith.muli %arg1, %mul3A_74 : i32
    %add3A_76 = arith.constant 512 : i32
    %add3A_77 = arith.addi %mul3A_75, %add3A_76 : i32
    %mul3A_78 = arith.constant 640 : i32
    %mul3A_79 = arith.muli %arg1, %mul3A_78 : i32
    %add3A_80 = arith.constant 512 : i32
    %add3A_81 = arith.addi %mul3A_79, %add3A_80 : i32
    "tpu.region"() ({
      %run_scoped3A = tpu.sem_alloc : memref<!tpu.dma_semaphore, #tpu.memory_space<semaphore_mem>>
      %dma_start3A = arith.constant 0 : i32
      %dma_start3A_82 = arith.constant 0 : i32
      %dma_start3A_83 = tpu.memref_slice %arg3[%arg0, %dma_start3A, %dma_start3A_82] : memref<2x10240x128xf32, #tpu.memory_space<hbm>> -> memref<1x10240x128xf32, #tpu.memory_space<hbm>>
      %dma_start3A_84 = tpu.memref_squeeze %dma_start3A_83 : memref<1x10240x128xf32, #tpu.memory_space<hbm>> -> memref<10240x128xf32, #tpu.memory_space<hbm>>
      %dma_start3A_85 = arith.constant 0 : i32
      %dma_start3A_86 = tpu.memref_slice %dma_start3A_84[%add3A_81, %dma_start3A_85] : memref<10240x128xf32, #tpu.memory_space<hbm>> -> memref<128x128xf32, #tpu.memory_space<hbm>>
      %dma_start3A_87 = arith.constant 0 : i32
      %dma_start3A_88 = tpu.memref_slice %arg7[%add3A_77, %dma_start3A_87] : memref<10240x128xf32, #tpu.memory_space<vmem_shared>> -> memref<128x128xf32, #tpu.memory_space<vmem_shared>>
      tpu.enqueue_dma source(%dma_start3A_88 : memref<128x128xf32, #tpu.memory_space<vmem_shared>>) target(%dma_start3A_86 : memref<128x128xf32, #tpu.memory_space<hbm>>) target_semaphore(%run_scoped3A : memref<!tpu.dma_semaphore, #tpu.memory_space<semaphore_mem>>)
      %dma_wait3A = arith.constant 0 : i32
      %dma_wait3A_89 = arith.constant 0 : i32
      %dma_wait3A_90 = tpu.memref_slice %arg3[%arg0, %dma_wait3A, %dma_wait3A_89] : memref<2x10240x128xf32, #tpu.memory_space<hbm>> -> memref<1x10240x128xf32, #tpu.memory_space<hbm>>
      %dma_wait3A_91 = tpu.memref_squeeze %dma_wait3A_90 : memref<1x10240x128xf32, #tpu.memory_space<hbm>> -> memref<10240x128xf32, #tpu.memory_space<hbm>>
      %dma_wait3A_92 = arith.constant 0 : i32
      %dma_wait3A_93 = tpu.memref_slice %dma_wait3A_91[%add3A_81, %dma_wait3A_92] : memref<10240x128xf32, #tpu.memory_space<hbm>> -> memref<128x128xf32, #tpu.memory_space<hbm>>
      %dma_wait3A_94 = arith.constant 0 : i32
      %dma_wait3A_95 = tpu.memref_slice %arg7[%add3A_77, %dma_wait3A_94] : memref<10240x128xf32, #tpu.memory_space<vmem_shared>> -> memref<128x128xf32, #tpu.memory_space<vmem_shared>>
      tpu.wait_dma2 semaphore(%run_scoped3A : memref<!tpu.dma_semaphore, #tpu.memory_space<semaphore_mem>>) src(%dma_wait3A_95 : memref<128x128xf32, #tpu.memory_space<vmem_shared>>) dst(%dma_wait3A_93 : memref<128x128xf32, #tpu.memory_space<hbm>>)
      tpu.yield
    }) : () -> ()
    return
  }
}

module attributes {stable_mosaic.version = 14 : i64} {
  func.func @_tc_etab_body(%arg0: i32, %arg1: memref<3200x16xf32, #tpu.memory_space<vmem>>, %arg2: memref<16x128xf32, #tpu.memory_space<vmem>>, %arg3: memref<3200x128xf32, #tpu.memory_space<vmem>>) attributes {dimension_semantics = [#tpu.dimension_semantics<arbitrary>], iteration_bounds = array<i64: 100>, scalar_prefetch = 0 : i64, scratch_operands = 0 : i64, tpu.core_type = #tpu.core_type<tc>, window_params = [{transform_indices = @transform_0, window_bounds = array<i64: 3200, 16>}, {pipeline_mode = #tpu.pipeline_mode<synchronous>, transform_indices = @transform_1, window_bounds = array<i64: 16, 128>}, {transform_indices = @transform_2, window_bounds = array<i64: 3200, 128>}]} {
    %get3A = arith.constant 0 : index
    %get3A_0 = arith.constant 0 : index
    %get3A_1 = vector.load %arg1[%get3A, %get3A_0] : memref<3200x16xf32, #tpu.memory_space<vmem>>, vector<3200x16xf32>
    %get3A_2 = arith.constant 0 : index
    %get3A_3 = arith.constant 0 : index
    %get3A_4 = vector.load %arg2[%get3A_2, %get3A_3] : memref<16x128xf32, #tpu.memory_space<vmem>>, vector<16x128xf32>
    %dot_general3A = arith.constant dense<0.000000e+00> : vector<3200x128xf32>
    %dot_general3A_5 = tpu.matmul %get3A_1, %get3A_4, %dot_general3A {dimension_numbers = #tpu.dot_dimension_numbers<[1], [0], [0], [1], [0, 0, 1, 1], [], []>, precision = #tpu.contract_precision<fp32>, transpose_lhs_hint = false} : vector<3200x16xf32>, vector<16x128xf32>, vector<3200x128xf32> -> vector<3200x128xf32>
    %swap3A = arith.constant 0 : index
    %swap3A_6 = arith.constant 0 : index
    %swap3A_7 = vector.load %arg3[%swap3A, %swap3A_6] : memref<3200x128xf32, #tpu.memory_space<vmem>>, vector<3200x128xf32>
    tpu.vector_store %arg3[%swap3A, %swap3A_6], %dot_general3A_5 {strides = array<i32>} : memref<3200x128xf32, #tpu.memory_space<vmem>>, vector<3200x128xf32>,
    return
  }
  func.func @transform_0(%arg0: i32) -> (i32, i32) {
    %c0_i32 = arith.constant 0 : i32
    %c0_i32_0 = arith.constant 0 : i32
    return %arg0, %c0_i32 : i32, i32
  }
  func.func @transform_1(%arg0: i32) -> (i32, i32) {
    %c0_i32 = arith.constant 0 : i32
    %c0_i32_0 = arith.constant 0 : i32
    %c0_i32_1 = arith.constant 0 : i32
    return %c0_i32, %c0_i32_0 : i32, i32
  }
  func.func @transform_2(%arg0: i32) -> (i32, i32) {
    %c0_i32 = arith.constant 0 : i32
    %c0_i32_0 = arith.constant 0 : i32
    return %arg0, %c0_i32 : i32, i32
  }
}

module attributes {stable_mosaic.version = 14 : i64} {
  func.func @_tc_prep_body(%arg0: i32, %arg1: memref<2000x128xf32, #tpu.memory_space<vmem>>, %arg2: memref<128x128xf32, #tpu.memory_space<vmem>>, %arg3: memref<2x2000x128xf32, #tpu.memory_space<vmem>>, %arg4: memref<1x2xf32, #tpu.memory_space<vmem>>, %arg5: memref<2000x128xf32, #tpu.memory_space<vmem>>, %arg6: memref<2000x1xf32, #tpu.memory_space<vmem>>) attributes {dimension_semantics = [#tpu.dimension_semantics<arbitrary>], iteration_bounds = array<i64: 5>, scalar_prefetch = 0 : i64, scratch_operands = 0 : i64, tpu.core_type = #tpu.core_type<tc>, window_params = [{transform_indices = @transform_0, window_bounds = array<i64: 2000, 128>}, {pipeline_mode = #tpu.pipeline_mode<synchronous>, transform_indices = @transform_1, window_bounds = array<i64: 128, 128>}, {transform_indices = @transform_2, window_bounds = array<i64: 2, 2000, 128>}, {pipeline_mode = #tpu.pipeline_mode<synchronous>, transform_indices = @transform_3, window_bounds = array<i64: 1, 2>}, {transform_indices = @transform_4, window_bounds = array<i64: 2000, 128>}, {transform_indices = @transform_5, window_bounds = array<i64: 2000, 1>}]} {
    %get3A = arith.constant 0 : index
    %get3A_0 = arith.constant 0 : index
    %get3A_1 = vector.load %arg4[%get3A, %get3A_0] : memref<1x2xf32, #tpu.memory_space<vmem>>, vector<1x2xf32>
    %reduce_max3A = vector.shape_cast %get3A_1 : vector<1x2xf32> to vector<1x1x2xf32>
    %reduce_max3A_2 = arith.constant dense<0xFF800000> : vector<1xf32>
    %reduce_max3A_3 = vector.multi_reduction <maximumf>, %reduce_max3A, %reduce_max3A_2 [1, 2] : vector<1x1x2xf32> to vector<1xf32>
    %reduce_max3A_4 = vector.shape_cast %reduce_max3A_3 : vector<1xf32> to vector<1x1x1xf32>
    %reduce_max3A_5 = vector.extract %reduce_max3A_4[0, 0, 0] : f32 from vector<1x1x1xf32>
    %sub3A = vector.broadcast %reduce_max3A_5 : f32 to vector<1x2xf32>
    %sub3A_6 = arith.subf %get3A_1, %sub3A : vector<1x2xf32>
    %exp3A = math.exp %sub3A_6 : vector<1x2xf32>
    %reduce_sum3A = vector.shape_cast %exp3A : vector<1x2xf32> to vector<1x1x2xf32>
    %reduce_sum3A_7 = arith.constant dense<0.000000e+00> : vector<1xf32>
    %reduce_sum3A_8 = vector.multi_reduction <add>, %reduce_sum3A, %reduce_sum3A_7 [1, 2] : vector<1x1x2xf32> to vector<1xf32>
    %reduce_sum3A_9 = vector.shape_cast %reduce_sum3A_8 : vector<1xf32> to vector<1x1x1xf32>
    %reduce_sum3A_10 = vector.extract %reduce_sum3A_9[0, 0, 0] : f32 from vector<1x1x1xf32>
    %div3A = vector.broadcast %reduce_sum3A_10 : f32 to vector<1x2xf32>
    %div3A_11 = arith.divf %exp3A, %div3A : vector<1x2xf32>
    %slice3A = vector.extract_strided_slice %div3A_11 {offsets = [0, 0], sizes = [1, 1], strides = [1, 1]} : vector<1x2xf32> to vector<1x1xf32>
    %get3A_12 = arith.constant 0 : index
    %get3A_13 = arith.constant 0 : index
    %get3A_14 = arith.constant 0 : index
    %get3A_15 = vector.load %arg3[%get3A_12, %get3A_13, %get3A_14] : memref<2x2000x128xf32, #tpu.memory_space<vmem>>, vector<1x2000x1xf32>
    %get3A_16 = vector.shape_cast %get3A_15 : vector<1x2000x1xf32> to vector<2000x1xf32>
    %get3A_17 = arith.constant 1 : index
    %get3A_18 = arith.constant 0 : index
    %get3A_19 = arith.constant 0 : index
    %get3A_20 = vector.load %arg3[%get3A_17, %get3A_18, %get3A_19] : memref<2x2000x128xf32, #tpu.memory_space<vmem>>, vector<1x2000x1xf32>
    %get3A_21 = vector.shape_cast %get3A_20 : vector<1x2000x1xf32> to vector<2000x1xf32>
    %add3A = arith.addf %get3A_16, %get3A_21 : vector<2000x1xf32>
    %gt3A = arith.constant 0.000000e+00 : f32
    %gt3A_22 = vector.broadcast %gt3A : f32 to vector<2000x1xf32>
    %gt3A_23 = arith.cmpf ogt, %add3A, %gt3A_22 : vector<2000x1xf32>
    %max3A = arith.constant 1.000000e+00 : f32
    %max3A_24 = vector.broadcast %max3A : f32 to vector<2000x1xf32>
    %max3A_25 = arith.maximumf %add3A, %max3A_24 : vector<2000x1xf32>
    %rsqrt3A = math.rsqrt %max3A_25 : vector<2000x1xf32>
    %jit3A = arith.constant 0.000000e+00 : f32
    %broadcast_in_dim3A = vector.broadcast %jit3A : f32 to vector<2000x1xf32>
    %select_n3A = arith.select %gt3A_23, %rsqrt3A, %broadcast_in_dim3A : vector<2000x1xi1>, vector<2000x1xf32>
    %get3A_26 = arith.constant 0 : index
    %get3A_27 = arith.constant 0 : index
    %get3A_28 = vector.load %arg1[%get3A_26, %get3A_27] : memref<2000x128xf32, #tpu.memory_space<vmem>>, vector<2000x128xf32>
    %get3A_29 = arith.constant 0 : index
    %get3A_30 = arith.constant 0 : index
    %get3A_31 = vector.load %arg2[%get3A_29, %get3A_30] : memref<128x128xf32, #tpu.memory_space<vmem>>, vector<128x128xf32>
    %dot_general3A = arith.constant dense<0.000000e+00> : vector<2000x128xf32>
    %dot_general3A_32 = tpu.matmul %get3A_28, %get3A_31, %dot_general3A {dimension_numbers = #tpu.dot_dimension_numbers<[1], [0], [0], [1], [0, 0, 1, 1], [], []>, precision = #tpu.contract_precision<fp32>, transpose_lhs_hint = false} : vector<2000x128xf32>, vector<128x128xf32>, vector<2000x128xf32> -> vector<2000x128xf32>
    %mul3A = vector.broadcast %slice3A : vector<1x1xf32> to vector<2000x1xf32>
    %mul3A_33 = arith.mulf %select_n3A, %mul3A : vector<2000x1xf32>
    %mul3A_34 = vector.broadcast %mul3A_33 : vector<2000x1xf32> to vector<2000x128xf32>
    %mul3A_35 = arith.mulf %dot_general3A_32, %mul3A_34 : vector<2000x128xf32>
    %swap3A = arith.constant 0 : index
    %swap3A_36 = arith.constant 0 : index
    %swap3A_37 = vector.load %arg5[%swap3A, %swap3A_36] : memref<2000x128xf32, #tpu.memory_space<vmem>>, vector<2000x128xf32>
    tpu.vector_store %arg5[%swap3A, %swap3A_36], %mul3A_35 {strides = array<i32>} : memref<2000x128xf32, #tpu.memory_space<vmem>>, vector<2000x128xf32>,
    %swap3A_38 = arith.constant 0 : index
    %swap3A_39 = arith.constant 0 : index
    %swap3A_40 = vector.load %arg6[%swap3A_38, %swap3A_39] : memref<2000x1xf32, #tpu.memory_space<vmem>>, vector<2000x1xf32>
    tpu.vector_store %arg6[%swap3A_38, %swap3A_39], %select_n3A {strides = array<i32>} : memref<2000x1xf32, #tpu.memory_space<vmem>>, vector<2000x1xf32>,
    return
  }
  func.func @transform_0(%arg0: i32) -> (i32, i32) {
    %c0_i32 = arith.constant 0 : i32
    %c0_i32_0 = arith.constant 0 : i32
    return %arg0, %c0_i32 : i32, i32
  }
  func.func @transform_1(%arg0: i32) -> (i32, i32) {
    %c0_i32 = arith.constant 0 : i32
    %c0_i32_0 = arith.constant 0 : i32
    %c0_i32_1 = arith.constant 0 : i32
    return %c0_i32, %c0_i32_0 : i32, i32
  }
  func.func @transform_2(%arg0: i32) -> (i32, i32, i32) {
    %c0_i32 = arith.constant 0 : i32
    %c0_i32_0 = arith.constant 0 : i32
    %c0_i32_1 = arith.constant 0 : i32
    return %c0_i32, %arg0, %c0_i32_0 : i32, i32, i32
  }
  func.func @transform_3(%arg0: i32) -> (i32, i32) {
    %c0_i32 = arith.constant 0 : i32
    %c0_i32_0 = arith.constant 0 : i32
    %c0_i32_1 = arith.constant 0 : i32
    return %c0_i32, %c0_i32_0 : i32, i32
  }
  func.func @transform_4(%arg0: i32) -> (i32, i32) {
    %c0_i32 = arith.constant 0 : i32
    %c0_i32_0 = arith.constant 0 : i32
    return %arg0, %c0_i32 : i32, i32
  }
  func.func @transform_5(%arg0: i32) -> (i32, i32) {
    %c0_i32 = arith.constant 0 : i32
    %c0_i32_0 = arith.constant 0 : i32
    return %arg0, %c0_i32 : i32, i32
  }
}

module attributes {stable_mosaic.version = 14 : i64} {
  func.func @_tc_final_body(%arg0: i32, %arg1: memref<2000x128xf32, #tpu.memory_space<vmem>>, %arg2: memref<2x2000x128xf32, #tpu.memory_space<vmem>>, %arg3: memref<2000x1xf32, #tpu.memory_space<vmem>>, %arg4: memref<128x128xf32, #tpu.memory_space<vmem>>, %arg5: memref<1x2xf32, #tpu.memory_space<vmem>>, %arg6: memref<1x1xf32, #tpu.memory_space<vmem>>, %arg7: memref<2000x128xf32, #tpu.memory_space<vmem>>) attributes {dimension_semantics = [#tpu.dimension_semantics<arbitrary>], iteration_bounds = array<i64: 5>, scalar_prefetch = 0 : i64, scratch_operands = 0 : i64, tpu.core_type = #tpu.core_type<tc>, window_params = [{transform_indices = @transform_0, window_bounds = array<i64: 2000, 128>}, {transform_indices = @transform_1, window_bounds = array<i64: 2, 2000, 128>}, {transform_indices = @transform_2, window_bounds = array<i64: 2000, 1>}, {pipeline_mode = #tpu.pipeline_mode<synchronous>, transform_indices = @transform_3, window_bounds = array<i64: 128, 128>}, {pipeline_mode = #tpu.pipeline_mode<synchronous>, transform_indices = @transform_4, window_bounds = array<i64: 1, 2>}, {pipeline_mode = #tpu.pipeline_mode<synchronous>, transform_indices = @transform_5, window_bounds = array<i64: 1, 1>}, {transform_indices = @transform_6, window_bounds = array<i64: 2000, 128>}]} {
    %get3A = arith.constant 0 : index
    %get3A_0 = arith.constant 0 : index
    %get3A_1 = vector.load %arg5[%get3A, %get3A_0] : memref<1x2xf32, #tpu.memory_space<vmem>>, vector<1x2xf32>
    %reduce_max3A = vector.shape_cast %get3A_1 : vector<1x2xf32> to vector<1x1x2xf32>
    %reduce_max3A_2 = arith.constant dense<0xFF800000> : vector<1xf32>
    %reduce_max3A_3 = vector.multi_reduction <maximumf>, %reduce_max3A, %reduce_max3A_2 [1, 2] : vector<1x1x2xf32> to vector<1xf32>
    %reduce_max3A_4 = vector.shape_cast %reduce_max3A_3 : vector<1xf32> to vector<1x1x1xf32>
    %reduce_max3A_5 = vector.extract %reduce_max3A_4[0, 0, 0] : f32 from vector<1x1x1xf32>
    %sub3A = vector.broadcast %reduce_max3A_5 : f32 to vector<1x2xf32>
    %sub3A_6 = arith.subf %get3A_1, %sub3A : vector<1x2xf32>
    %exp3A = math.exp %sub3A_6 : vector<1x2xf32>
    %reduce_sum3A = vector.shape_cast %exp3A : vector<1x2xf32> to vector<1x1x2xf32>
    %reduce_sum3A_7 = arith.constant dense<0.000000e+00> : vector<1xf32>
    %reduce_sum3A_8 = vector.multi_reduction <add>, %reduce_sum3A, %reduce_sum3A_7 [1, 2] : vector<1x1x2xf32> to vector<1xf32>
    %reduce_sum3A_9 = vector.shape_cast %reduce_sum3A_8 : vector<1xf32> to vector<1x1x1xf32>
    %reduce_sum3A_10 = vector.extract %reduce_sum3A_9[0, 0, 0] : f32 from vector<1x1x1xf32>
    %div3A = vector.broadcast %reduce_sum3A_10 : f32 to vector<1x2xf32>
    %div3A_11 = arith.divf %exp3A, %div3A : vector<1x2xf32>
    %slice3A = vector.extract_strided_slice %div3A_11 {offsets = [0, 1], sizes = [1, 1], strides = [1, 1]} : vector<1x2xf32> to vector<1x1xf32>
    %get3A_12 = arith.constant 0 : index
    %get3A_13 = arith.constant 0 : index
    %get3A_14 = vector.load %arg1[%get3A_12, %get3A_13] : memref<2000x128xf32, #tpu.memory_space<vmem>>, vector<2000x128xf32>
    %get3A_15 = arith.constant 0 : index
    %get3A_16 = arith.constant 0 : index
    %get3A_17 = vector.load %arg6[%get3A_15, %get3A_16] : memref<1x1xf32, #tpu.memory_space<vmem>>, vector<1x1xf32>
    %add3A = arith.constant 1.000000e+00 : f32
    %add3A_18 = vector.broadcast %add3A : f32 to vector<1x1xf32>
    %add3A_19 = arith.addf %add3A_18, %get3A_17 : vector<1x1xf32>
    %mul3A = vector.broadcast %add3A_19 : vector<1x1xf32> to vector<2000x128xf32>
    %mul3A_20 = arith.mulf %get3A_14, %mul3A : vector<2000x128xf32>
    %get3A_21 = arith.constant 1 : index
    %get3A_22 = arith.constant 0 : index
    %get3A_23 = arith.constant 0 : index
    %get3A_24 = vector.load %arg2[%get3A_21, %get3A_22, %get3A_23] : memref<2x2000x128xf32, #tpu.memory_space<vmem>>, vector<1x2000x128xf32>
    %get3A_25 = vector.shape_cast %get3A_24 : vector<1x2000x128xf32> to vector<2000x128xf32>
    %add3A_26 = arith.addf %mul3A_20, %get3A_25 : vector<2000x128xf32>
    %get3A_27 = arith.constant 0 : index
    %get3A_28 = arith.constant 0 : index
    %get3A_29 = vector.load %arg4[%get3A_27, %get3A_28] : memref<128x128xf32, #tpu.memory_space<vmem>>, vector<128x128xf32>
    %dot_general3A = arith.constant dense<0.000000e+00> : vector<2000x128xf32>
    %dot_general3A_30 = tpu.matmul %add3A_26, %get3A_29, %dot_general3A {dimension_numbers = #tpu.dot_dimension_numbers<[1], [0], [0], [1], [0, 0, 1, 1], [], []>, precision = #tpu.contract_precision<fp32>, transpose_lhs_hint = false} : vector<2000x128xf32>, vector<128x128xf32>, vector<2000x128xf32> -> vector<2000x128xf32>
    %get3A_31 = arith.constant 0 : index
    %get3A_32 = arith.constant 0 : index
    %get3A_33 = vector.load %arg3[%get3A_31, %get3A_32] : memref<2000x1xf32, #tpu.memory_space<vmem>>, vector<2000x1xf32>
    %get3A_34 = arith.constant 0 : index
    %get3A_35 = arith.constant 0 : index
    %get3A_36 = arith.constant 0 : index
    %get3A_37 = vector.load %arg2[%get3A_34, %get3A_35, %get3A_36] : memref<2x2000x128xf32, #tpu.memory_space<vmem>>, vector<1x2000x128xf32>
    %get3A_38 = vector.shape_cast %get3A_37 : vector<1x2000x128xf32> to vector<2000x128xf32>
    %mul3A_39 = vector.broadcast %get3A_33 : vector<2000x1xf32> to vector<2000x128xf32>
    %mul3A_40 = arith.mulf %mul3A_39, %get3A_38 : vector<2000x128xf32>
    %mul3A_41 = vector.broadcast %slice3A : vector<1x1xf32> to vector<2000x128xf32>
    %mul3A_42 = arith.mulf %dot_general3A_30, %mul3A_41 : vector<2000x128xf32>
    %add3A_43 = arith.addf %mul3A_40, %mul3A_42 : vector<2000x128xf32>
    %swap3A = arith.constant 0 : index
    %swap3A_44 = arith.constant 0 : index
    %swap3A_45 = vector.load %arg7[%swap3A, %swap3A_44] : memref<2000x128xf32, #tpu.memory_space<vmem>>, vector<2000x128xf32>
    tpu.vector_store %arg7[%swap3A, %swap3A_44], %add3A_43 {strides = array<i32>} : memref<2000x128xf32, #tpu.memory_space<vmem>>, vector<2000x128xf32>,
    return
  }
  func.func @transform_0(%arg0: i32) -> (i32, i32) {
    %c0_i32 = arith.constant 0 : i32
    %c0_i32_0 = arith.constant 0 : i32
    return %arg0, %c0_i32 : i32, i32
  }
  func.func @transform_1(%arg0: i32) -> (i32, i32, i32) {
    %c0_i32 = arith.constant 0 : i32
    %c0_i32_0 = arith.constant 0 : i32
    %c0_i32_1 = arith.constant 0 : i32
    return %c0_i32, %arg0, %c0_i32_0 : i32, i32, i32
  }
  func.func @transform_2(%arg0: i32) -> (i32, i32) {
    %c0_i32 = arith.constant 0 : i32
    %c0_i32_0 = arith.constant 0 : i32
    return %arg0, %c0_i32 : i32, i32
  }
  func.func @transform_3(%arg0: i32) -> (i32, i32) {
    %c0_i32 = arith.constant 0 : i32
    %c0_i32_0 = arith.constant 0 : i32
    %c0_i32_1 = arith.constant 0 : i32
    return %c0_i32, %c0_i32_0 : i32, i32
  }
  func.func @transform_4(%arg0: i32) -> (i32, i32) {
    %c0_i32 = arith.constant 0 : i32
    %c0_i32_0 = arith.constant 0 : i32
    %c0_i32_1 = arith.constant 0 : i32
    return %c0_i32, %c0_i32_0 : i32, i32
  }
  func.func @transform_5(%arg0: i32) -> (i32, i32) {
    %c0_i32 = arith.constant 0 : i32
    %c0_i32_0 = arith.constant 0 : i32
    %c0_i32_1 = arith.constant 0 : i32
    return %c0_i32, %c0_i32_0 : i32, i32
  }
  func.func @transform_6(%arg0: i32) -> (i32, i32) {
    %c0_i32 = arith.constant 0 : i32
    %c0_i32_0 = arith.constant 0 : i32
    return %arg0, %c0_i32 : i32, i32
  }
}

</mosaic_0001>

<sc_bundles>
// kernel: kernel.10.cloned.1.call-start
scs
__scs_entry_jumppad:
0x0: {  	(pc) =	sbr.rel $0x88, $3  }
0x1: {  	(tag) =	ssettag $0x0;
	lr =	simm.s32 $0x1  }
0x2: {  	[smem:$0x3F99] =	sst lr;
	_ =	strace $0xD0000000  }
0x3: {  	_ = 	snop  }
0x4: {  	_ = 	snop  }
0x5: {  	_ = 	snop  }
0x6: {  	_ = 	snop  }
0x7: {  	_ = 	snop  }
__scs_overlays_trampoline_lowered:
0x8: {  	[smem:$0x3FA8] =	sst s0  }
0x9: {  	[smem:$0x3FA9] =	sst s1  }
0xa: {  	[smem:$0x3FAA] =	sst s2  }
0xb: {  	[smem:$0x3FAB] =	sst s3  }
0xc: {  	[smem:$0x3FAC] =	sst s4  }
0xd: {  	[smem:$0x3FAD] =	sst s5  }
0xe: {  	[smem:$0x3FAE] =	sst s6  }
0xf: {  	[smem:$0x3FAF] =	sst s7  }
0x10: {  	[smem:$0x3FB0] =	sst s8  }
0x11: {  	[smem:$0x3FB1] =	sst s9;
	s0 =	simm.s32 @!p0 $0x0  }
0x12: {  	s1 =	sld [smem:$0x3F97];
	s0 =	simm.s32 @p0 $0x1  }
0x13: {  	[smem:$0x3FB2] =	sst s0;
	s0 =	simm.s32 @!p1 $0x0  }
0x14: {  	s2 =	sld [smem:$0x3F96];
	s0 =	simm.s32 @p1 $0x1  }
0x15: {  	[smem:$0x3FB3] =	sst s0;
	s0 =	simm.s32 @!p2 $0x0  }
0x16: {  	s3 =	sld [smem:$0x3FDB];
	s0 =	simm.s32 @p2 $0x1  }
0x17: {  	s4 =	simm.s32 $0x1BF5;
	[smem:$0x3FB5] =	sst s0  }
0x18: {  	s0 =	sld [smem:$0x3F98];
	_ =	swait.ge [sflag:s4], $0x0  }
0x19: {  	s7 =	sld [smem:$0x3F99]  }
0x1a: {  	s8 =	sadd.s32 $0xFFFFE003, lr  }
0x1b: {  	s9 =	sadd.s32 $0xFFFFFEF7, lr;
	s5 =	simm.s32 $0xFFFFFFFF;
	p2 =	slt.u32 s8, $0xFFFFF086  }
0x1c: {  	p1 =	slt.u32 s9, $0xF7A;
	s5 =	simm.s32 @!p2 $0x0  }
0x1d: {  	s5 =	simm.s32 @p1 $0x1;
	p0 =	seq.s32 s7, s2  }
0x1e: {  	s7 =	smul.u32 @!p0 $0xF7A, s2;
	p2 =	seq.s32 @!p0 s5, $0x0  }
0x1f: {  	s9 =	smul.u32 $0xF7A, s1;
	s8 =	simm.s32 @!p0 $0x1BF5;
	p2 =	por !p2, p0  }
0x20: {  	[sflag:s8] =	ssyncset.s32 @!p0 $0xFFFFF086;
	s6 =	sadd.s32 @!p0 s3, s7;
	s7 =	simm.s32 @!p0 $0x108  }
0x21: {  	s3 =	sadd.s32 s3, s9;
	s6 =	sadd.s32 @!p0 $0x88, s6;
	s7 =	simm.s32 @p2 $0x1082  }
0x22: {  	[simem:s7], [sflag:s8] =	dma.local @!p0 [hbm:s6], $0xF7A  }
0x23: {  	s9 =	sor.u32 $0xD0000000, s2;
	s6 =	simm.s32 $0x108;
	_ =	swait.ge @!p0 [sflag:s8], $0x0  }
0x24: {  	s3 =	sadd.s32 $0x88, s3;
	s6 =	simm.s32 @!p1 $0x1082;
	[sflag:s4] =	ssyncset.s32 $0xFFFFF086  }
0x25: {  	[simem:s6], [sflag:s4] =	dma.local [hbm:s3], $0xF7A  }
0x26: {  	[smem:$0x3F99] =	sst s1;
	(tag) =	ssettag s2;
	_ =	strace s9  }
0x27: {  	s1 =	sld [smem:$0x3FA9]  }
0x28: {  	s2 =	sld [smem:$0x3FAA]  }
0x29: {  	s4 =	sld [smem:$0x3FAC]  }
0x2a: {  	p0 =	seq.s32 s5, $0x0;
	s5 =	sld [smem:$0x3FAD]  }
0x2b: {  	s6 =	sld [smem:$0x3FAE]  }
0x2c: {  	s7 =	sld [smem:$0x3FAF]  }
0x2d: {  	s3 =	simm.s32 $0x108;
	s8 =	sld [smem:$0x3FB0]  }
0x2e: {  	s3 =	simm.s32 @!p0 $0x1082;
	s9 =	sld [smem:$0x3FB1]  }
0x2f: {  	lr =	sadd.s32 s0, s3;
	s0 =	sld [smem:$0x3FA8]  }
0x30: {  	s3 =	sld [smem:$0x3FAB]  }
0x31: {  	[smem:$0x3FB4] =	sst s10  }
0x32: {  	s10 =	sld [smem:$0x3FB2];
	_ =	sdelay $0x3  }
0x33: {  	p0 =	seq.s32 s10, $0x1;
	s10 =	sld [smem:$0x3FB4];
	_ =	sdelay $0x3  }
0x34: {  	[smem:$0x3FB4] =	sst s10  }
0x35: {  	s10 =	sld [smem:$0x3FB3];
	_ =	sdelay $0x3  }
0x36: {  	p1 =	seq.s32 s10, $0x1;
	s10 =	sld [smem:$0x3FB4];
	_ =	sdelay $0x3  }
0x37: {  	[smem:$0x3FB4] =	sst s10  }
0x38: {  	s10 =	sld [smem:$0x3FB5]  }
0x39: {  	_ = 	snop;
	(pc) =	sbr.ind lr, $3  }
0x3a: {  	_ = 	snop  }
0x3b: {  	_ = 	snop  }
0x3c: {  	p2 =	seq.s32 s10, $0x1;
	s10 =	sld [smem:$0x3FB4]  }
0x3d: {  	_ =	shalt  }
0x3e: {  	_ =	shalt  }
0x3f: {  	_ =	shalt  }
0x40: {  	_ =	shalt  }
0x41: {  	_ =	shalt  }
0x42: {  	_ =	shalt  }
0x43: {  	_ =	shalt  }
0x44: {  	_ =	shalt  }
0x45: {  	_ =	shalt  }
0x46: {  	_ =	shalt  }
0x47: {  	_ =	shalt  }
0x48: {  	_ =	shalt  }
0x49: {  	_ =	shalt  }
0x4a: {  	_ =	shalt  }
0x4b: {  	_ =	shalt  }
0x4c: {  	_ =	shalt  }
0x4d: {  	_ =	shalt  }
0x4e: {  	_ =	shalt  }
0x4f: {  	_ =	shalt  }
0x50: {  	_ =	shalt  }
0x51: {  	_ =	shalt  }
0x52: {  	_ =	shalt  }
0x53: {  	_ =	shalt  }
0x54: {  	_ =	shalt  }
0x55: {  	_ =	shalt  }
0x56: {  	_ =	shalt  }
0x57: {  	_ =	shalt  }
0x58: {  	_ =	shalt  }
0x59: {  	_ =	shalt  }
0x5a: {  	_ =	shalt  }
0x5b: {  	_ =	shalt  }
0x5c: {  	_ =	shalt  }
0x5d: {  	_ =	shalt  }
0x5e: {  	_ =	shalt  }
0x5f: {  	_ =	shalt  }
0x60: {  	_ =	shalt  }
0x61: {  	_ =	shalt  }
0x62: {  	_ =	shalt  }
0x63: {  	_ =	shalt  }
0x64: {  	_ =	shalt  }
0x65: {  	_ =	shalt  }
0x66: {  	_ =	shalt  }
0x67: {  	_ =	shalt  }
0x68: {  	_ =	shalt  }
0x69: {  	_ =	shalt  }
0x6a: {  	_ =	shalt  }
0x6b: {  	_ =	shalt  }
0x6c: {  	_ =	shalt  }
0x6d: {  	_ =	shalt  }
0x6e: {  	_ =	shalt  }
0x6f: {  	_ =	shalt  }
0x70: {  	_ =	shalt  }
0x71: {  	_ =	shalt  }
0x72: {  	_ =	shalt  }
0x73: {  	_ =	shalt  }
0x74: {  	_ =	shalt  }
0x75: {  	_ =	shalt  }
0x76: {  	_ =	shalt  }
0x77: {  	_ =	shalt  }
0x78: {  	_ =	shalt  }
0x79: {  	_ =	shalt  }
0x7a: {  	_ =	shalt  }
0x7b: {  	_ =	shalt  }
0x7c: {  	_ =	shalt  }
0x7d: {  	_ =	shalt  }
0x7e: {  	_ =	shalt  }
0x7f: {  	_ =	shalt  }
0x80: {  	_ =	shalt  }
0x81: {  	_ =	shalt  }
0x82: {  	_ =	shalt  }
0x83: {  	_ =	shalt  }
0x84: {  	_ =	shalt  }
0x85: {  	_ =	shalt  }
0x86: {  	_ =	shalt  }
0x87: {  	_ =	shalt  }
.Lfunc_end0:
.L_simem_size_0:
called_computation.1_lowered:
.L_overlay_start_0:
0x88: {  	s2 =	sld [smem:$0x3FD9]  }
0x89: {  	s3 =	sld [smem:$0x3FFE];
	_ =	sdelay $0x1  }
0x8a: {  	s1 =	srdreg.scid  }
0x8b: {  	s0 =	sand.u32 $0x1, s1  }
0x8c: {  	s17 =	sshll.u32 s0, $0xA;
	s2 =	sadd.s32 s3, s2  }
0x8d: {  	s2 =	sadd.s32 s2, s17  }
0x8e: {  	[smem:$0x3FC0] =	sst s2  }
0x8f: {  	_ = 	snop  }
0x90: {  	s2 =	sld [smem:$0x3FC9]  }
0x91: {  	s18 =	sld [smem:$0x3FD0];
	(tm) =	ssettm $0x1  }
0x92: {  	s4 =	sld [smem:$0x3FFB];
	_ =	sdelay $0x3  }
0x93: {  	_ =	strace s4  }
0x94: {  	s4 =	sld [smem:$0x3FFC];
	_ =	sdelay $0x3  }
0x95: {  	_ =	strace s4  }
0x96: {  	s4 =	sld [smem:$0x3FFD];
	_ =	sdelay $0x3  }
0x97: {  	_ =	strace s4  }
0x98: {  	_ =	strace $0x8FFFFFFF  }
0x99: {  	s19 =	sld [smem:$0x3FDB];
	_ =	sdelay $0x1  }
0x9a: {  	s5 =	simm.s32 $_scs_section_size  }
0x9b: {  	s6 =	simm.s32 $_size__tile_overlayer_lowered;
	s7 =	simm.s32 $_tile_overlayer_lowered  }
0x9c: {  	s22 =	simm.s32 $0x1BFF;
	s21 =	sshll.u32 s7, $0x1;
	s4 =	sadd.s32 s5, s19  }
0x9d: {  	s8 =	simm.s32 $0x0;
	s20 =	sshll.u32 s6, $0x1;
	s6 =	sadd.s32 s21, s4  }
0x9e: {  	[timem:s8], [sflag:s22] =	dma.local [hbm:s6], s20  }
0x9f: {  	_ =	swait.ge [sflag:s22], s20  }
0xa0: {  	s5 =	ssub.s32 $0x0, s20;
	[sflag:s22] =	ssyncset.done $0x0  }
0xa1: {  	[sflag:s22] =	ssyncadd.s32 s5;
	_ =	sdelay $0x1  }
0xa2: {  	s23 =	simm.s32 $0x1B8B  }
0xa3: {  	_ =	swait.ge [sflag:s23], $0x1  }
0xa4: {  	[sflag:s23] =	ssyncset.done $0x0  }
0xa5: {  	s25 =	simm.s32 $0x1B8E;
	s24 =	sld [smem:$0x3FFE];
	[sflag:s23] =	ssyncadd.s32 $0xFFFFFFFF  }
0xa6: {  	s26 =	simm.s32 $execute0_lowered;
	[smem:$0x3FD2] =	sst s25  }
0xa7: {  	s6 =	sshll.u32 s26, $0x1;
	_ =	strace $0x80000049;
	[dreg:$0x1] =	wrdreg $0xFFFFFFFF  }
0xa8: {  	s28 =	simm.s32 $_size_execute0_lowered;
	s4 =	sadd.s32 s4, s6;
	[dreg:$0x0] =	wrdreg $0x0  }
0xa9: {  	s6 =	sshll.u32 s28, $0x1;
	[dreg:$0x2] =	wrdreg s4  }
0xaa: {  	[dreg:$0x3] =	wrdreg s6  }
0xab: {  	[dreg:$0x4] =	wrdreg $0xC0  }
0xac: {  	_ =	task [dreg:s8], $0x5FFFF  }
0xad: {  	[dreg:$0x1] =	wrdreg $0xFFFFFFFF  }
0xae: {  	[dreg:$0x0] =	wrdreg $0x60  }
0xaf: {  	[dreg:$0x2] =	wrdreg s18  }
0xb0: {  	[dreg:$0x3] =	wrdreg s2  }
0xb1: {  	[dreg:$0x4] =	wrdreg s24  }
0xb2: {  	[dreg:$0x5] =	wrdreg $0x90000  }
0xb3: {  	[dreg:$0x6] =	wrdreg $0x9  }
0xb4: {  	_ =	task.clear_ibuf [dreg:s8], $0x7FFFF;
	_ =	strace $0x90000049  }
0xb5: {  	s29 =	simm.s32 $0x9;
	_ =	strace $0x8000004B  }
0xb6: {  	_ =	swait.ge [sflag:s29], $0x1  }
0xb7: {  	[sflag:s29] =	ssyncadd.s32 $0xFFFFFFFF  }
0xb8: {  	_ =	strace $0x9000004B  }
0xb9: {  	_ =	sfence  }
0xba: {  	s30 =	sld [smem:$0x0];
	_ =	sdelay $0x2  }
0xbb: {  	s31 =	sshll.u32 s1, $0xD;
	s1 =	sshrl.u32 s1, $0x2  }
0xbc: {  	s3 =	sand.u32 $0x4000, s31;
	s1 =	sadd.s32 s1, s30  }
0xbd: {  	s0 =	sor.u32 s3, s0;
	s1 =	sshll.u32 s1, $0x11  }
0xbe: {  	s0 =	sor.u32 s1, s0  }
0xbf: {  	s0 =	sadd.s32 $0x8F2B, s0  }
0xc0: {  	[sflag:s0] =	ssyncadd.remote.s32 $0x1  }
0xc1: {  	_ =	sfence.sel $0xFFFF  }
0xc2: {  	[dreg:$0x0] =	wrdreg $0xFFFFFFFF;
	(pc) =	sbr.abs _section_cstart, $3  }
0xc3: {  	[dreg:$0x1] =	wrdreg $0xFFFFFFFF  }
0xc4: {  	_ =	task.clear_ibuf [dreg:s8], $0x2FFFF;
	_ =	strace $0x9FFFFFFF  }
0xc5: {  	(tm) =	ssettm $0x7FFFFFFF  }
tec
execute0_lowered:
.L_overlay_start_1:
0x0: {  	(tag) =	ssettag $0x1  }
0x1: {  	s2 =	rddreg [dreg:$0x0]  }
0x2: {  	s3 =	rddreg [dreg:$0x1]  }
0x3: {  	s0 =	rddreg [dreg:$0x2]  }
0x4: {  	s4 =	rddreg [dreg:$0x3];
	s21 =	stileid.u32;
	s5 =	simm.s32 $0x0  }
0x5: {  	s7 =	srdreg.scid;
	s9 =	simm.s32 $0x9D;
	s26 =	simm.s32 $0x880  }
0x6: {  	s29 =	simm.s32 $0x1000;
	s1 =	smul.u32 $0x9C, s21;
	[smem:$0x7FF] =	sst s5  }
0x7: {  	s15 =	smin.u32 s21, $0x4;
	s16 =	sand.u32 $0x1, s7;
	s7 =	sadd.s32 $0x3C00, s0  }
0x8: {  	s8 =	sadd.s32 $0xDA00, s0;
	p0 =	slt.u32 s21, $0x4;
	s17 =	smul.u32 $0x280, s21  }
0x9: {  	_ =	strace $0x8000004A;
	s20 =	ssub.s32 $0x2, s16;
	s10 =	smul.u32 $0x28000, s16  }
0xa: {  	s9 =	simm.s32 @!p0 $0x9C;
	[dreg:$0xa] =	wrdreg s26;
	s26 =	simm.s32 $0x980  }
0xb: {  	p0 =	seq.s32 s16, $0x1;
	s19 =	sadd.s32 $0xFFFFFFF4, s9;
	[dreg:$0xe] =	wrdreg s26  }
0xc: {  	s6 =	sadd.s32 s15, s1;
	s22 =	sadd.s32 $0xFFFFFFF3, s9;
	[dreg:$0x5] =	wrdreg s19  }
0xd: {  	s11 =	sshrl.u32 s20, $0x1;
	s23 =	sadd.s32 $0xFFFFFFF2, s9;
	[dreg:$0x6] =	wrdreg s22  }
0xe: {  	s14 =	sadd.s32 $0x80, s17;
	s24 =	sadd.s32 $0xFFFFFFF1, s9;
	[dreg:$0x7] =	wrdreg s23  }
0xf: {  	s12 =	sadd.s32 $0x100, s17;
	s26 =	simm.s32 $0x300;
	[dreg:$0x8] =	wrdreg s24  }
0x10: {  	s18 =	sadd.s32 s10, s0;
	s23 =	simm.s32 $0x100;
	[dreg:$0x11] =	wrdreg s26  }
0x11: {  	s1 =	ssub.s32 s20, s11;
	s24 =	simm.s32 $0x900;
	[dreg:$0x9] =	wrdreg s23  }
0x12: {  	s11 =	sadd.s32 $0x180, s17;
	s26 =	simm.s32 $0xC00;
	[dreg:$0xc] =	wrdreg s24  }
0x13: {  	s10 =	sadd.s32 $0x200, s17;
	s23 =	simm.s32 $0x180;
	[dreg:$0x18] =	wrdreg s26  }
0x14: {  	s17 =	smul.u32 $0x2800, s21;
	s24 =	simm.s32 $0xA00;
	[dreg:$0xb] =	wrdreg s23  }
0x15: {  	s16 =	sadd.s32 $0x3EA00, s18;
	s26 =	smax.u32 s1, $0x1;
	[dreg:$0x10] =	wrdreg s24  }
0x16: {  	s18 =	sshll.u32 s14, $0x4;
	s17 =	sadd.s32 s17, s16;
	[smem:$0x7F7] =	sst s26  }
0x17: {  	s15 =	sshll.u32 s15, $0x4;
	s23 =	sadd.s32 s18, s16;
	[smem:$0x7F1] =	sst s17  }
0x18: {  	s21 =	smul.u32 $0x9C0, s21;
	s18 =	simm.s32 $0x380;
	[smem:$0x7F2] =	sst s23  }
0x19: {  	s22 =	sshll.u32 s11, $0x4;
	s24 =	simm.s32 $0xB80;
	[dreg:$0x13] =	wrdreg s18  }
0x1a: {  	s25 =	sadd.s32 s21, s8;
	s22 =	sadd.s32 s22, s16;
	[dreg:$0x16] =	wrdreg s24  }
0x1b: {  	s21 =	sadd.s32 s21, s7;
	s19 =	sadd.s32 s15, s25;
	[smem:$0x7F8] =	sst s22  }
0x1c: {  	s30 =	simm.s32 $0x5;
	s15 =	sadd.s32 s15, s21;
	[dreg:$0x1e] =	wrdreg s19  }
0x1d: {  	s31 =	simm.s32 $0x5000;
	s25 =	simm.s32 $0x200;
	[dreg:$0x1f] =	wrdreg s15  }
0x1e: {  	s28 =	sadd.s32 $0xFFFFFFFF, s9;
	s21 =	simm.s32 $0x280;
	[dreg:$0xd] =	wrdreg s25  }
0x1f: {  	s13 =	sshll.u32 s6, $0xB;
	s17 =	simm.s32 $0xA80;
	[dreg:$0xf] =	wrdreg s21  }
0x20: {  	s20 =	sshll.u32 s12, $0x4;
	s23 =	simm.s32 $0x400;
	[dreg:$0x12] =	wrdreg s17  }
0x21: {  	s13 =	sadd.s32 s13, s0;
	s18 =	simm.s32 $0xC80;
	[dreg:$0x15] =	wrdreg s23  }
0x22: {  	s12 =	sshll.u32 s12, $0x7;
	s24 =	sadd.s32 $0x549800, s13;
	[dreg:$0x1a] =	wrdreg s18  }
0x23: {  	s14 =	sshll.u32 s14, $0x7;
	s25 =	sadd.s32 s20, s16;
	[smem:$0x7F5] =	sst s24  }
0x24: {  	s11 =	sshll.u32 s11, $0x7;
	s21 =	simm.s32 $0xB00;
	[smem:$0x7F3] =	sst s25  }
0x25: {  	s1 =	simm.s32 $0x1;
	s15 =	simm.s32 $0x500;
	[dreg:$0x14] =	wrdreg s21  }
0x26: {  	s26 =	sadd.s32 $0xFFFFFFFE, s9;
	s23 =	simm.s32 $0xD80;
	[dreg:$0x19] =	wrdreg s15  }
0x27: {  	s19 =	sshll.u32 s10, $0x4;
	s17 =	sadd.s32 s14, s4;
	[dreg:$0x1d] =	wrdreg s23  }
0x28: {  	s20 =	stileid.u32;
	s18 =	sadd.s32 s11, s4;
	[smem:$0x7FA] =	sst s17  }
0x29: {  	s10 =	sshll.u32 s10, $0x7;
	s16 =	sadd.s32 s19, s16;
	[smem:$0x7FC] =	sst s18  }
0x2a: {  	s24 =	sadd.s32 $0x54A800, s0;
	s25 =	simm.s32 $0x480;
	[smem:$0x7F4] =	sst s16  }
0x2b: {  	s0 =	simm.s32 $0x800;
	s21 =	simm.s32 $0xD00;
	[dreg:$0x17] =	wrdreg s25  }
0x2c: {  	s19 =	smul.u32 $0x50000, s20;
	s15 =	sadd.s32 s12, s4;
	[dreg:$0x1c] =	wrdreg s21  }
.Ltmp0:
0x2d: {  	s25 =	sadd.s32 $0x54A000, s13;
	[smem:$0x7FB] =	sst s15;
	(pc) =	sbr.rel .LBB2_1-.Ltmp0, $4  }
0x2e: {  	s16 =	sshrl.u32 s19, $0x2;
	s19 =	simm.s32 $0x580;
	[smem:$0x7F6] =	sst s25  }
0x2f: {  	s11 =	simm.s32 $0x2;
	s16 =	sadd.s32 s16, s4;
	[dreg:$0x1b] =	wrdreg s19  }
0x30: {  	s23 =	simm.s32 $0x80;
	s19 =	sadd.s32 s10, s4;
	[smem:$0x7F9] =	sst s16  }
0x31: {  	v0 =	vimm.f32 $0.0e+00;
	s21 =	simm.s32 $0x3;
	s10 =	simm.s32 $0x0;
	[smem:$0x7FD] =	sst s19  }
.LBB2_19:
0x32: {  	[bflag:$0x0] =	sbarrier.arrive $0xFFFF  }
0x33: {  	s16 =	sld [smem:$0x7F9]  }
0x34: {  	s14 =	sld [smem:$0x7F1]  }
0x35: {  	s12 =	sshll.u32 s20, $0x6  }
0x36: {  	s12 =	sor.u32 $0x1C05, s12;
	s13 =	sshrl.u32 s16, $0x3  }
0x37: {  	[hbm:s14], [sflag:s12] =	dma.local [spmem:s13], $0x800  }
0x38: {  	_ =	swait.ge [sflag:s30], $0x800  }
0x39: {  	s17 =	sld [smem:$0x7FA]  }
0x3a: {  	s15 =	sld [smem:$0x7F2]  }
0x3b: {  	[sflag:s30] =	ssyncset.done $0x0  }
0x3c: {  	[sflag:s30] =	ssyncadd.s32 $0xFFFFF800;
	s14 =	sshrl.u32 s17, $0x3  }
0x3d: {  	[hbm:s15], [sflag:s12] =	dma.local [spmem:s14], $0x800  }
0x3e: {  	_ =	swait.ge [sflag:s30], $0x800  }
0x3f: {  	s15 =	sld [smem:$0x7FB]  }
0x40: {  	s19 =	sld [smem:$0x7F3]  }
0x41: {  	[sflag:s30] =	ssyncset.done $0x0  }
0x42: {  	[sflag:s30] =	ssyncadd.s32 $0xFFFFF800;
	s18 =	sshrl.u32 s15, $0x3  }
0x43: {  	[hbm:s19], [sflag:s12] =	dma.local [spmem:s18], $0x800  }
0x44: {  	_ =	swait.ge [sflag:s30], $0x800  }
0x45: {  	s18 =	sld [smem:$0x7FC];
	_ =	sdelay $0x1  }
0x46: {  	[sflag:s30] =	ssyncset.done $0x0  }
0x47: {  	[sflag:s30] =	ssyncadd.s32 $0xFFFFF800;
	s25 =	sshrl.u32 s18, $0x3  }
0x48: {  	[hbm:s22], [sflag:s12] =	dma.local [spmem:s25], $0x800  }
0x49: {  	_ =	swait.ge [sflag:s30], $0x800  }
0x4a: {  	s19 =	sld [smem:$0x7FD]  }
0x4b: {  	s25 =	sld [smem:$0x7F4]  }
0x4c: {  	[sflag:s30] =	ssyncset.done $0x0  }
0x4d: {  	[sflag:s30] =	ssyncadd.s32 $0xFFFFF800;
	s14 =	sshrl.u32 s19, $0x3  }
0x4e: {  	[hbm:s25], [sflag:s12] =	dma.local [spmem:s14], $0x800  }
0x4f: {  	_ =	swait.ge [sflag:s30], $0x800  }
0x50: {  	s25 =	sld [smem:$0x7F7];
	_ =	sdelay $0x1  }
0x51: {  	s10 =	sadd.s32 $0x1, s10  }
0x52: {  	p1 =	sne.s32 s10, s25  }
.Ltmp1:
0x53: {  	_ = 	snop;
	(pc) =	sbr.rel @!p1 .LBB2_20-.Ltmp1, $3  }
0x54: {  	_ =	sdelay $0x1  }
0x55: {  	[sflag:s30] =	ssyncset.done $0x0  }
0x56: {  	[sflag:s30] =	ssyncadd.s32 $0xFFFFF800  }
.LBB2_1:
0x57: {  	s12 =	simm.s32 $0x0;
	s13 =	simm.s32 $0x200  }
.LBB2_2:
0x58: {  	p1 =	sne.s32 s13, $0xFE00;
	[tilespmem:s12+$0x1070] =	vst v0  }
0x59: {  	[tilespmem:s12+$0x1000] =	vst v0  }
0x5a: {  	[tilespmem:s12+$0x1010] =	vst v0  }
.Ltmp2:
0x5b: {  	[tilespmem:s12+$0x1020] =	vst v0;
	(pc) =	sbr.rel @p1 .LBB2_2-.Ltmp2, $4  }
0x5c: {  	[tilespmem:s12+$0x1030] =	vst v0  }
0x5d: {  	[tilespmem:s12+$0x1040] =	vst v0  }
0x5e: {  	[tilespmem:s12+$0x1050] =	vst v0  }
0x5f: {  	[tilespmem:s12+$0x1060] =	vst v0;
	s12 =	sshra.s32 s13, $0x2;
	s13 =	sadd.s32 $0x200, s13  }
0x60: {  	[tilespmem:s12+$0x1070] =	vst v0  }
0x61: {  	[tilespmem:s12+$0x1000] =	vst v0  }
0x62: {  	[tilespmem:s12+$0x1010] =	vst v0  }
0x63: {  	[tilespmem:s12+$0x1020] =	vst v0  }
0x64: {  	[tilespmem:s12+$0x1030] =	vst v0  }
0x65: {  	[tilespmem:s12+$0x1040] =	vst v0  }
0x66: {  	[tilespmem:s12+$0x1050] =	vst v0  }
0x67: {  	[tilespmem:s12+$0x1060] =	vst v0  }
0x68: {  	[spmem:s16] =	stream.linear.scatter [tilespmem:s29], [sflag:$0x5], $0x4000, $0x38;
	[tilespmem:$0x1D000] =	vst v63  }
0x69: {  	_ =	swait.ge [sflag:s30], $0x4000  }
0x6a: {  	[sflag:s30] =	ssyncset.done $0x0  }
0x6b: {  	[sflag:s30] =	ssyncadd.s32 $0xFFFFC000  }
0x6c: {  	[spmem:s17] =	stream.linear.scatter [tilespmem:s29], [sflag:$0x5], $0x4000, $0x38;
	[tilespmem:$0x1D000] =	vst v63  }
0x6d: {  	_ =	swait.ge [sflag:s30], $0x4000  }
0x6e: {  	[sflag:s30] =	ssyncset.done $0x0  }
0x6f: {  	[sflag:s30] =	ssyncadd.s32 $0xFFFFC000  }
0x70: {  	[spmem:s15] =	stream.linear.scatter [tilespmem:s29], [sflag:$0x5], $0x4000, $0x38;
	[tilespmem:$0x1D000] =	vst v63  }
0x71: {  	_ =	swait.ge [sflag:s30], $0x4000  }
0x72: {  	[sflag:s30] =	ssyncset.done $0x0  }
0x73: {  	[sflag:s30] =	ssyncadd.s32 $0xFFFFC000  }
0x74: {  	[spmem:s18] =	stream.linear.scatter [tilespmem:s29], [sflag:$0x5], $0x4000, $0x38;
	[tilespmem:$0x1D000] =	vst v63  }
0x75: {  	_ =	swait.ge [sflag:s30], $0x4000  }
0x76: {  	[sflag:s30] =	ssyncset.done $0x0  }
0x77: {  	[sflag:s30] =	ssyncadd.s32 $0xFFFFC000  }
0x78: {  	[spmem:s19] =	stream.linear.scatter [tilespmem:s29], [sflag:$0x5], $0x4000, $0x38;
	[tilespmem:$0x1D000] =	vst v63  }
.Ltmp3:
0x79: {  	_ =	swait.ge [sflag:s30], $0x4000;
	(pc) =	sbr.rel @!p0 .LBB2_4-.Ltmp3, $3  }
0x7a: {  	[sflag:s30] =	ssyncset.done $0x0  }
0x7b: {  	[sflag:s30] =	ssyncadd.s32 $0xFFFFC000  }
0x7c: {  	[bflag:$0x0] =	sbarrier.arrive $0xFFFF;
	_ =	sdelay $0x1  }
0x7d: {  	s13 =	sld [smem:$0x7F5]  }
.Ltmp4:
0x7e: {  	_ = 	snop;
	(pc) =	sbr.rel .LBB2_8-.Ltmp4, $4  }
0x7f: {  	s12 =	simm.s32 $0x0;
	s25 =	sld [smem:$0x7F6]  }
0x80: {  	[tilespmem:s29], [sflag:$0x3] =	stream.linear.gather [hbm4b:s13+s12], $0x4000, $0x38;
	[tilespmem:$0x1D000] =	vst v63  }
0x81: {  	s13 =	simm.s32 $0x0  }
0x82: {  	[tilespmem:s31], [sflag:$0x4] =	stream.linear.gather [hbm4b:s25+s12], $0x4000, $0x38;
	[tilespmem:$0x1D000] =	vst v63  }
.LBB2_18:
0x83: {  	s13 =	sadd.s32 $0x1, s13  }
0x84: {  	p1 =	sne.s32 s13, $0xA  }
.Ltmp5:
0x85: {  	_ = 	snop;
	(pc) =	sbr.rel @!p1 .LBB2_19-.Ltmp5, $1  }
0x86: {  	_ =	sdelay $0x3  }
.LBB2_8:
0x87: {  	s14 =	sshll.u32 s13, $0x4  }
0x88: {  	s15 =	sadd.s32 s6, s14  }
0x89: {  	s15 =	sshll.u32 s15, $0x4  }
0x8a: {  	s16 =	sadd.s32 s7, s15  }
0x8b: {  	[tilespmem:s12], [sflag:$0x5] =	stream.linear.gather [hbm4b:s16+s12], $0x800, $0x38;
	[tilespmem:$0x1D000] =	vst v63  }
0x8c: {  	_ =	swait.ge [sflag:s30], $0x800  }
0x8d: {  	[sflag:s30] =	ssyncset.done $0x0  }
0x8e: {  	s15 =	sadd.s32 s8, s15;
	[sflag:s30] =	ssyncadd.s32 $0xFFFFF800  }
0x8f: {  	[tilespmem:s0], [sflag:$0x5] =	stream.linear.gather [hbm4b:s15+s12], $0x800, $0x38;
	[tilespmem:$0x1D000] =	vst v63  }
0x90: {  	_ =	swait.ge [sflag:s30], $0x800  }
0x91: {  	[sflag:s30] =	ssyncset.done $0x0  }
.Ltmp6:
0x92: {  	[sflag:s30] =	ssyncadd.s32 $0xFFFFF800;
	(pc) =	sbr.rel .LBB2_9-.Ltmp6, $4  }
0x93: {  	_ =	swait.ge [sflag:s21], $0x4000  }
0x94: {  	[sflag:s21] =	ssyncset.done $0x0  }
0x95: {  	s15 =	simm.s32 $0x0;
	[sflag:s21] =	ssyncadd.s32 $0xFFFFC000  }
0x96: {  	[tilespmem:s29], [sflag:$0x1] =	stream.indirect.gather.add.f32 [hbm:s3], $0x80, s12, s23, $0xb8;
	[tilespmem:$0x1D000] =	vst v63  }
.LBB2_16:
0x97: {  	[tilespmem:s17+$0x5010] =	vst v6;
	v4 =	vmax.f32 v4, $0.0e+00;
	v63 =	vld [tilespmem:s17+$0x5070]  }
0x98: {  	v2 =	vmax.f32 v2, $0.0e+00;
	[tilespmem:s17+$0x5020] =	vst v4  }
0x99: {  	v1 =	vmax.f32 v1, $0.0e+00;
	[tilespmem:s17+$0x5030] =	vst v2  }
0x9a: {  	[tilespmem:s17+$0x5040] =	vst v1;
	v1 =	vmax.f32 v3, $0.0e+00  }
0x9b: {  	s18 =	sshll.u32 s25, $0x7;
	[tilespmem:s17+$0x5050] =	vst v1;
	v1 =	vmax.f32 v5, $0.0e+00  }
0x9c: {  	s18 =	sand.u32 $0x3FFFFF80, s18;
	[tilespmem:s17+$0x5060] =	vst v1;
	v1 =	vmax.f32 v63, $0.0e+00  }
0x9d: {  	p1 =	sge.u32 s16, s26;
	s25 =	sadd.s32 $0x800, s18;
	[tilespmem:s17+$0x5070] =	vst v1  }
0x9e: {  	[spmem:s4] =	stream.indirect.scatter.add.f32 [tilespmem:s31], [sflag:$0x5], $0x80, s25, s23, $0xb8;
	[tilespmem:$0x1D000] =	vst v63  }
0x9f: {  	s16 =	sadd.s32 @!p1 s6, s16;
	_ =	swait.ge [sflag:s30], $0x4000  }
0xa0: {  	s16 =	sshll.u32 @!p1 s16, $0xB;
	s18 =	simm.s32 @!p1 $0x5000;
	[sflag:s30] =	ssyncset.done $0x0  }
0xa1: {  	s16 =	sadd.s32 @!p1 s16, s24;
	s17 =	simm.s32 @!p1 $0x0;
	[sflag:s30] =	ssyncadd.s32 $0xFFFFC000  }
0xa2: {  	[tilespmem:s18], [sflag:$0x4] =	stream.linear.gather @!p1 [hbm4b:s16+s17], $0x4000, $0x38;
	[tilespmem:$0x1D000] =	vst v63  }
.LBB2_17:
0xa3: {  	s15 =	sadd.s32 $0x1, s15  }
0xa4: {  	p1 =	sne.s32 s15, $0x8  }
.Ltmp7:
0xa5: {  	_ = 	snop;
	(pc) =	sbr.rel @!p1 .LBB2_18-.Ltmp7, $1  }
0xa6: {  	_ =	sdelay $0x3  }
.LBB2_9:
0xa7: {  	s16 =	sshll.u32 s15, $0x1  }
0xa8: {  	s25 =	sor.u32 s14, s16  }
0xa9: {  	p1 =	sge.u32 s25, s9  }
.Ltmp8:
0xaa: {  	_ = 	snop;
	(pc) =	sbr.rel @p1 .LBB2_13-.Ltmp8, $1  }
0xab: {  	_ =	sdelay $0x3  }
0xac: {  	_ =	swait.ge [sflag:s1], $0x4000  }
0xad: {  	p1 =	sge.u32 s25, s28;
	[sflag:s1] =	ssyncset.done $0x0  }
0xae: {  	s17 =	simm.s32 @!p1 $0x4;
	[sflag:s1] =	ssyncadd.s32 $0xFFFFC000  }
0xaf: {  	_ =	swait.ge @!p1 [sflag:s17], $0x4000  }
0xb0: {  	s18 =	sshll.u32 @!p1 s15, $0x8;
	[sflag:s17] =	ssyncset.done @!p1 $0x0  }
0xb1: {  	[sflag:s17] =	ssyncadd.s32 @!p1 $0xFFFFC000;
	s17 =	sand.u32 @!p1 $0x3FFFFF00, s18  }
0xb2: {  	s19 =	simm.s32 @!p1 $0x5000;
	s18 =	simm.s32 @!p1 $0x80;
	s17 =	sor.u32 @!p1 $0x80, s17  }
0xb3: {  	[tilespmem:s19], [sflag:$0x2] =	stream.indirect.gather.add.f32 @!p1 [hbm:s3], $0x80, s17, s18, $0xb8;
	[tilespmem:$0x1D000] =	vst v63  }
0xb4: {  	s17 =	simm.s32 $0x0  }
0xb5: {  	v3 =	vld [tilespmem:s17+$0x1000]  }
0xb6: {  	v5 =	vld [tilespmem:s17+$0x1010]  }
0xb7: {  	v4 =	vld [tilespmem:s17+$0x1020]  }
0xb8: {  	v2 =	vld [tilespmem:s17+$0x1030]  }
0xb9: {  	v1 =	vld [tilespmem:s17+$0x1040]  }
0xba: {  	v6 =	vmax.f32 v3, $0.0e+00;
	v3 =	vld [tilespmem:s17+$0x1050]  }
0xbb: {  	s18 =	simm.s32 $0x200;
	[tilespmem:s17+$0x1000] =	vst v6;
	v6 =	vmax.f32 v5, $0.0e+00;
	v5 =	vld [tilespmem:s17+$0x1060]  }
.LBB2_11:
0xbc: {  	s19 =	sshra.s32 s18, $0x2;
	p1 =	sne.s32 s18, $0xFE00;
	[tilespmem:s17+$0x1010] =	vst v6;
	v4 =	vmax.f32 v4, $0.0e+00;
	v6 =	vld [tilespmem:s17+$0x1070]  }
0xbd: {  	v7 =	vld [tilespmem:s19+$0x1000];
	[tilespmem:s17+$0x1020] =	vst v4;
	v2 =	vmax.f32 v2, $0.0e+00  }
0xbe: {  	v8 =	vld [tilespmem:s19+$0x1010];
	[tilespmem:s17+$0x1030] =	vst v2;
	v1 =	vmax.f32 v1, $0.0e+00  }
.Ltmp9:
0xbf: {  	v4 =	vld [tilespmem:s19+$0x1020];
	[tilespmem:s17+$0x1040] =	vst v1;
	v1 =	vmax.f32 v3, $0.0e+00;
	(pc) =	sbr.rel @p1 .LBB2_11-.Ltmp9, $4  }
0xc0: {  	v2 =	vld [tilespmem:s19+$0x1030];
	[tilespmem:s17+$0x1050] =	vst v1;
	v3 =	vmax.f32 v5, $0.0e+00  }
0xc1: {  	v1 =	vld [tilespmem:s19+$0x1040];
	[tilespmem:s17+$0x1060] =	vst v3;
	v5 =	vmax.f32 v6, $0.0e+00  }
0xc2: {  	v6 =	vmax.f32 v7, $0.0e+00;
	v3 =	vld [tilespmem:s19+$0x1050];
	[tilespmem:s17+$0x1070] =	vst v5;
	s17 =	smov.u32 s19  }
0xc3: {  	s18 =	sadd.s32 $0x200, s18;
	[tilespmem:s17+$0x1000] =	vst v6;
	v6 =	vmax.f32 v8, $0.0e+00;
	v5 =	vld [tilespmem:s17+$0x1060]  }
0xc4: {  	[tilespmem:s17+$0x1010] =	vst v6;
	v4 =	vmax.f32 v4, $0.0e+00;
	v63 =	vld [tilespmem:s17+$0x1070]  }
0xc5: {  	[tilespmem:s17+$0x1020] =	vst v4;
	v2 =	vmax.f32 v2, $0.0e+00  }
0xc6: {  	[tilespmem:s17+$0x1030] =	vst v2;
	v1 =	vmax.f32 v1, $0.0e+00  }
0xc7: {  	[tilespmem:s17+$0x1040] =	vst v1;
	v1 =	vmax.f32 v3, $0.0e+00  }
0xc8: {  	s18 =	sshll.u32 s15, $0x8;
	[tilespmem:s17+$0x1050] =	vst v1;
	v1 =	vmax.f32 v5, $0.0e+00  }
0xc9: {  	s18 =	sand.u32 $0x3FFFFF00, s18;
	[tilespmem:s17+$0x1060] =	vst v1;
	v1 =	vmax.f32 v63, $0.0e+00  }
0xca: {  	p1 =	sge.u32 s25, s26;
	s19 =	sadd.s32 $0x800, s18;
	[tilespmem:s17+$0x1070] =	vst v1  }
0xcb: {  	[spmem:s4] =	stream.indirect.scatter.add.f32 [tilespmem:s29], [sflag:$0x5], $0x80, s19, s23, $0xb8;
	[tilespmem:$0x1D000] =	vst v63  }
0xcc: {  	s17 =	sadd.s32 @!p1 s6, s25;
	_ =	swait.ge [sflag:s30], $0x4000  }
0xcd: {  	s18 =	simm.s32 @!p1 $0x0;
	s17 =	sshll.u32 @!p1 s17, $0xB;
	[sflag:s30] =	ssyncset.done $0x0  }
0xce: {  	s19 =	simm.s32 @!p1 $0x1000;
	s17 =	sadd.s32 @!p1 s17, s24;
	[sflag:s30] =	ssyncadd.s32 $0xFFFFC000  }
0xcf: {  	[tilespmem:s19], [sflag:$0x3] =	stream.linear.gather @!p1 [hbm4b:s17+s18], $0x4000, $0x38;
	[tilespmem:$0x1D000] =	vst v63  }
.LBB2_13:
0xd0: {  	s25 =	sor.u32 $0x1, s16  }
0xd1: {  	s16 =	sor.u32 s14, s25  }
0xd2: {  	p1 =	sge.u32 s16, s9  }
.Ltmp10:
0xd3: {  	_ = 	snop;
	(pc) =	sbr.rel @p1 .LBB2_17-.Ltmp10, $1  }
0xd4: {  	_ =	sdelay $0x3  }
0xd5: {  	p1 =	seq.s32 s15, $0x7  }
0xd6: {  	_ =	swait.ge [sflag:s11], $0x4000;
	p2 =	sge.u32 @!p1 s16, s28  }
0xd7: {  	[sflag:s11] =	ssyncset.done $0x0;
	p1 =	por p2, p1  }
0xd8: {  	[sflag:s11] =	ssyncadd.s32 $0xFFFFC000;
	s17 =	simm.s32 @!p1 $0x3  }
0xd9: {  	_ =	swait.ge @!p1 [sflag:s17], $0x4000  }
0xda: {  	s18 =	sshll.u32 @!p1 s15, $0x8;
	[sflag:s17] =	ssyncset.done @!p1 $0x0  }
0xdb: {  	[sflag:s17] =	ssyncadd.s32 @!p1 $0xFFFFC000;
	s17 =	sand.u32 @!p1 $0x3FFFFF00, s18  }
0xdc: {  	s19 =	simm.s32 @!p1 $0x1000;
	s18 =	simm.s32 @!p1 $0x80;
	s17 =	sadd.s32 @!p1 $0x100, s17  }
0xdd: {  	[tilespmem:s19], [sflag:$0x1] =	stream.indirect.gather.add.f32 @!p1 [hbm:s3], $0x80, s17, s18, $0xb8;
	[tilespmem:$0x1D000] =	vst v63  }
0xde: {  	s17 =	simm.s32 $0x0  }
0xdf: {  	v3 =	vld [tilespmem:s17+$0x5000]  }
0xe0: {  	v5 =	vld [tilespmem:s17+$0x5010]  }
0xe1: {  	v4 =	vld [tilespmem:s17+$0x5020]  }
0xe2: {  	v2 =	vld [tilespmem:s17+$0x5030]  }
0xe3: {  	v1 =	vld [tilespmem:s17+$0x5040]  }
0xe4: {  	v6 =	vmax.f32 v3, $0.0e+00;
	v3 =	vld [tilespmem:s17+$0x5050]  }
0xe5: {  	s18 =	simm.s32 $0x200;
	[tilespmem:s17+$0x5000] =	vst v6;
	v6 =	vmax.f32 v5, $0.0e+00;
	v5 =	vld [tilespmem:s17+$0x5060]  }
.LBB2_15:
0xe6: {  	s19 =	sshra.s32 s18, $0x2;
	p1 =	sne.s32 s18, $0xFE00;
	[tilespmem:s17+$0x5010] =	vst v6;
	v4 =	vmax.f32 v4, $0.0e+00;
	v6 =	vld [tilespmem:s17+$0x5070]  }
0xe7: {  	v2 =	vmax.f32 v2, $0.0e+00;
	v7 =	vld [tilespmem:s19+$0x5000];
	[tilespmem:s17+$0x5020] =	vst v4  }
0xe8: {  	v1 =	vmax.f32 v1, $0.0e+00;
	v8 =	vld [tilespmem:s19+$0x5010];
	[tilespmem:s17+$0x5030] =	vst v2  }
.Ltmp11:
0xe9: {  	v4 =	vld [tilespmem:s19+$0x5020];
	[tilespmem:s17+$0x5040] =	vst v1;
	v1 =	vmax.f32 v3, $0.0e+00;
	(pc) =	sbr.rel @p1 .LBB2_15-.Ltmp11, $4  }
0xea: {  	v3 =	vmax.f32 v5, $0.0e+00;
	v2 =	vld [tilespmem:s19+$0x5030];
	[tilespmem:s17+$0x5050] =	vst v1  }
0xeb: {  	v1 =	vld [tilespmem:s19+$0x5040];
	[tilespmem:s17+$0x5060] =	vst v3;
	v5 =	vmax.f32 v6, $0.0e+00  }
0xec: {  	v6 =	vmax.f32 v7, $0.0e+00;
	v3 =	vld [tilespmem:s19+$0x5050];
	[tilespmem:s17+$0x5070] =	vst v5;
	s17 =	smov.u32 s19  }
0xed: {  	s18 =	sadd.s32 $0x200, s18;
	[tilespmem:s17+$0x5000] =	vst v6;
	v6 =	vmax.f32 v8, $0.0e+00;
	v5 =	vld [tilespmem:s17+$0x5060]  }
.Ltmp12:
0xee: {  	_ = 	snop;
	(pc) =	sbr.rel .LBB2_16-.Ltmp12, $1  }
0xef: {  	_ =	sdelay $0x3  }
.LBB2_4:
0xf0: {  	s18 =	rddreg [dreg:$0x1f]  }
0xf1: {  	[tilespmem:s5], [sflag:$0x5] =	stream.linear.gather [hbm4b:s18+s5], $0x800, $0x38;
	[tilespmem:$0x1D000] =	vst v63  }
0xf2: {  	_ =	swait.ge [sflag:s30], $0x800  }
0xf3: {  	[sflag:s30] =	ssyncset.done $0x0  }
0xf4: {  	s17 =	rddreg [dreg:$0x1e];
	[sflag:s30] =	ssyncadd.s32 $0xFFFFF800  }
0xf5: {  	[tilespmem:s0], [sflag:$0x5] =	stream.linear.gather [hbm4b:s17+s5], $0x800, $0x38;
	[tilespmem:$0x1D000] =	vst v63  }
0xf6: {  	_ =	swait.ge [sflag:s30], $0x800  }
0xf7: {  	[sflag:s30] =	ssyncset.done $0x0  }
0xf8: {  	[sflag:s30] =	ssyncadd.s32 $0xFFFFF800  }
0xf9: {  	[tilespmem:s29], [sflag:$0x1] =	stream.indirect.gather [hbm4b:s2+s23], $0x80, s5, s23, $0xb8;
	[tilespmem:$0x1D000] =	vst v63  }
0xfa: {  	_ = 	snop  }
0xfb: {  	[tilespmem:s31], [sflag:$0x2] =	stream.indirect.gather [hbm4b:s2+s23], $0x80, s23, s23, $0xb8;
	[tilespmem:$0x1D000] =	vst v63  }
0xfc: {  	_ =	swait.ge [sflag:s1], $0x4000  }
0xfd: {  	[sflag:s1] =	ssyncset.done $0x0  }
0xfe: {  	[sflag:s1] =	ssyncadd.s32 $0xFFFFC000  }
0xff: {  	[spmem:s4] =	stream.indirect.scatter.add.f32 [tilespmem:s29], [sflag:$0x5], $0x80, s0, s23, $0xb8;
	[tilespmem:$0x1D000] =	vst v63  }
0x100: {  	_ =	swait.ge [sflag:s30], $0x4000  }
0x101: {  	[sflag:s30] =	ssyncset.done $0x0  }
0x102: {  	s12 =	rddreg [dreg:$0x9];
	[sflag:s30] =	ssyncadd.s32 $0xFFFFC000  }
0x103: {  	[tilespmem:s29], [sflag:$0x1] =	stream.indirect.gather [hbm4b:s2+s23], $0x80, s12, s23, $0xb8;
	[tilespmem:$0x1D000] =	vst v63  }
0x104: {  	_ =	swait.ge [sflag:s11], $0x4000  }
0x105: {  	[sflag:s11] =	ssyncset.done $0x0  }
0x106: {  	s13 =	rddreg [dreg:$0xa];
	[sflag:s11] =	ssyncadd.s32 $0xFFFFC000  }
0x107: {  	[spmem:s4] =	stream.indirect.scatter.add.f32 [tilespmem:s31], [sflag:$0x5], $0x80, s13, s23, $0xb8;
	[tilespmem:$0x1D000] =	vst v63  }
0x108: {  	_ =	swait.ge [sflag:s30], $0x4000  }
0x109: {  	[sflag:s30] =	ssyncset.done $0x0  }
0x10a: {  	s14 =	rddreg [dreg:$0xb];
	[sflag:s30] =	ssyncadd.s32 $0xFFFFC000  }
0x10b: {  	[tilespmem:s31], [sflag:$0x2] =	stream.indirect.gather [hbm4b:s2+s23], $0x80, s14, s23, $0xb8;
	[tilespmem:$0x1D000] =	vst v63  }
0x10c: {  	_ =	swait.ge [sflag:s1], $0x4000  }
0x10d: {  	[sflag:s1] =	ssyncset.done $0x0  }
0x10e: {  	s15 =	rddreg [dreg:$0xc];
	[sflag:s1] =	ssyncadd.s32 $0xFFFFC000  }
0x10f: {  	[spmem:s4] =	stream.indirect.scatter.add.f32 [tilespmem:s29], [sflag:$0x5], $0x80, s15, s23, $0xb8;
	[tilespmem:$0x1D000] =	vst v63  }
0x110: {  	_ =	swait.ge [sflag:s30], $0x4000  }
0x111: {  	[sflag:s30] =	ssyncset.done $0x0  }
0x112: {  	s16 =	rddreg [dreg:$0xd];
	[sflag:s30] =	ssyncadd.s32 $0xFFFFC000  }
0x113: {  	[tilespmem:s29], [sflag:$0x1] =	stream.indirect.gather [hbm4b:s2+s23], $0x80, s16, s23, $0xb8;
	[tilespmem:$0x1D000] =	vst v63  }
0x114: {  	_ =	swait.ge [sflag:s11], $0x4000  }
0x115: {  	[sflag:s11] =	ssyncset.done $0x0  }
0x116: {  	s19 =	rddreg [dreg:$0xe];
	[sflag:s11] =	ssyncadd.s32 $0xFFFFC000  }
0x117: {  	[spmem:s4] =	stream.indirect.scatter.add.f32 [tilespmem:s31], [sflag:$0x5], $0x80, s19, s23, $0xb8;
	[tilespmem:$0x1D000] =	vst v63  }
0x118: {  	_ =	swait.ge [sflag:s30], $0x4000  }
0x119: {  	[sflag:s30] =	ssyncset.done $0x0  }
0x11a: {  	s20 =	rddreg [dreg:$0xf];
	[sflag:s30] =	ssyncadd.s32 $0xFFFFC000  }
0x11b: {  	[tilespmem:s31], [sflag:$0x2] =	stream.indirect.gather [hbm4b:s2+s23], $0x80, s20, s23, $0xb8;
	[tilespmem:$0x1D000] =	vst v63  }
0x11c: {  	_ =	swait.ge [sflag:s1], $0x4000  }
0x11d: {  	[sflag:s1] =	ssyncset.done $0x0  }
0x11e: {  	s22 =	rddreg [dreg:$0x10];
	[sflag:s1] =	ssyncadd.s32 $0xFFFFC000  }
0x11f: {  	[spmem:s4] =	stream.indirect.scatter.add.f32 [tilespmem:s29], [sflag:$0x5], $0x80, s22, s23, $0xb8;
	[tilespmem:$0x1D000] =	vst v63  }
0x120: {  	_ =	swait.ge [sflag:s30], $0x4000  }
0x121: {  	[sflag:s30] =	ssyncset.done $0x0  }
0x122: {  	s25 =	rddreg [dreg:$0x11];
	[sflag:s30] =	ssyncadd.s32 $0xFFFFC000  }
0x123: {  	[tilespmem:s29], [sflag:$0x1] =	stream.indirect.gather [hbm4b:s2+s23], $0x80, s25, s23, $0xb8;
	[tilespmem:$0x1D000] =	vst v63  }
0x124: {  	_ =	swait.ge [sflag:s11], $0x4000  }
0x125: {  	[sflag:s11] =	ssyncset.done $0x0  }
0x126: {  	s13 =	rddreg [dreg:$0x12];
	[sflag:s11] =	ssyncadd.s32 $0xFFFFC000  }
0x127: {  	[spmem:s4] =	stream.indirect.scatter.add.f32 [tilespmem:s31], [sflag:$0x5], $0x80, s13, s23, $0xb8;
	[tilespmem:$0x1D000] =	vst v63  }
0x128: {  	_ =	swait.ge [sflag:s30], $0x4000  }
0x129: {  	[sflag:s30] =	ssyncset.done $0x0  }
0x12a: {  	s14 =	rddreg [dreg:$0x13];
	[sflag:s30] =	ssyncadd.s32 $0xFFFFC000  }
0x12b: {  	[tilespmem:s31], [sflag:$0x2] =	stream.indirect.gather [hbm4b:s2+s23], $0x80, s14, s23, $0xb8;
	[tilespmem:$0x1D000] =	vst v63  }
0x12c: {  	_ =	swait.ge [sflag:s1], $0x4000  }
0x12d: {  	[sflag:s1] =	ssyncset.done $0x0  }
0x12e: {  	s15 =	rddreg [dreg:$0x14];
	[sflag:s1] =	ssyncadd.s32 $0xFFFFC000  }
0x12f: {  	[spmem:s4] =	stream.indirect.scatter.add.f32 [tilespmem:s29], [sflag:$0x5], $0x80, s15, s23, $0xb8;
	[tilespmem:$0x1D000] =	vst v63  }
0x130: {  	_ =	swait.ge [sflag:s30], $0x4000  }
0x131: {  	[sflag:s30] =	ssyncset.done $0x0  }
0x132: {  	s16 =	rddreg [dreg:$0x15];
	[sflag:s30] =	ssyncadd.s32 $0xFFFFC000  }
0x133: {  	[tilespmem:s29], [sflag:$0x1] =	stream.indirect.gather [hbm4b:s2+s23], $0x80, s16, s23, $0xb8;
	[tilespmem:$0x1D000] =	vst v63  }
0x134: {  	_ =	swait.ge [sflag:s11], $0x4000  }
0x135: {  	[sflag:s11] =	ssyncset.done $0x0  }
0x136: {  	s19 =	rddreg [dreg:$0x16];
	[sflag:s11] =	ssyncadd.s32 $0xFFFFC000  }
0x137: {  	[spmem:s4] =	stream.indirect.scatter.add.f32 [tilespmem:s31], [sflag:$0x5], $0x80, s19, s23, $0xb8;
	[tilespmem:$0x1D000] =	vst v63  }
0x138: {  	_ =	swait.ge [sflag:s30], $0x4000  }
0x139: {  	[sflag:s30] =	ssyncset.done $0x0  }
0x13a: {  	s20 =	rddreg [dreg:$0x17];
	[sflag:s30] =	ssyncadd.s32 $0xFFFFC000  }
0x13b: {  	[tilespmem:s31], [sflag:$0x2] =	stream.indirect.gather [hbm4b:s2+s23], $0x80, s20, s23, $0xb8;
	[tilespmem:$0x1D000] =	vst v63  }
0x13c: {  	_ =	swait.ge [sflag:s1], $0x4000  }
0x13d: {  	[sflag:s1] =	ssyncset.done $0x0  }
0x13e: {  	s22 =	rddreg [dreg:$0x18];
	[sflag:s1] =	ssyncadd.s32 $0xFFFFC000  }
0x13f: {  	[spmem:s4] =	stream.indirect.scatter.add.f32 [tilespmem:s29], [sflag:$0x5], $0x80, s22, s23, $0xb8;
	[tilespmem:$0x1D000] =	vst v63  }
0x140: {  	_ =	swait.ge [sflag:s30], $0x4000  }
0x141: {  	[sflag:s30] =	ssyncset.done $0x0  }
0x142: {  	s25 =	rddreg [dreg:$0x19];
	[sflag:s30] =	ssyncadd.s32 $0xFFFFC000  }
0x143: {  	[tilespmem:s29], [sflag:$0x1] =	stream.indirect.gather [hbm4b:s2+s23], $0x80, s25, s23, $0xb8;
	[tilespmem:$0x1D000] =	vst v63  }
0x144: {  	_ =	swait.ge [sflag:s11], $0x4000  }
0x145: {  	[sflag:s11] =	ssyncset.done $0x0  }
0x146: {  	s13 =	rddreg [dreg:$0x1a];
	[sflag:s11] =	ssyncadd.s32 $0xFFFFC000  }
0x147: {  	[spmem:s4] =	stream.indirect.scatter.add.f32 [tilespmem:s31], [sflag:$0x5], $0x80, s13, s23, $0xb8;
	[tilespmem:$0x1D000] =	vst v63  }
0x148: {  	_ =	swait.ge [sflag:s30], $0x4000  }
0x149: {  	[sflag:s30] =	ssyncset.done $0x0  }
0x14a: {  	s14 =	rddreg [dreg:$0x1b];
	[sflag:s30] =	ssyncadd.s32 $0xFFFFC000  }
0x14b: {  	[tilespmem:s31], [sflag:$0x2] =	stream.indirect.gather [hbm4b:s2+s23], $0x80, s14, s23, $0xb8;
	[tilespmem:$0x1D000] =	vst v63  }
0x14c: {  	_ =	swait.ge [sflag:s1], $0x4000  }
0x14d: {  	[sflag:s1] =	ssyncset.done $0x0  }
0x14e: {  	s15 =	rddreg [dreg:$0x1c];
	[sflag:s1] =	ssyncadd.s32 $0xFFFFC000  }
0x14f: {  	[spmem:s4] =	stream.indirect.scatter.add.f32 [tilespmem:s29], [sflag:$0x5], $0x80, s15, s23, $0xb8;
	[tilespmem:$0x1D000] =	vst v63  }
0x150: {  	_ =	swait.ge [sflag:s30], $0x4000  }
0x151: {  	s16 =	rddreg [dreg:$0x5];
	[sflag:s30] =	ssyncset.done $0x0  }
0x152: {  	[sflag:s30] =	ssyncadd.s32 $0xFFFFC000;
	p1 =	sle.u32 s16, $0x0  }
0x153: {  	s12 =	simm.s32 @!p1 $0x80;
	s13 =	simm.s32 @!p1 $0x600;
	s14 =	simm.s32 @!p1 $0x1000  }
0x154: {  	[tilespmem:s14], [sflag:$0x1] =	stream.indirect.gather @!p1 [hbm4b:s2+s12], $0x80, s13, s12, $0xb8;
	[tilespmem:$0x1D000] =	vst v63  }
0x155: {  	_ =	swait.ge [sflag:s11], $0x4000  }
0x156: {  	[sflag:s11] =	ssyncset.done $0x0  }
0x157: {  	s19 =	rddreg [dreg:$0x1d];
	[sflag:s11] =	ssyncadd.s32 $0xFFFFC000  }
0x158: {  	[spmem:s4] =	stream.indirect.scatter.add.f32 [tilespmem:s31], [sflag:$0x5], $0x80, s19, s23, $0xb8;
	[tilespmem:$0x1D000] =	vst v63  }
0x159: {  	_ =	swait.ge [sflag:s30], $0x4000  }
0x15a: {  	p1 =	sle.u32 s9, $0xC;
	s20 =	rddreg [dreg:$0x6];
	[sflag:s30] =	ssyncset.done $0x0  }
0x15b: {  	s12 =	simm.s32 @!p1 $0x1;
	[sflag:s30] =	ssyncadd.s32 $0xFFFFC000;
	p2 =	sle.u32 s20, $0x0  }
0x15c: {  	s13 =	simm.s32 @!p2 $0x80;
	s14 =	simm.s32 @!p2 $0x680;
	s15 =	simm.s32 @!p2 $0x5000  }
0x15d: {  	[tilespmem:s15], [sflag:$0x2] =	stream.indirect.gather @!p2 [hbm4b:s2+s13], $0x80, s14, s13, $0xb8;
	[tilespmem:$0x1D000] =	vst v63  }
0x15e: {  	s16 =	simm.s32 @!p1 $0x5;
	_ =	swait.ge @!p1 [sflag:s12], $0x4000  }
0x15f: {  	s13 =	simm.s32 @!p1 $0x1000;
	s14 =	simm.s32 @!p1 $0x80;
	[sflag:s12] =	ssyncset.done @!p1 $0x0  }
0x160: {  	s15 =	simm.s32 @!p1 $0xE00;
	p2 =	sle.u32 @!p1 s26, $0xC;
	[sflag:s12] =	ssyncadd.s32 @!p1 $0xFFFFC000  }
0x161: {  	[spmem:s4] =	stream.indirect.scatter.add.f32 @!p1 [tilespmem:s13], [sflag:$0x5], $0x80, s15, s14, $0xb8;
	[tilespmem:$0x1D000] =	vst v63  }
0x162: {  	p3 =	por p2, p1;
	p2 =	sle.u32 s9, $0xD;
	_ =	swait.ge @!p1 [sflag:s16], $0x4000  }
0x163: {  	s12 =	simm.s32 @!p3 $0x80;
	s13 =	simm.s32 @!p3 $0x700;
	[sflag:s16] =	ssyncset.done @!p1 $0x0  }
0x164: {  	s14 =	simm.s32 @!p2 $0x2;
	s15 =	simm.s32 @!p3 $0x1000;
	[sflag:s16] =	ssyncadd.s32 @!p1 $0xFFFFC000  }
0x165: {  	[tilespmem:s15], [sflag:$0x1] =	stream.indirect.gather @!p3 [hbm4b:s2+s12], $0x80, s13, s12, $0xb8;
	[tilespmem:$0x1D000] =	vst v63  }
0x166: {  	p1 =	sle.u32 @!p2 s26, $0xD;
	_ =	swait.ge @!p2 [sflag:s14], $0x4000  }
0x167: {  	s16 =	simm.s32 @!p2 $0x5;
	s12 =	simm.s32 @!p2 $0x5000;
	[sflag:s14] =	ssyncset.done @!p2 $0x0  }
0x168: {  	s13 =	simm.s32 @!p2 $0x80;
	s15 =	simm.s32 @!p2 $0xE80;
	[sflag:s14] =	ssyncadd.s32 @!p2 $0xFFFFC000  }
0x169: {  	[spmem:s4] =	stream.indirect.scatter.add.f32 @!p2 [tilespmem:s12], [sflag:$0x5], $0x80, s15, s13, $0xb8;
	[tilespmem:$0x1D000] =	vst v63  }
0x16a: {  	p1 =	por p1, p2;
	_ =	swait.ge @!p2 [sflag:s16], $0x4000  }
0x16b: {  	s14 =	simm.s32 @!p1 $0x80;
	s12 =	simm.s32 @!p1 $0x5000;
	[sflag:s16] =	ssyncset.done @!p2 $0x0  }
0x16c: {  	s15 =	simm.s32 @!p1 $0x780;
	s22 =	rddreg [dreg:$0x7];
	[sflag:s16] =	ssyncadd.s32 @!p2 $0xFFFFC000  }
0x16d: {  	[tilespmem:s12], [sflag:$0x2] =	stream.indirect.gather @!p1 [hbm4b:s2+s14], $0x80, s15, s14, $0xb8;
	[tilespmem:$0x1D000] =	vst v63  }
0x16e: {  	p1 =	sle.u32 s22, $0x0  }
0x16f: {  	s12 =	simm.s32 @!p1 $0x1  }
0x170: {  	_ =	swait.ge @!p1 [sflag:s12], $0x4000  }
0x171: {  	s13 =	simm.s32 @!p1 $0x1000;
	s14 =	simm.s32 @!p1 $0x80;
	[sflag:s12] =	ssyncset.done @!p1 $0x0  }
0x172: {  	s15 =	simm.s32 @!p1 $0xF00;
	s16 =	simm.s32 @!p1 $0x5;
	[sflag:s12] =	ssyncadd.s32 @!p1 $0xFFFFC000  }
0x173: {  	[spmem:s4] =	stream.indirect.scatter.add.f32 @!p1 [tilespmem:s13], [sflag:$0x5], $0x80, s15, s14, $0xb8;
	[tilespmem:$0x1D000] =	vst v63  }
0x174: {  	_ =	swait.ge @!p1 [sflag:s16], $0x4000  }
0x175: {  	s25 =	rddreg [dreg:$0x8]  }
0x176: {  	[sflag:s16] =	ssyncset.done @!p1 $0x0;
	p2 =	sle.u32 s25, $0x0  }
0x177: {  	[sflag:s16] =	ssyncadd.s32 @!p1 $0xFFFFC000;
	s12 =	simm.s32 @!p2 $0x2  }
0x178: {  	_ =	swait.ge @!p2 [sflag:s12], $0x4000  }
0x179: {  	s13 =	simm.s32 @!p2 $0x5000;
	s14 =	simm.s32 @!p2 $0x80;
	[sflag:s12] =	ssyncset.done @!p2 $0x0  }
0x17a: {  	s15 =	simm.s32 @!p2 $0xF80;
	s16 =	simm.s32 @!p2 $0x5;
	[sflag:s12] =	ssyncadd.s32 @!p2 $0xFFFFC000  }
0x17b: {  	[spmem:s4] =	stream.indirect.scatter.add.f32 @!p2 [tilespmem:s13], [sflag:$0x5], $0x80, s15, s14, $0xb8;
	[tilespmem:$0x1D000] =	vst v63  }
0x17c: {  	s12 =	simm.s32 $0x1D;
	s13 =	sadd.s32 $0x100, s18;
	s14 =	smov.u32 s17  }
.LBB2_5:
0x17d: {  	_ =	swait.ge @!p2 [sflag:s16], $0x4000  }
0x17e: {  	[sflag:s16] =	ssyncset.done @!p2 $0x0  }
0x17f: {  	[sflag:s16] =	ssyncadd.s32 @!p2 $0xFFFFC000  }
0x180: {  	[tilespmem:s5], [sflag:$0x5] =	stream.linear.gather [hbm4b:s13+s5], $0x800, $0x38;
	[tilespmem:$0x1D000] =	vst v63  }
0x181: {  	_ =	swait.ge [sflag:s30], $0x800  }
0x182: {  	[sflag:s30] =	ssyncset.done $0x0  }
0x183: {  	s14 =	sadd.s32 $0x100, s14;
	[sflag:s30] =	ssyncadd.s32 $0xFFFFF800  }
0x184: {  	[tilespmem:s0], [sflag:$0x5] =	stream.linear.gather [hbm4b:s14+s5], $0x800, $0x38;
	[tilespmem:$0x1D000] =	vst v63  }
0x185: {  	_ =	swait.ge [sflag:s30], $0x800  }
0x186: {  	[sflag:s30] =	ssyncset.done $0x0  }
0x187: {  	[sflag:s30] =	ssyncadd.s32 $0xFFFFF800  }
0x188: {  	[tilespmem:s29], [sflag:$0x1] =	stream.indirect.gather [hbm4b:s2+s23], $0x80, s5, s23, $0xb8;
	[tilespmem:$0x1D000] =	vst v63  }
0x189: {  	_ = 	snop  }
0x18a: {  	[tilespmem:s31], [sflag:$0x2] =	stream.indirect.gather [hbm4b:s2+s23], $0x80, s23, s23, $0xb8;
	[tilespmem:$0x1D000] =	vst v63  }
0x18b: {  	_ =	swait.ge [sflag:s1], $0x4000  }
0x18c: {  	[sflag:s1] =	ssyncset.done $0x0  }
0x18d: {  	[sflag:s1] =	ssyncadd.s32 $0xFFFFC000  }
0x18e: {  	[spmem:s4] =	stream.indirect.scatter.add.f32 [tilespmem:s29], [sflag:$0x5], $0x80, s0, s23, $0xb8;
	[tilespmem:$0x1D000] =	vst v63  }
0x18f: {  	_ =	swait.ge [sflag:s30], $0x4000  }
0x190: {  	[sflag:s30] =	ssyncset.done $0x0  }
0x191: {  	s17 =	rddreg [dreg:$0x9];
	[sflag:s30] =	ssyncadd.s32 $0xFFFFC000  }
0x192: {  	[tilespmem:s29], [sflag:$0x1] =	stream.indirect.gather [hbm4b:s2+s23], $0x80, s17, s23, $0xb8;
	[tilespmem:$0x1D000] =	vst v63  }
0x193: {  	_ =	swait.ge [sflag:s11], $0x4000  }
0x194: {  	[sflag:s11] =	ssyncset.done $0x0  }
0x195: {  	s18 =	rddreg [dreg:$0xa];
	[sflag:s11] =	ssyncadd.s32 $0xFFFFC000  }
0x196: {  	[spmem:s4] =	stream.indirect.scatter.add.f32 [tilespmem:s31], [sflag:$0x5], $0x80, s18, s23, $0xb8;
	[tilespmem:$0x1D000] =	vst v63  }
0x197: {  	_ =	swait.ge [sflag:s30], $0x4000  }
0x198: {  	[sflag:s30] =	ssyncset.done $0x0  }
0x199: {  	s19 =	rddreg [dreg:$0xb];
	[sflag:s30] =	ssyncadd.s32 $0xFFFFC000  }
0x19a: {  	[tilespmem:s31], [sflag:$0x2] =	stream.indirect.gather [hbm4b:s2+s23], $0x80, s19, s23, $0xb8;
	[tilespmem:$0x1D000] =	vst v63  }
0x19b: {  	_ =	swait.ge [sflag:s1], $0x4000  }
0x19c: {  	[sflag:s1] =	ssyncset.done $0x0  }
0x19d: {  	s20 =	rddreg [dreg:$0xc];
	[sflag:s1] =	ssyncadd.s32 $0xFFFFC000  }
0x19e: {  	[spmem:s4] =	stream.indirect.scatter.add.f32 [tilespmem:s29], [sflag:$0x5], $0x80, s20, s23, $0xb8;
	[tilespmem:$0x1D000] =	vst v63  }
0x19f: {  	_ =	swait.ge [sflag:s30], $0x4000  }
0x1a0: {  	[sflag:s30] =	ssyncset.done $0x0  }
0x1a1: {  	s22 =	rddreg [dreg:$0xd];
	[sflag:s30] =	ssyncadd.s32 $0xFFFFC000  }
0x1a2: {  	[tilespmem:s29], [sflag:$0x1] =	stream.indirect.gather [hbm4b:s2+s23], $0x80, s22, s23, $0xb8;
	[tilespmem:$0x1D000] =	vst v63  }
0x1a3: {  	_ =	swait.ge [sflag:s11], $0x4000  }
0x1a4: {  	[sflag:s11] =	ssyncset.done $0x0  }
0x1a5: {  	s25 =	rddreg [dreg:$0xe];
	[sflag:s11] =	ssyncadd.s32 $0xFFFFC000  }
0x1a6: {  	[spmem:s4] =	stream.indirect.scatter.add.f32 [tilespmem:s31], [sflag:$0x5], $0x80, s25, s23, $0xb8;
	[tilespmem:$0x1D000] =	vst v63  }
0x1a7: {  	_ =	swait.ge [sflag:s30], $0x4000  }
0x1a8: {  	[sflag:s30] =	ssyncset.done $0x0  }
0x1a9: {  	s17 =	rddreg [dreg:$0xf];
	[sflag:s30] =	ssyncadd.s32 $0xFFFFC000  }
0x1aa: {  	[tilespmem:s31], [sflag:$0x2] =	stream.indirect.gather [hbm4b:s2+s23], $0x80, s17, s23, $0xb8;
	[tilespmem:$0x1D000] =	vst v63  }
0x1ab: {  	_ =	swait.ge [sflag:s1], $0x4000  }
0x1ac: {  	[sflag:s1] =	ssyncset.done $0x0  }
0x1ad: {  	s18 =	rddreg [dreg:$0x10];
	[sflag:s1] =	ssyncadd.s32 $0xFFFFC000  }
0x1ae: {  	[spmem:s4] =	stream.indirect.scatter.add.f32 [tilespmem:s29], [sflag:$0x5], $0x80, s18, s23, $0xb8;
	[tilespmem:$0x1D000] =	vst v63  }
0x1af: {  	_ =	swait.ge [sflag:s30], $0x4000  }
0x1b0: {  	[sflag:s30] =	ssyncset.done $0x0  }
0x1b1: {  	s19 =	rddreg [dreg:$0x11];
	[sflag:s30] =	ssyncadd.s32 $0xFFFFC000  }
0x1b2: {  	[tilespmem:s29], [sflag:$0x1] =	stream.indirect.gather [hbm4b:s2+s23], $0x80, s19, s23, $0xb8;
	[tilespmem:$0x1D000] =	vst v63  }
0x1b3: {  	_ =	swait.ge [sflag:s11], $0x4000  }
0x1b4: {  	[sflag:s11] =	ssyncset.done $0x0  }
0x1b5: {  	s20 =	rddreg [dreg:$0x12];
	[sflag:s11] =	ssyncadd.s32 $0xFFFFC000  }
0x1b6: {  	[spmem:s4] =	stream.indirect.scatter.add.f32 [tilespmem:s31], [sflag:$0x5], $0x80, s20, s23, $0xb8;
	[tilespmem:$0x1D000] =	vst v63  }
0x1b7: {  	_ =	swait.ge [sflag:s30], $0x4000  }
0x1b8: {  	[sflag:s30] =	ssyncset.done $0x0  }
0x1b9: {  	s22 =	rddreg [dreg:$0x13];
	[sflag:s30] =	ssyncadd.s32 $0xFFFFC000  }
0x1ba: {  	[tilespmem:s31], [sflag:$0x2] =	stream.indirect.gather [hbm4b:s2+s23], $0x80, s22, s23, $0xb8;
	[tilespmem:$0x1D000] =	vst v63  }
0x1bb: {  	_ =	swait.ge [sflag:s1], $0x4000  }
0x1bc: {  	[sflag:s1] =	ssyncset.done $0x0  }
0x1bd: {  	s25 =	rddreg [dreg:$0x14];
	[sflag:s1] =	ssyncadd.s32 $0xFFFFC000  }
0x1be: {  	[spmem:s4] =	stream.indirect.scatter.add.f32 [tilespmem:s29], [sflag:$0x5], $0x80, s25, s23, $0xb8;
	[tilespmem:$0x1D000] =	vst v63  }
0x1bf: {  	_ =	swait.ge [sflag:s30], $0x4000  }
0x1c0: {  	[sflag:s30] =	ssyncset.done $0x0  }
0x1c1: {  	s17 =	rddreg [dreg:$0x15];
	[sflag:s30] =	ssyncadd.s32 $0xFFFFC000  }
0x1c2: {  	[tilespmem:s29], [sflag:$0x1] =	stream.indirect.gather [hbm4b:s2+s23], $0x80, s17, s23, $0xb8;
	[tilespmem:$0x1D000] =	vst v63  }
0x1c3: {  	_ =	swait.ge [sflag:s11], $0x4000  }
0x1c4: {  	[sflag:s11] =	ssyncset.done $0x0  }
0x1c5: {  	s18 =	rddreg [dreg:$0x16];
	[sflag:s11] =	ssyncadd.s32 $0xFFFFC000  }
0x1c6: {  	[spmem:s4] =	stream.indirect.scatter.add.f32 [tilespmem:s31], [sflag:$0x5], $0x80, s18, s23, $0xb8;
	[tilespmem:$0x1D000] =	vst v63  }
0x1c7: {  	_ =	swait.ge [sflag:s30], $0x4000  }
0x1c8: {  	[sflag:s30] =	ssyncset.done $0x0  }
0x1c9: {  	s19 =	rddreg [dreg:$0x17];
	[sflag:s30] =	ssyncadd.s32 $0xFFFFC000  }
0x1ca: {  	[tilespmem:s31], [sflag:$0x2] =	stream.indirect.gather [hbm4b:s2+s23], $0x80, s19, s23, $0xb8;
	[tilespmem:$0x1D000] =	vst v63  }
0x1cb: {  	_ =	swait.ge [sflag:s1], $0x4000  }
0x1cc: {  	[sflag:s1] =	ssyncset.done $0x0  }
0x1cd: {  	s20 =	rddreg [dreg:$0x18];
	[sflag:s1] =	ssyncadd.s32 $0xFFFFC000  }
0x1ce: {  	[spmem:s4] =	stream.indirect.scatter.add.f32 [tilespmem:s29], [sflag:$0x5], $0x80, s20, s23, $0xb8;
	[tilespmem:$0x1D000] =	vst v63  }
0x1cf: {  	_ =	swait.ge [sflag:s30], $0x4000  }
0x1d0: {  	[sflag:s30] =	ssyncset.done $0x0  }
0x1d1: {  	s22 =	rddreg [dreg:$0x19];
	[sflag:s30] =	ssyncadd.s32 $0xFFFFC000  }
0x1d2: {  	[tilespmem:s29], [sflag:$0x1] =	stream.indirect.gather [hbm4b:s2+s23], $0x80, s22, s23, $0xb8;
	[tilespmem:$0x1D000] =	vst v63  }
0x1d3: {  	_ =	swait.ge [sflag:s11], $0x4000  }
0x1d4: {  	[sflag:s11] =	ssyncset.done $0x0  }
0x1d5: {  	s25 =	rddreg [dreg:$0x1a];
	[sflag:s11] =	ssyncadd.s32 $0xFFFFC000  }
0x1d6: {  	[spmem:s4] =	stream.indirect.scatter.add.f32 [tilespmem:s31], [sflag:$0x5], $0x80, s25, s23, $0xb8;
	[tilespmem:$0x1D000] =	vst v63  }
0x1d7: {  	_ =	swait.ge [sflag:s30], $0x4000  }
0x1d8: {  	[sflag:s30] =	ssyncset.done $0x0  }
0x1d9: {  	s17 =	rddreg [dreg:$0x1b];
	[sflag:s30] =	ssyncadd.s32 $0xFFFFC000  }
0x1da: {  	[tilespmem:s31], [sflag:$0x2] =	stream.indirect.gather [hbm4b:s2+s23], $0x80, s17, s23, $0xb8;
	[tilespmem:$0x1D000] =	vst v63  }
0x1db: {  	_ =	swait.ge [sflag:s1], $0x4000  }
0x1dc: {  	[sflag:s1] =	ssyncset.done $0x0  }
0x1dd: {  	s18 =	rddreg [dreg:$0x1c];
	[sflag:s1] =	ssyncadd.s32 $0xFFFFC000  }
0x1de: {  	[spmem:s4] =	stream.indirect.scatter.add.f32 [tilespmem:s29], [sflag:$0x5], $0x80, s18, s23, $0xb8;
	[tilespmem:$0x1D000] =	vst v63  }
0x1df: {  	s15 =	smov.u32 s12;
	_ =	swait.ge [sflag:s30], $0x4000  }
0x1e0: {  	s16 =	sadd.s32 $0xFFFFFFF3, s15;
	s17 =	rddreg [dreg:$0x5];
	[sflag:s30] =	ssyncset.done $0x0  }
0x1e1: {  	[sflag:s30] =	ssyncadd.s32 $0xFFFFC000;
	p2 =	sge.u32 s16, s17  }
0x1e2: {  	s17 =	simm.s32 @!p2 $0x80;
	s18 =	simm.s32 @!p2 $0x600;
	s25 =	simm.s32 @!p2 $0x1000  }
0x1e3: {  	[tilespmem:s25], [sflag:$0x1] =	stream.indirect.gather @!p2 [hbm4b:s2+s17], $0x80, s18, s17, $0xb8;
	[tilespmem:$0x1D000] =	vst v63  }
0x1e4: {  	_ =	swait.ge [sflag:s11], $0x4000  }
0x1e5: {  	[sflag:s11] =	ssyncset.done $0x0  }
0x1e6: {  	s19 =	rddreg [dreg:$0x1d];
	[sflag:s11] =	ssyncadd.s32 $0xFFFFC000  }
0x1e7: {  	[spmem:s4] =	stream.indirect.scatter.add.f32 [tilespmem:s31], [sflag:$0x5], $0x80, s19, s23, $0xb8;
	[tilespmem:$0x1D000] =	vst v63  }
0x1e8: {  	s18 =	sadd.s32 $0xFFFFFFFF, s15;
	_ =	swait.ge [sflag:s30], $0x4000  }
0x1e9: {  	p3 =	sge.u32 s18, s9;
	s20 =	rddreg [dreg:$0x6];
	[sflag:s30] =	ssyncset.done $0x0  }
0x1ea: {  	s17 =	simm.s32 @!p3 $0x1;
	[sflag:s30] =	ssyncadd.s32 $0xFFFFC000;
	p2 =	sge.u32 s16, s20  }
0x1eb: {  	s19 =	simm.s32 @!p2 $0x80;
	s20 =	simm.s32 @!p2 $0x680;
	s22 =	simm.s32 @!p2 $0x5000  }
0x1ec: {  	[tilespmem:s22], [sflag:$0x2] =	stream.indirect.gather @!p2 [hbm4b:s2+s19], $0x80, s20, s19, $0xb8;
	[tilespmem:$0x1D000] =	vst v63  }
0x1ed: {  	s25 =	simm.s32 @!p3 $0x1000;
	s19 =	simm.s32 @!p3 $0x80;
	_ =	swait.ge @!p3 [sflag:s17], $0x4000  }
0x1ee: {  	s20 =	simm.s32 @!p3 $0xE00;
	p2 =	sge.u32 @!p3 s18, s26;
	[sflag:s17] =	ssyncset.done @!p3 $0x0  }
0x1ef: {  	s22 =	simm.s32 @!p3 $0x5;
	p4 =	por p2, p3;
	[sflag:s17] =	ssyncadd.s32 @!p3 $0xFFFFC000  }
0x1f0: {  	[spmem:s4] =	stream.indirect.scatter.add.f32 @!p3 [tilespmem:s25], [sflag:$0x5], $0x80, s20, s19, $0xb8;
	[tilespmem:$0x1D000] =	vst v63  }
0x1f1: {  	p2 =	sge.u32 s15, s9;
	s18 =	simm.s32 @!p4 $0x700;
	_ =	swait.ge @!p3 [sflag:s22], $0x4000  }
0x1f2: {  	p5 =	sge.u32 @!p2 s15, s26;
	s15 =	simm.s32 @!p4 $0x1000;
	[sflag:s22] =	ssyncset.done @!p3 $0x0  }
0x1f3: {  	s17 =	simm.s32 @!p4 $0x80;
	s19 =	simm.s32 @!p2 $0x2;
	[sflag:s22] =	ssyncadd.s32 @!p3 $0xFFFFC000  }
0x1f4: {  	[tilespmem:s15], [sflag:$0x1] =	stream.indirect.gather @!p4 [hbm4b:s2+s17], $0x80, s18, s17, $0xb8;
	[tilespmem:$0x1D000] =	vst v63  }
0x1f5: {  	s20 =	simm.s32 @!p2 $0x5000;
	_ =	swait.ge @!p2 [sflag:s19], $0x4000  }
0x1f6: {  	p3 =	por p5, p2;
	s15 =	simm.s32 @!p2 $0x80;
	[sflag:s19] =	ssyncset.done @!p2 $0x0  }
0x1f7: {  	s17 =	simm.s32 @!p2 $0xE80;
	s18 =	simm.s32 @!p2 $0x5;
	[sflag:s19] =	ssyncadd.s32 @!p2 $0xFFFFC000  }
0x1f8: {  	[spmem:s4] =	stream.indirect.scatter.add.f32 @!p2 [tilespmem:s20], [sflag:$0x5], $0x80, s17, s15, $0xb8;
	[tilespmem:$0x1D000] =	vst v63  }
0x1f9: {  	s19 =	simm.s32 @!p3 $0x780;
	_ =	swait.ge @!p2 [sflag:s18], $0x4000  }
0x1fa: {  	s15 =	simm.s32 @!p3 $0x5000;
	[sflag:s18] =	ssyncset.done @!p2 $0x0;
	s22 =	rddreg [dreg:$0x7]  }
0x1fb: {  	[sflag:s18] =	ssyncadd.s32 @!p2 $0xFFFFC000;
	s18 =	simm.s32 @!p3 $0x80;
	p2 =	sge.u32 s16, s22  }
0x1fc: {  	[tilespmem:s15], [sflag:$0x2] =	stream.indirect.gather @!p3 [hbm4b:s2+s18], $0x80, s19, s18, $0xb8;
	[tilespmem:$0x1D000] =	vst v63  }
0x1fd: {  	s15 =	simm.s32 @!p2 $0x1  }
0x1fe: {  	_ =	swait.ge @!p2 [sflag:s15], $0x4000  }
0x1ff: {  	s17 =	simm.s32 @!p2 $0x1000;
	s18 =	simm.s32 @!p2 $0x80;
	[sflag:s15] =	ssyncset.done @!p2 $0x0  }
0x200: {  	s19 =	simm.s32 @!p2 $0xF00;
	s20 =	simm.s32 @!p2 $0x5;
	[sflag:s15] =	ssyncadd.s32 @!p2 $0xFFFFC000  }
0x201: {  	[spmem:s4] =	stream.indirect.scatter.add.f32 @!p2 [tilespmem:s17], [sflag:$0x5], $0x80, s19, s18, $0xb8;
	[tilespmem:$0x1D000] =	vst v63  }
0x202: {  	_ =	swait.ge @!p2 [sflag:s20], $0x4000  }
0x203: {  	s12 =	sadd.s32 $0x10, s12;
	[sflag:s20] =	ssyncset.done @!p2 $0x0;
	s25 =	rddreg [dreg:$0x8]  }
0x204: {  	p1 =	seq.s32 s12, $0xAD;
	[sflag:s20] =	ssyncadd.s32 @!p2 $0xFFFFC000;
	p2 =	sge.u32 s16, s25  }
.Ltmp13:
0x205: {  	s15 =	simm.s32 @!p2 $0x2;
	(pc) =	sbr.rel @!p1 .LBB2_5-.Ltmp13, $4  }
0x206: {  	s13 =	sadd.s32 $0x100, s13;
	_ =	swait.ge @!p2 [sflag:s15], $0x4000  }
0x207: {  	s17 =	simm.s32 @!p2 $0x5000;
	s18 =	simm.s32 @!p2 $0x80;
	[sflag:s15] =	ssyncset.done @!p2 $0x0  }
0x208: {  	s19 =	simm.s32 @!p2 $0xF80;
	s16 =	simm.s32 @!p2 $0x5;
	[sflag:s15] =	ssyncadd.s32 @!p2 $0xFFFFC000  }
0x209: {  	[spmem:s4] =	stream.indirect.scatter.add.f32 @!p2 [tilespmem:s17], [sflag:$0x5], $0x80, s19, s18, $0xb8;
	[tilespmem:$0x1D000] =	vst v63  }
.Ltmp14:
0x20a: {  	(pc) =	sbr.rel .LBB2_19-.Ltmp14, $4  }
0x20b: {  	_ = 	snop  }
0x20c: {  	_ =	swait.ge @!p2 [sflag:s16], $0x4000  }
0x20d: {  	[sflag:s16] =	ssyncset.done @!p2 $0x0  }
0x20e: {  	s20 =	stileid.u32;
	s22 =	sld [smem:$0x7F8];
	[sflag:s16] =	ssyncadd.s32 @!p2 $0xFFFFC000  }
.LBB2_20:
0x20f: {  	_ =	sfence.sel $0x180000  }
0x210: {  	[bflag:$0x0] =	sbarrier.arrive $0xFFFF  }
0x211: {  	_ =	strace $0x9000004A  }
0x212: {  	[bflag:$0x2] =	sbarrier.arrive $0xFFFF  }
0x213: {  	p0 =	sne.s32 s20, $0x0;
	s0 =	rddreg [dreg:$0x4]  }
0x214: {  	s0 =	sadd.s32 @!p0 $0x100000, s0  }
0x215: {  	[sflag:s0] =	ssyncadd.tile.s32 @!p0 $0x1;
	_ =	shalt  }
.Lfunc_end2:
_tile_overlayer_lowered:
.L_overlay_start_2:
0x216: {  	(tag) =	ssettag $0x2  }
0x217: {  	s0 =	rddreg [dreg:$0x0];
	s2 =	stileid.u32  }
0x218: {  	s1 =	rddreg [dreg:$0x1];
	p0 =	sne.s32 s2, $0x0  }
0x219: {  	s3 =	rddreg [dreg:$0x2];
	[bflag:$0x3] =	sbarrier.arrive $0xFFFF;
	s2 =	simm.s32 @!p0 $0x1C05  }
0x21a: {  	[timem:s3], [sflag:s2] =	dma.local @!p0 [hbm:s0], s1  }
0x21b: {  	s0 =	simm.s32 @!p0 $0x5  }
0x21c: {  	_ =	swait.ge @!p0 [sflag:s0], s1  }
0x21d: {  	s1 =	ssub.s32 @!p0 $0x0, s1;
	[sflag:s0] =	ssyncset.done @!p0 $0x0  }
0x21e: {  	[sflag:s0] =	ssyncadd.s32 @!p0 s1  }
0x21f: {  	[bflag:$0x3] =	sbarrier.arrive $0xFFFF  }
0x220: {  	_ =	shalt  }

// kernel: kernel.7.cloned.1.call-start
scs
__scs_entry_jumppad:
0x0: {  	(pc) =	sbr.rel $0x88, $3  }
0x1: {  	(tag) =	ssettag $0x0;
	lr =	simm.s32 $0x1  }
0x2: {  	[smem:$0x3F99] =	sst lr;
	_ =	strace $0xD0000000  }
0x3: {  	_ = 	snop  }
0x4: {  	_ = 	snop  }
0x5: {  	_ = 	snop  }
0x6: {  	_ = 	snop  }
0x7: {  	_ = 	snop  }
__scs_overlays_trampoline_lowered:
0x8: {  	[smem:$0x3FA8] =	sst s0  }
0x9: {  	[smem:$0x3FA9] =	sst s1  }
0xa: {  	[smem:$0x3FAA] =	sst s2  }
0xb: {  	[smem:$0x3FAB] =	sst s3  }
0xc: {  	[smem:$0x3FAC] =	sst s4  }
0xd: {  	[smem:$0x3FAD] =	sst s5  }
0xe: {  	[smem:$0x3FAE] =	sst s6  }
0xf: {  	[smem:$0x3FAF] =	sst s7  }
0x10: {  	[smem:$0x3FB0] =	sst s8  }
0x11: {  	[smem:$0x3FB1] =	sst s9;
	s0 =	simm.s32 @!p0 $0x0  }
0x12: {  	s1 =	sld [smem:$0x3F97];
	s0 =	simm.s32 @p0 $0x1  }
0x13: {  	[smem:$0x3FB2] =	sst s0;
	s0 =	simm.s32 @!p1 $0x0  }
0x14: {  	s2 =	sld [smem:$0x3F96];
	s0 =	simm.s32 @p1 $0x1  }
0x15: {  	[smem:$0x3FB3] =	sst s0;
	s0 =	simm.s32 @!p2 $0x0  }
0x16: {  	s3 =	sld [smem:$0x3FDB];
	s0 =	simm.s32 @p2 $0x1  }
0x17: {  	s4 =	simm.s32 $0x1BF5;
	[smem:$0x3FB5] =	sst s0  }
0x18: {  	s0 =	sld [smem:$0x3F98];
	_ =	swait.ge [sflag:s4], $0x0  }
0x19: {  	s7 =	sld [smem:$0x3F99]  }
0x1a: {  	s8 =	sadd.s32 $0xFFFFE003, lr  }
0x1b: {  	s9 =	sadd.s32 $0xFFFFFEF7, lr;
	s5 =	simm.s32 $0xFFFFFFFF;
	p2 =	slt.u32 s8, $0xFFFFF086  }
0x1c: {  	p1 =	slt.u32 s9, $0xF7A;
	s5 =	simm.s32 @!p2 $0x0  }
0x1d: {  	s5 =	simm.s32 @p1 $0x1;
	p0 =	seq.s32 s7, s2  }
0x1e: {  	s7 =	smul.u32 @!p0 $0xF7A, s2;
	p2 =	seq.s32 @!p0 s5, $0x0  }
0x1f: {  	s9 =	smul.u32 $0xF7A, s1;
	s8 =	simm.s32 @!p0 $0x1BF5;
	p2 =	por !p2, p0  }
0x20: {  	[sflag:s8] =	ssyncset.s32 @!p0 $0xFFFFF086;
	s6 =	sadd.s32 @!p0 s3, s7;
	s7 =	simm.s32 @!p0 $0x108  }
0x21: {  	s3 =	sadd.s32 s3, s9;
	s6 =	sadd.s32 @!p0 $0x88, s6;
	s7 =	simm.s32 @p2 $0x1082  }
0x22: {  	[simem:s7], [sflag:s8] =	dma.local @!p0 [hbm:s6], $0xF7A  }
0x23: {  	s9 =	sor.u32 $0xD0000000, s2;
	s6 =	simm.s32 $0x108;
	_ =	swait.ge @!p0 [sflag:s8], $0x0  }
0x24: {  	s3 =	sadd.s32 $0x88, s3;
	s6 =	simm.s32 @!p1 $0x1082;
	[sflag:s4] =	ssyncset.s32 $0xFFFFF086  }
0x25: {  	[simem:s6], [sflag:s4] =	dma.local [hbm:s3], $0xF7A  }
0x26: {  	[smem:$0x3F99] =	sst s1;
	(tag) =	ssettag s2;
	_ =	strace s9  }
0x27: {  	s1 =	sld [smem:$0x3FA9]  }
0x28: {  	s2 =	sld [smem:$0x3FAA]  }
0x29: {  	s4 =	sld [smem:$0x3FAC]  }
0x2a: {  	p0 =	seq.s32 s5, $0x0;
	s5 =	sld [smem:$0x3FAD]  }
0x2b: {  	s6 =	sld [smem:$0x3FAE]  }
0x2c: {  	s7 =	sld [smem:$0x3FAF]  }
0x2d: {  	s3 =	simm.s32 $0x108;
	s8 =	sld [smem:$0x3FB0]  }
0x2e: {  	s3 =	simm.s32 @!p0 $0x1082;
	s9 =	sld [smem:$0x3FB1]  }
0x2f: {  	lr =	sadd.s32 s0, s3;
	s0 =	sld [smem:$0x3FA8]  }
0x30: {  	s3 =	sld [smem:$0x3FAB]  }
0x31: {  	[smem:$0x3FB4] =	sst s10  }
0x32: {  	s10 =	sld [smem:$0x3FB2];
	_ =	sdelay $0x3  }
0x33: {  	p0 =	seq.s32 s10, $0x1;
	s10 =	sld [smem:$0x3FB4];
	_ =	sdelay $0x3  }
0x34: {  	[smem:$0x3FB4] =	sst s10  }
0x35: {  	s10 =	sld [smem:$0x3FB3];
	_ =	sdelay $0x3  }
0x36: {  	p1 =	seq.s32 s10, $0x1;
	s10 =	sld [smem:$0x3FB4];
	_ =	sdelay $0x3  }
0x37: {  	[smem:$0x3FB4] =	sst s10  }
0x38: {  	s10 =	sld [smem:$0x3FB5]  }
0x39: {  	_ = 	snop;
	(pc) =	sbr.ind lr, $3  }
0x3a: {  	_ = 	snop  }
0x3b: {  	_ = 	snop  }
0x3c: {  	p2 =	seq.s32 s10, $0x1;
	s10 =	sld [smem:$0x3FB4]  }
0x3d: {  	_ =	shalt  }
0x3e: {  	_ =	shalt  }
0x3f: {  	_ =	shalt  }
0x40: {  	_ =	shalt  }
0x41: {  	_ =	shalt  }
0x42: {  	_ =	shalt  }
0x43: {  	_ =	shalt  }
0x44: {  	_ =	shalt  }
0x45: {  	_ =	shalt  }
0x46: {  	_ =	shalt  }
0x47: {  	_ =	shalt  }
0x48: {  	_ =	shalt  }
0x49: {  	_ =	shalt  }
0x4a: {  	_ =	shalt  }
0x4b: {  	_ =	shalt  }
0x4c: {  	_ =	shalt  }
0x4d: {  	_ =	shalt  }
0x4e: {  	_ =	shalt  }
0x4f: {  	_ =	shalt  }
0x50: {  	_ =	shalt  }
0x51: {  	_ =	shalt  }
0x52: {  	_ =	shalt  }
0x53: {  	_ =	shalt  }
0x54: {  	_ =	shalt  }
0x55: {  	_ =	shalt  }
0x56: {  	_ =	shalt  }
0x57: {  	_ =	shalt  }
0x58: {  	_ =	shalt  }
0x59: {  	_ =	shalt  }
0x5a: {  	_ =	shalt  }
0x5b: {  	_ =	shalt  }
0x5c: {  	_ =	shalt  }
0x5d: {  	_ =	shalt  }
0x5e: {  	_ =	shalt  }
0x5f: {  	_ =	shalt  }
0x60: {  	_ =	shalt  }
0x61: {  	_ =	shalt  }
0x62: {  	_ =	shalt  }
0x63: {  	_ =	shalt  }
0x64: {  	_ =	shalt  }
0x65: {  	_ =	shalt  }
0x66: {  	_ =	shalt  }
0x67: {  	_ =	shalt  }
0x68: {  	_ =	shalt  }
0x69: {  	_ =	shalt  }
0x6a: {  	_ =	shalt  }
0x6b: {  	_ =	shalt  }
0x6c: {  	_ =	shalt  }
0x6d: {  	_ =	shalt  }
0x6e: {  	_ =	shalt  }
0x6f: {  	_ =	shalt  }
0x70: {  	_ =	shalt  }
0x71: {  	_ =	shalt  }
0x72: {  	_ =	shalt  }
0x73: {  	_ =	shalt  }
0x74: {  	_ =	shalt  }
0x75: {  	_ =	shalt  }
0x76: {  	_ =	shalt  }
0x77: {  	_ =	shalt  }
0x78: {  	_ =	shalt  }
0x79: {  	_ =	shalt  }
0x7a: {  	_ =	shalt  }
0x7b: {  	_ =	shalt  }
0x7c: {  	_ =	shalt  }
0x7d: {  	_ =	shalt  }
0x7e: {  	_ =	shalt  }
0x7f: {  	_ =	shalt  }
0x80: {  	_ =	shalt  }
0x81: {  	_ =	shalt  }
0x82: {  	_ =	shalt  }
0x83: {  	_ =	shalt  }
0x84: {  	_ =	shalt  }
0x85: {  	_ =	shalt  }
0x86: {  	_ =	shalt  }
0x87: {  	_ =	shalt  }
.Lfunc_end0:
.L_simem_size_0:
called_computation_lowered:
.L_overlay_start_0:
0x88: {  	s2 =	sld [smem:$0x3FD9]  }
0x89: {  	s3 =	sld [smem:$0x3FFE];
	_ =	sdelay $0x1  }
0x8a: {  	s1 =	srdreg.scid  }
0x8b: {  	s0 =	sand.u32 $0x1, s1  }
0x8c: {  	s16 =	sshll.u32 s0, $0xA;
	s2 =	sadd.s32 s3, s2  }
0x8d: {  	s2 =	sadd.s32 s2, s16  }
0x8e: {  	[smem:$0x3FC0] =	sst s2  }
0x8f: {  	_ = 	snop  }
0x90: {  	(tm) =	ssettm $0x1  }
0x91: {  	s17 =	sld [smem:$0x3FFB];
	_ =	sdelay $0x3  }
0x92: {  	_ =	strace s17  }
0x93: {  	s2 =	sld [smem:$0x3FFC];
	_ =	sdelay $0x3  }
0x94: {  	_ =	strace s2  }
0x95: {  	s2 =	sld [smem:$0x3FFD];
	_ =	sdelay $0x3  }
0x96: {  	_ =	strace s2  }
0x97: {  	_ =	strace $0x8FFFFFFF  }
0x98: {  	s18 =	sld [smem:$0x3FDB];
	_ =	sdelay $0x1  }
0x99: {  	s19 =	simm.s32 $_scs_section_size  }
0x9a: {  	s4 =	simm.s32 $_size__tile_overlayer_lowered;
	s5 =	simm.s32 $_tile_overlayer_lowered  }
0x9b: {  	s22 =	simm.s32 $0x1BFF;
	s21 =	sshll.u32 s5, $0x1;
	s2 =	sadd.s32 s19, s18  }
0x9c: {  	s6 =	simm.s32 $0x0;
	s20 =	sshll.u32 s4, $0x1;
	s4 =	sadd.s32 s21, s2  }
0x9d: {  	[timem:s6], [sflag:s22] =	dma.local [hbm:s4], s20  }
0x9e: {  	_ =	swait.ge [sflag:s22], s20  }
0x9f: {  	s3 =	ssub.s32 $0x0, s20;
	[sflag:s22] =	ssyncset.done $0x0  }
0xa0: {  	[sflag:s22] =	ssyncadd.s32 s3;
	_ =	sdelay $0x1  }
0xa1: {  	s23 =	simm.s32 $0x1B8B  }
0xa2: {  	_ =	swait.ge [sflag:s23], $0x1  }
0xa3: {  	[sflag:s23] =	ssyncset.done $0x0  }
0xa4: {  	s25 =	simm.s32 $0x1B8E;
	s24 =	sld [smem:$0x3FFE];
	[sflag:s23] =	ssyncadd.s32 $0xFFFFFFFF  }
0xa5: {  	s26 =	simm.s32 $execute0_lowered;
	[smem:$0x3FD2] =	sst s25  }
0xa6: {  	s4 =	sshll.u32 s26, $0x1;
	_ =	strace $0x80000046;
	[dreg:$0x1] =	wrdreg $0xFFFFFFFF  }
0xa7: {  	s28 =	simm.s32 $_size_execute0_lowered;
	s2 =	sadd.s32 s2, s4;
	[dreg:$0x0] =	wrdreg $0x0  }
0xa8: {  	s4 =	sshll.u32 s28, $0x1;
	[dreg:$0x2] =	wrdreg s2  }
0xa9: {  	[dreg:$0x3] =	wrdreg s4  }
0xaa: {  	[dreg:$0x4] =	wrdreg $0xC0  }
0xab: {  	_ =	task [dreg:s6], $0x5FFFF  }
0xac: {  	[dreg:$0x1] =	wrdreg $0xFFFFFFFF  }
0xad: {  	[dreg:$0x0] =	wrdreg $0x60  }
0xae: {  	[dreg:$0x2] =	wrdreg s24  }
0xaf: {  	[dreg:$0x3] =	wrdreg $0xA7800  }
0xb0: {  	[dreg:$0x4] =	wrdreg $0x9  }
0xb1: {  	_ =	task.clear_ibuf [dreg:s6], $0x5FFFF;
	_ =	strace $0x90000046  }
0xb2: {  	s29 =	simm.s32 $0x9;
	_ =	strace $0x80000048  }
0xb3: {  	_ =	swait.ge [sflag:s29], $0x1  }
0xb4: {  	[sflag:s29] =	ssyncadd.s32 $0xFFFFFFFF  }
0xb5: {  	_ =	strace $0x90000048  }
0xb6: {  	_ =	sfence  }
0xb7: {  	s30 =	sld [smem:$0x0];
	_ =	sdelay $0x2  }
0xb8: {  	s31 =	sshll.u32 s1, $0xD;
	s1 =	sshrl.u32 s1, $0x2  }
0xb9: {  	s3 =	sand.u32 $0x4000, s31;
	s1 =	sadd.s32 s1, s30  }
0xba: {  	s0 =	sor.u32 s3, s0;
	s1 =	sshll.u32 s1, $0x11  }
0xbb: {  	s0 =	sor.u32 s1, s0  }
0xbc: {  	s0 =	sadd.s32 $0x8F2B, s0  }
0xbd: {  	[sflag:s0] =	ssyncadd.remote.s32 $0x1  }
0xbe: {  	_ =	sfence.sel $0xFFFF  }
0xbf: {  	[dreg:$0x0] =	wrdreg $0xFFFFFFFF;
	(pc) =	sbr.abs _section_cstart, $3  }
0xc0: {  	[dreg:$0x1] =	wrdreg $0xFFFFFFFF  }
0xc1: {  	_ =	task.clear_ibuf [dreg:s6], $0x2FFFF;
	_ =	strace $0x9FFFFFFF  }
0xc2: {  	(tm) =	ssettm $0x7FFFFFFF  }
0xc3: {  	_ =	shalt  }
tec
execute0_lowered:
.L_overlay_start_1:
0x0: {  	(tag) =	ssettag $0x1  }
0x1: {  	s0 =	srdreg.scid  }
0x2: {  	s4 =	sand.u32 $0x1, s0  }
0x3: {  	s0 =	stileid.u32;
	s1 =	smul.u32 $0x4E2, s4  }
0x4: {  	s3 =	smul.u32 $0x4E, s0  }
0x5: {  	s5 =	rddreg [dreg:$0x0];
	s24 =	smul.u32 $0x28000, s4  }
0x6: {  	s2 =	rddreg [dreg:$0x1];
	s9 =	smul.u32 $0x280, s0  }
0x7: {  	s7 =	smin.u32 s0, $0x2;
	s8 =	ssub.s32 $0x2, s4;
	s26 =	smul.u32 $0x50000, s0  }
0x8: {  	p0 =	slt.u32 s0, $0x2;
	s4 =	simm.s32 $0x4F;
	s18 =	smul.u32 $0x2800, s0  }
0x9: {  	s25 =	sshrl.u32 s8, $0x1;
	s4 =	simm.s32 @!p0 $0x4E;
	s6 =	sadd.s32 s3, s1  }
0xa: {  	s1 =	rddreg [dreg:$0x2];
	s3 =	simm.s32 $0x0;
	s11 =	sadd.s32 s24, s5  }
0xb: {  	s12 =	ssub.s32 s8, s25;
	s13 =	sadd.s32 $0x80, s9;
	s28 =	sshrl.u32 s26, $0x2  }
0xc: {  	s14 =	sadd.s32 $0x100, s9;
	s15 =	sadd.s32 $0x180, s9;
	s16 =	sadd.s32 $0x200, s9  }
0xd: {  	s6 =	sadd.s32 s7, s6;
	[smem:$0x7FF] =	sst s3;
	s29 =	sshll.u32 s13, $0x7  }
0xe: {  	s30 =	sshll.u32 s14, $0x7;
	s31 =	sshll.u32 s15, $0x7;
	s10 =	sshll.u32 s16, $0x7  }
0xf: {  	s17 =	sadd.s32 $0x17800, s11;
	s19 =	sshll.u32 s13, $0x4;
	s20 =	sshll.u32 s14, $0x4  }
0x10: {  	s21 =	sshll.u32 s15, $0x4;
	s22 =	sshll.u32 s16, $0x4;
	s11 =	smax.u32 s12, $0x1  }
0x11: {  	s12 =	simm.s32 $0x2;
	s6 =	sshll.u32 s6, $0x4;
	_ =	strace $0x80000047  }
0x12: {  	s7 =	sadd.s32 s29, s2;
	s8 =	sadd.s32 s30, s2;
	s9 =	sadd.s32 s31, s2  }
0x13: {  	s10 =	sadd.s32 s10, s2;
	s13 =	sadd.s32 s18, s17;
	s14 =	sadd.s32 s19, s17  }
0x14: {  	s15 =	sadd.s32 s20, s17;
	s16 =	sadd.s32 s21, s17;
	s6 =	sadd.s32 s6, s5  }
0x15: {  	v0 =	vimm.f32 $0.0e+00;
	v1 =	vimm.f32 $1.000000000e+00;
	s17 =	sadd.s32 s22, s17;
	s5 =	sadd.s32 $0xDA00, s6;
	s6 =	sadd.s32 s28, s2  }
.LBB2_1:
0x16: {  	s18 =	simm.s32 $0x0;
	s19 =	simm.s32 $0x200  }
.LBB2_2:
0x17: {  	p0 =	sne.s32 s19, $0xFE00;
	[tilespmem:s18+$0x67F0] =	vst v1  }
0x18: {  	[tilespmem:s18+$0x0] =	vst v0  }
0x19: {  	[tilespmem:s18+$0x6780] =	vst v1  }
0x1a: {  	[tilespmem:s18+$0x10] =	vst v0  }
0x1b: {  	[tilespmem:s18+$0x6790] =	vst v1  }
0x1c: {  	[tilespmem:s18+$0x20] =	vst v0  }
0x1d: {  	[tilespmem:s18+$0x67A0] =	vst v1  }
0x1e: {  	[tilespmem:s18+$0x30] =	vst v0  }
0x1f: {  	[tilespmem:s18+$0x67B0] =	vst v1  }
0x20: {  	[tilespmem:s18+$0x40] =	vst v0  }
0x21: {  	[tilespmem:s18+$0x67C0] =	vst v1  }
.Ltmp0:
0x22: {  	[tilespmem:s18+$0x50] =	vst v0;
	(pc) =	sbr.rel @p0 .LBB2_2-.Ltmp0, $4  }
0x23: {  	[tilespmem:s18+$0x67D0] =	vst v1  }
0x24: {  	[tilespmem:s18+$0x60] =	vst v0  }
0x25: {  	[tilespmem:s18+$0x67E0] =	vst v1  }
0x26: {  	[tilespmem:s18+$0x70] =	vst v0;
	s18 =	sshra.s32 s19, $0x2;
	s19 =	sadd.s32 $0x200, s19  }
0x27: {  	[tilespmem:s18+$0x67F0] =	vst v1  }
0x28: {  	[tilespmem:s18+$0x0] =	vst v0  }
0x29: {  	[tilespmem:s18+$0x6780] =	vst v1  }
0x2a: {  	[tilespmem:s18+$0x10] =	vst v0  }
0x2b: {  	[tilespmem:s18+$0x6790] =	vst v1  }
0x2c: {  	[tilespmem:s18+$0x20] =	vst v0  }
0x2d: {  	[tilespmem:s18+$0x67A0] =	vst v1  }
0x2e: {  	[tilespmem:s18+$0x30] =	vst v0  }
0x2f: {  	[tilespmem:s18+$0x67B0] =	vst v1  }
0x30: {  	[tilespmem:s18+$0x40] =	vst v0  }
0x31: {  	[tilespmem:s18+$0x67C0] =	vst v1  }
0x32: {  	[tilespmem:s18+$0x50] =	vst v0  }
0x33: {  	[tilespmem:s18+$0x67D0] =	vst v1  }
0x34: {  	[tilespmem:s18+$0x60] =	vst v0  }
0x35: {  	[tilespmem:s18+$0x67E0] =	vst v1  }
0x36: {  	[tilespmem:s18+$0x70] =	vst v0;
	s19 =	simm.s32 $0x0;
	s18 =	simm.s32 $0x4000  }
0x37: {  	[tilespmem:s18], [sflag:$0x2] =	stream.linear.gather [hbm4b:s5+s19], $0x2780, $0x38;
	[tilespmem:$0x1E780] =	vst v63  }
0x38: {  	_ =	swait.ge [sflag:s12], $0x2780  }
0x39: {  	[sflag:s12] =	ssyncset.done $0x0  }
0x3a: {  	[sflag:s12] =	ssyncadd.s32 $0xFFFFD880  }
0x3b: {  	[spmem:s6] =	stream.linear.scatter [tilespmem:s19], [sflag:$0x2], $0x4000, $0x38;
	[tilespmem:$0x1E780] =	vst v63  }
0x3c: {  	_ =	swait.ge [sflag:s12], $0x4000  }
0x3d: {  	[sflag:s12] =	ssyncset.done $0x0  }
0x3e: {  	[sflag:s12] =	ssyncadd.s32 $0xFFFFC000  }
0x3f: {  	[spmem:s7] =	stream.linear.scatter [tilespmem:s19], [sflag:$0x2], $0x4000, $0x38;
	[tilespmem:$0x1E780] =	vst v63  }
0x40: {  	_ =	swait.ge [sflag:s12], $0x4000  }
0x41: {  	[sflag:s12] =	ssyncset.done $0x0  }
0x42: {  	[sflag:s12] =	ssyncadd.s32 $0xFFFFC000  }
0x43: {  	[spmem:s8] =	stream.linear.scatter [tilespmem:s19], [sflag:$0x2], $0x4000, $0x38;
	[tilespmem:$0x1E780] =	vst v63  }
0x44: {  	_ =	swait.ge [sflag:s12], $0x4000  }
0x45: {  	[sflag:s12] =	ssyncset.done $0x0  }
0x46: {  	[sflag:s12] =	ssyncadd.s32 $0xFFFFC000  }
0x47: {  	[spmem:s9] =	stream.linear.scatter [tilespmem:s19], [sflag:$0x2], $0x4000, $0x38;
	[tilespmem:$0x1E780] =	vst v63  }
0x48: {  	_ =	swait.ge [sflag:s12], $0x4000  }
0x49: {  	[sflag:s12] =	ssyncset.done $0x0  }
0x4a: {  	[sflag:s12] =	ssyncadd.s32 $0xFFFFC000  }
0x4b: {  	[spmem:s10] =	stream.linear.scatter [tilespmem:s19], [sflag:$0x2], $0x4000, $0x38;
	[tilespmem:$0x1E780] =	vst v63  }
0x4c: {  	_ =	swait.ge [sflag:s12], $0x4000  }
0x4d: {  	p0 =	sle.u32 s4, $0x0;
	[sflag:s12] =	ssyncset.done $0x0  }
0x4e: {  	s20 =	simm.s32 $0x4080;
	s21 =	simm.s32 @!p0 $0x80;
	[sflag:s12] =	ssyncadd.s32 $0xFFFFC000  }
0x4f: {  	s22 =	simm.s32 @!p0 $0x6780;
	s19 =	simm.s32 $0x1;
	[bflag:$0x0] =	sbarrier.arrive $0xFFFF  }
.LBB2_4:
0x50: {  	[spmem:s2] =	stream.indirect.scatter.add.f32 @!p0 [tilespmem:s22], [sflag:$0x1], $0x80, s18, s21, $0xb8;
	[tilespmem:$0x1E780] =	vst v63  }
0x51: {  	s21 =	smov.u32 s19;
	s19 =	sadd.s32 $0x1, s19  }
0x52: {  	p1 =	sne.s32 s19, $0x4F  }
.Ltmp1:
0x53: {  	(pc) =	sbr.rel @p1 .LBB2_4-.Ltmp1, $3  }
0x54: {  	s18 =	smov.u32 s20;
	_ =	sdelay $0x1  }
0x55: {  	p0 =	sge.u32 s21, s4  }
0x56: {  	s20 =	sadd.s32 $0x80, s20;
	s21 =	simm.s32 @!p0 $0x80;
	s22 =	simm.s32 @!p0 $0x6780  }
0x57: {  	[spmem:s2] =	stream.indirect.scatter.add.f32 @!p0 [tilespmem:s22], [sflag:$0x1], $0x80, s18, s21, $0xb8;
	[tilespmem:$0x1E780] =	vst v63  }
0x58: {  	p0 =	sle.u32 s4, $0x0  }
0x59: {  	s19 =	simm.s32 @!p0 $0x1  }
0x5a: {  	_ =	swait.ge @!p0 [sflag:s19], $0x4000  }
0x5b: {  	s18 =	simm.s32 $0x1;
	[sflag:s19] =	ssyncset.done @!p0 $0x0  }
.LBB2_6:
0x5c: {  	[sflag:s19] =	ssyncadd.s32 @!p0 $0xFFFFC000;
	s19 =	smov.u32 s18;
	s18 =	sadd.s32 $0x1, s18  }
0x5d: {  	p1 =	sne.s32 s18, $0x4F  }
.Ltmp2:
0x5e: {  	(pc) =	sbr.rel @p1 .LBB2_6-.Ltmp2, $4  }
0x5f: {  	p0 =	sge.u32 s19, s4  }
0x60: {  	s19 =	simm.s32 @!p0 $0x1  }
0x61: {  	_ =	swait.ge @!p0 [sflag:s19], $0x4000  }
0x62: {  	[sflag:s19] =	ssyncset.done @!p0 $0x0  }
0x63: {  	[sflag:s19] =	ssyncadd.s32 @!p0 $0xFFFFC000;
	s18 =	sshll.u32 s0, $0x6  }
0x64: {  	s26 =	sshrl.u32 s6, $0x3;
	[bflag:$0x0] =	sbarrier.arrive $0xFFFF;
	s18 =	sor.u32 $0x1C02, s18  }
0x65: {  	[hbm:s13], [sflag:s18] =	dma.local [spmem:s26], $0x800  }
0x66: {  	_ =	swait.ge [sflag:s12], $0x800  }
0x67: {  	[sflag:s12] =	ssyncset.done $0x0  }
0x68: {  	s28 =	sshrl.u32 s7, $0x3;
	[sflag:s12] =	ssyncadd.s32 $0xFFFFF800  }
0x69: {  	[hbm:s14], [sflag:s18] =	dma.local [spmem:s28], $0x800  }
0x6a: {  	_ =	swait.ge [sflag:s12], $0x800  }
0x6b: {  	[sflag:s12] =	ssyncset.done $0x0  }
0x6c: {  	s29 =	sshrl.u32 s8, $0x3;
	[sflag:s12] =	ssyncadd.s32 $0xFFFFF800  }
0x6d: {  	[hbm:s15], [sflag:s18] =	dma.local [spmem:s29], $0x800  }
0x6e: {  	_ =	swait.ge [sflag:s12], $0x800  }
0x6f: {  	[sflag:s12] =	ssyncset.done $0x0  }
0x70: {  	s30 =	sshrl.u32 s9, $0x3;
	[sflag:s12] =	ssyncadd.s32 $0xFFFFF800  }
0x71: {  	[hbm:s16], [sflag:s18] =	dma.local [spmem:s30], $0x800  }
0x72: {  	s3 =	sadd.s32 $0x1, s3;
	_ =	swait.ge [sflag:s12], $0x800  }
0x73: {  	p0 =	sne.s32 s3, s11;
	[sflag:s12] =	ssyncset.done $0x0  }
.Ltmp3:
0x74: {  	s31 =	sshrl.u32 s10, $0x3;
	[sflag:s12] =	ssyncadd.s32 $0xFFFFF800;
	(pc) =	sbr.rel @p0 .LBB2_1-.Ltmp3, $4  }
0x75: {  	[hbm:s17], [sflag:s18] =	dma.local [spmem:s31], $0x800  }
0x76: {  	_ =	swait.ge [sflag:s12], $0x800  }
0x77: {  	[sflag:s12] =	ssyncset.done $0x0  }
0x78: {  	[sflag:s12] =	ssyncadd.s32 $0xFFFFF800  }
0x79: {  	_ =	sfence.sel $0x180000  }
0x7a: {  	[bflag:$0x0] =	sbarrier.arrive $0xFFFF  }
0x7b: {  	p0 =	sne.s32 s0, $0x0;
	_ =	strace $0x90000047  }
0x7c: {  	s0 =	sadd.s32 @!p0 $0x100000, s1;
	[bflag:$0x2] =	sbarrier.arrive $0xFFFF  }
0x7d: {  	[sflag:s0] =	ssyncadd.tile.s32 @!p0 $0x1;
	_ =	shalt  }
.Lfunc_end2:
_tile_overlayer_lowered:
.L_overlay_start_2:
0x7e: {  	(tag) =	ssettag $0x2  }
0x7f: {  	s0 =	rddreg [dreg:$0x0];
	s2 =	stileid.u32  }
0x80: {  	s1 =	rddreg [dreg:$0x1];
	p0 =	sne.s32 s2, $0x0  }
0x81: {  	s3 =	rddreg [dreg:$0x2];
	[bflag:$0x3] =	sbarrier.arrive $0xFFFF;
	s2 =	simm.s32 @!p0 $0x1C02  }
0x82: {  	[timem:s3], [sflag:s2] =	dma.local @!p0 [hbm:s0], s1  }
0x83: {  	s0 =	simm.s32 @!p0 $0x2  }
0x84: {  	_ =	swait.ge @!p0 [sflag:s0], s1  }
0x85: {  	s1 =	ssub.s32 @!p0 $0x0, s1;
	[sflag:s0] =	ssyncset.done @!p0 $0x0  }
0x86: {  	[sflag:s0] =	ssyncadd.s32 @!p0 s1  }
0x87: {  	[bflag:$0x3] =	sbarrier.arrive $0xFFFF  }
0x88: {  	_ =	shalt  }

</sc_bundles>
